<compile_context>
chip_gen: v7x
topology: tpu7x:2x2x1
jax: 0.10.2.dev20260603
libtpu: 0.0.44.dev20260713+nightly
codegen_flags: <defaults>
</compile_context>

<pallas_src>
import functools

import jax
import jax.numpy as jnp
from jax import lax
from jax.experimental import pallas as pl
from jax.experimental.pallas import tpu as pltpu
from jax.experimental.pallas import tpu_sc as plsc

N_NODES = 10000
D = 256
DH = 128

NC = 2
NT = 16
K = 128
NCH = 80
EPT = NCH * K
E_PAD = NT * EPT

DEG_ROWS = 10112
DZR = DEG_ROWS // NT
TRASH = N_NODES

ACC_ROWS = 10112
ZROWS = ACC_ROWS // NT

BM = 1000
GRID = N_NODES // BM

_MESH = plsc.VectorSubcoreMesh(core_axis_name="c", subcore_axis_name="s")


@functools.partial(
    pl.kernel,
    mesh=_MESH,
    out_type=jax.ShapeDtypeStruct((DEG_ROWS, DH), jnp.float32),
    scratch_types=[
        pltpu.VMEM((NCH, K), jnp.int32),
        pltpu.VMEM((K, DH), jnp.float32),
        pltpu.VMEM_SHARED((DEG_ROWS, DH), jnp.float32),
    ],
)
def _deg_kernel(col_hbm, ones_hbm, zeros_hbm, out_hbm, colv, onesv, hist):
    c = lax.axis_index("c")
    s = lax.axis_index("s")

    @pl.when(c == 0)
    def _():
        pltpu.sync_copy(col_hbm.at[s], colv)
        pltpu.sync_copy(ones_hbm, onesv)
        pltpu.sync_copy(zeros_hbm, hist.at[pl.ds(s * DZR, DZR)])
        plsc.subcore_barrier()

        def body(j, carry):
            pltpu.sync_copy(onesv, hist.at[colv.at[j]], add=True)
            return carry

        lax.fori_loop(0, NCH, body, 0)
        plsc.subcore_barrier()
        pltpu.sync_copy(hist.at[pl.ds(s * DZR, DZR)],
                        out_hbm.at[pl.ds(s * DZR, DZR)])


@functools.partial(
    pl.kernel,
    mesh=_MESH,
    out_type=jax.ShapeDtypeStruct((NC, ACC_ROWS, DH), jnp.float32),
    scratch_types=[
        pltpu.VMEM((NCH // 2, K), jnp.int32),
        pltpu.VMEM((NCH // 2, K), jnp.int32),
        pltpu.VMEM((K, DH), jnp.float32),
        pltpu.VMEM((K, DH), jnp.float32),
        pltpu.SemaphoreType.DMA,
        pltpu.SemaphoreType.DMA,
        pltpu.VMEM_SHARED((ACC_ROWS, DH), jnp.float32),
    ],
)
def _agg_kernel(g_hbm, row2_hbm, col_hbm, init_hbm, out_hbm,
                rowv, colv, buf_a, buf_b, sem_a, sem_b, acc):
    NH = NCH // 2
    c = lax.axis_index("c")
    s = lax.axis_index("s")
    pltpu.sync_copy(row2_hbm.at[c * NT + s], rowv)
    pltpu.sync_copy(col_hbm.at[s], colv)
    pltpu.sync_copy(init_hbm.at[c].at[pl.ds(s * ZROWS, ZROWS)],
                    acc.at[pl.ds(s * ZROWS, ZROWS)])
    plsc.subcore_barrier()

    pltpu.async_copy(g_hbm.at[rowv.at[0]], buf_a, sem_a)
    pltpu.async_copy(g_hbm.at[rowv.at[1]], buf_b, sem_b)

    def body(jj, carry):
        j0 = 2 * jj
        j1 = j0 + 1
        pltpu.make_async_copy(g_hbm.at[rowv.at[j0]], buf_a, sem_a).wait()
        pltpu.sync_copy(buf_a, acc.at[colv.at[j0]], add=True)

        @pl.when(jj < NH // 2 - 1)
        def _():
            pltpu.async_copy(g_hbm.at[rowv.at[j0 + 2]], buf_a, sem_a)

        pltpu.make_async_copy(g_hbm.at[rowv.at[j1]], buf_b, sem_b).wait()
        pltpu.sync_copy(buf_b, acc.at[colv.at[j1]], add=True)

        @pl.when(jj < NH // 2 - 1)
        def _():
            pltpu.async_copy(g_hbm.at[rowv.at[j1 + 2]], buf_b, sem_b)

        return carry

    lax.fori_loop(0, NH // 2, body, 0)
    plsc.subcore_barrier()
    pltpu.sync_copy(acc.at[pl.ds(s * ZROWS, ZROWS)],
                    out_hbm.at[c].at[pl.ds(s * ZROWS, ZROWS)])


def _rows(i):
    return (i, 0)


def _mm_body(x_ref, w_ref, h_ref):
    h_ref[...] = jnp.dot(x_ref[...], w_ref[...],
                         preferred_element_type=jnp.float32)


def _mm_call(x, W):
    return pl.pallas_call(
        _mm_body,
        grid=(GRID,),
        in_specs=[
            pl.BlockSpec((BM, D), _rows),
            pl.BlockSpec((D, D), lambda i: (0, 0)),
        ],
        out_specs=pl.BlockSpec((BM, D), _rows),
        out_shape=jax.ShapeDtypeStruct((N_NODES, D), jnp.float32),
    )(x, W)


def _scale_body(h_ref, deg_ref, g_ref):
    dinv = lax.rsqrt(deg_ref[:, 0:1] + 1.0)
    g_ref[...] = h_ref[...] * dinv


def _scale_call(h, deg16):
    return pl.pallas_call(
        _scale_body,
        grid=(GRID,),
        in_specs=[
            pl.BlockSpec((BM, D), _rows),
            pl.BlockSpec((BM, 16), _rows),
        ],
        out_specs=pl.BlockSpec((BM, D), _rows),
        out_shape=jax.ShapeDtypeStruct((N_NODES, D), jnp.float32),
    )(h, deg16)


def _fused_body(s0_ref, s1_ref, g_ref, deg_ref, b_ref, w_ref, h_ref, g2_ref):
    dinv = lax.rsqrt(deg_ref[:, 0:1] + 1.0)
    S = jnp.concatenate([s0_ref[...], s1_ref[...]], axis=1)
    h = jnp.maximum(dinv * (S + g_ref[...]) + b_ref[...], 0.0)
    h_ref[...] = h
    g2_ref[...] = jnp.dot(h, w_ref[...],
                          preferred_element_type=jnp.float32) * dinv


def _fused_call(s0, s1, g, deg16, b, W2):
    return pl.pallas_call(
        _fused_body,
        grid=(GRID,),
        in_specs=[
            pl.BlockSpec((BM, DH), _rows),
            pl.BlockSpec((BM, DH), _rows),
            pl.BlockSpec((BM, D), _rows),
            pl.BlockSpec((BM, 16), _rows),
            pl.BlockSpec((1, D), lambda i: (0, 0)),
            pl.BlockSpec((D, D), lambda i: (0, 0)),
        ],
        out_specs=[
            pl.BlockSpec((BM, D), _rows),
            pl.BlockSpec((BM, D), _rows),
        ],
        out_shape=[
            jax.ShapeDtypeStruct((N_NODES, D), jnp.float32),
            jax.ShapeDtypeStruct((N_NODES, D), jnp.float32),
        ],
    )(s0, s1, g, deg16, b, W2)


def _epi_body(s0_ref, s1_ref, g_ref, deg_ref, b_ref, h_ref):
    dinv = lax.rsqrt(deg_ref[:, 0:1] + 1.0)
    S = jnp.concatenate([s0_ref[...], s1_ref[...]], axis=1)
    h_ref[...] = jnp.maximum(dinv * (S + g_ref[...]) + b_ref[...], 0.0)


def _epi_call(s0, s1, g, deg16, b):
    return pl.pallas_call(
        _epi_body,
        grid=(GRID,),
        in_specs=[
            pl.BlockSpec((BM, DH), _rows),
            pl.BlockSpec((BM, DH), _rows),
            pl.BlockSpec((BM, D), _rows),
            pl.BlockSpec((BM, 16), _rows),
            pl.BlockSpec((1, D), lambda i: (0, 0)),
        ],
        out_specs=pl.BlockSpec((BM, D), _rows),
        out_shape=jax.ShapeDtypeStruct((N_NODES, D), jnp.float32),
    )(s0, s1, g, deg16, b)


def kernel(x, edge_index, W1, b1, W2, b2):
    x = x.astype(jnp.float32)
    row = edge_index[0].astype(jnp.int32)
    col = edge_index[1].astype(jnp.int32)
    pad = E_PAD - row.shape[0]
    rowp = jnp.concatenate([row, jnp.zeros((pad,), jnp.int32)])
    colp = jnp.concatenate([col, jnp.full((pad,), TRASH, jnp.int32)])
    row2 = jnp.stack([rowp * 2, rowp * 2 + 1]).reshape(NC * NT, NCH, K)
    col3 = colp.reshape(NT, NCH, K)

    NH = NCH // 2
    row2a, row2b = row2[:, :NH], row2[:, NH:]
    col3a, col3b = col3[:, :NH], col3[:, NH:]

    ones_k = jnp.ones((K, DH), jnp.float32)
    zeros_deg = jnp.zeros((DZR, DH), jnp.float32)
    zeros_init = jnp.zeros((NC, ACC_ROWS, DH), jnp.float32)

    deg16 = _deg_kernel(col3, ones_k, zeros_deg)[:N_NODES, :16]
    h1r = _mm_call(x, W1)
    g1 = _scale_call(h1r, deg16)

    g1r = g1.reshape(2 * N_NODES, DH)
    S1 = _agg_kernel(g1r, row2b, col3b,
                     _agg_kernel(g1r, row2a, col3a, zeros_init))
    h1, g2 = _fused_call(S1[0, :N_NODES], S1[1, :N_NODES], g1, deg16,
                         b1.reshape(1, D), W2)
    g2r = g2.reshape(2 * N_NODES, DH)
    S2 = _agg_kernel(g2r, row2b, col3b,
                     _agg_kernel(g2r, row2a, col3a, zeros_init))
    h2 = _epi_call(S2[0, :N_NODES], S2[1, :N_NODES], g2, deg16,
                   b2.reshape(1, D))
    return jnp.concatenate([h1, h2], axis=1)

# --- scband reference (transcript-rebuilt; emitter-appended) ---
"""Pipeline reference for scband-gcnencoder-42640435314989 (READ-ONLY COPY).

The authoritative reference and input builder live on the scoring server;
editing this copy changes nothing except your own understanding.
"""

import jax, jax.numpy as jnp
import numpy as np

N_NODES = 10000
N_EDGES = 160000
D_IN = 256
D_HID = 256


def setup_inputs(seed: int = 0) -> dict:
    key = jax.random.key(seed)
    k1, k2, k3 = jax.random.split(key, 3)
    x = jax.random.normal(k1, (N_NODES, D_IN), dtype=jnp.float32)
    edge_index = jax.random.randint(k2, (2, N_EDGES), 0, N_NODES, dtype=jnp.int64)
    kw1, kw2 = jax.random.split(k3)
    # glorot-style init like PyG GCNConv
    s1 = (6.0 / (D_IN + D_HID)) ** 0.5
    s2 = (6.0 / (D_HID + D_HID)) ** 0.5
    W1 = jax.random.uniform(kw1, (D_IN, D_HID), dtype=jnp.float32, minval=-s1, maxval=s1)
    W2 = jax.random.uniform(kw2, (D_HID, D_HID), dtype=jnp.float32, minval=-s2, maxval=s2)
    b1 = jnp.zeros((D_HID,), dtype=jnp.float32)
    b2 = jnp.zeros((D_HID,), dtype=jnp.float32)
    return {"x": x, "edge_index": edge_index, "W1": W1, "b1": b1, "W2": W2, "b2": b2}


def _gcn_conv(x, row, col, W, b, n_nodes):
    # GCNConv: x' = D^{-1/2} (A + I) D^{-1/2} (x W) + b  (add_self_loops=True, normalize=True)
    h = x @ W
    loop = jnp.arange(n_nodes, dtype=row.dtype)
    row2 = jnp.concatenate([row, loop])
    col2 = jnp.concatenate([col, loop])
    ew = jnp.ones((row2.shape[0],), dtype=h.dtype)
    deg = jnp.zeros((n_nodes,), dtype=h.dtype).at[col2].add(ew)
    dinv = jnp.where(deg > 0, deg ** -0.5, 0.0)
    norm = dinv[row2] * ew * dinv[col2]
    msg = h[row2] * norm[:, None]
    out = jnp.zeros((n_nodes, h.shape[1]), dtype=h.dtype).at[col2].add(msg)
    return out + b


def reference(x, edge_index, W1, b1, W2, b2):
    n_nodes = x.shape[0]
    row = edge_index[0]
    col = edge_index[1]
    h1 = jax.nn.relu(_gcn_conv(x, row, col, W1, b1, n_nodes))
    h2 = jax.nn.relu(_gcn_conv(h1, row, col, W2, b2, n_nodes))
    return jnp.concatenate([h1, h2], axis=1)

if __name__ == "__main__":
    import jax
    _d = setup_inputs()
    print(jax.jit(kernel)(*tuple(_d.values())))

</pallas_src>

<mosaic_0001>
#map = affine_map<(d0, d1) -> (0, 0, 0)>
#map1 = affine_map<(d0, d1) -> (0, 0)>
module attributes {stable_mosaic.version = 14 : i64} {
  func.func @_deg_kernel(%arg0: i32, %arg1: i32, %arg2: memref<16x80x128xi32, #tpu.memory_space<hbm>>, %arg3: memref<128x128xf32, #tpu.memory_space<hbm>>, %arg4: memref<632x128xf32, #tpu.memory_space<hbm>>, %arg5: memref<10112x128xf32, #tpu.memory_space<hbm>>, %arg6: memref<80x128xi32, #tpu.memory_space<vmem>>, %arg7: memref<128x128xf32, #tpu.memory_space<vmem>>, %arg8: memref<10112x128xf32, #tpu.memory_space<vmem_shared>>) attributes {dimension_semantics = [#tpu.dimension_semantics<core_parallel>, #tpu.dimension_semantics<subcore_parallel>], iteration_bounds = array<i64: 2, 16>, scalar_prefetch = 0 : i64, scratch_operands = 3 : i64, tpu.core_type = #tpu.core_type<sc_vector_subcore>, window_params = [{transform_indices = #map}, {transform_indices = #map1}, {transform_indices = #map1}, {transform_indices = #map1}]} {
    %eq3A = arith.constant 0 : i32
    %eq3A_0 = arith.cmpi eq, %arg0, %eq3A : i32
    %convert_element_type3A = arith.extui %eq3A_0 : i1 to i32
    %cond3A = arith.constant 0 : i32
    %cond3A_1 = arith.cmpi ne, %convert_element_type3A, %cond3A : i32
    scf.if %cond3A_1 {
      "tpu.region"() ({
        %run_scoped3A = tpu.sem_alloc : memref<!tpu.dma_semaphore, #tpu.memory_space<semaphore_mem>>
        %dma_start3A = arith.constant 0 : i32
        %dma_start3A_13 = arith.constant 0 : i32
        %dma_start3A_14 = tpu.memref_slice %arg2[%arg1, %dma_start3A, %dma_start3A_13] : memref<16x80x128xi32, #tpu.memory_space<hbm>> -> memref<1x80x128xi32, #tpu.memory_space<hbm>>
        %dma_start3A_15 = tpu.memref_squeeze %dma_start3A_14 : memref<1x80x128xi32, #tpu.memory_space<hbm>> -> memref<80x128xi32, #tpu.memory_space<hbm>>
        %dma_start3A_16 = arith.constant 0 : i32
        %dma_start3A_17 = arith.constant 0 : i32
        %dma_start3A_18 = tpu.memref_slice %arg2[%arg1, %dma_start3A_16, %dma_start3A_17] : memref<16x80x128xi32, #tpu.memory_space<hbm>> -> memref<1x80x128xi32, #tpu.memory_space<hbm>>
        %dma_start3A_19 = tpu.memref_squeeze %dma_start3A_18 : memref<1x80x128xi32, #tpu.memory_space<hbm>> -> memref<80x128xi32, #tpu.memory_space<hbm>>
        tpu.enqueue_dma source(%dma_start3A_19 : memref<80x128xi32, #tpu.memory_space<hbm>>) target(%arg6 : memref<80x128xi32, #tpu.memory_space<vmem>>) target_semaphore(%run_scoped3A : memref<!tpu.dma_semaphore, #tpu.memory_space<semaphore_mem>>)
        %dma_wait3A = arith.constant 0 : i32
        %dma_wait3A_20 = arith.constant 0 : i32
        %dma_wait3A_21 = tpu.memref_slice %arg2[%arg1, %dma_wait3A, %dma_wait3A_20] : memref<16x80x128xi32, #tpu.memory_space<hbm>> -> memref<1x80x128xi32, #tpu.memory_space<hbm>>
        %dma_wait3A_22 = tpu.memref_squeeze %dma_wait3A_21 : memref<1x80x128xi32, #tpu.memory_space<hbm>> -> memref<80x128xi32, #tpu.memory_space<hbm>>
        %dma_wait3A_23 = arith.constant 0 : i32
        %dma_wait3A_24 = arith.constant 0 : i32
        %dma_wait3A_25 = tpu.memref_slice %arg2[%arg1, %dma_wait3A_23, %dma_wait3A_24] : memref<16x80x128xi32, #tpu.memory_space<hbm>> -> memref<1x80x128xi32, #tpu.memory_space<hbm>>
        %dma_wait3A_26 = tpu.memref_squeeze %dma_wait3A_25 : memref<1x80x128xi32, #tpu.memory_space<hbm>> -> memref<80x128xi32, #tpu.memory_space<hbm>>
        tpu.wait_dma2 semaphore(%run_scoped3A : memref<!tpu.dma_semaphore, #tpu.memory_space<semaphore_mem>>) src(%dma_wait3A_26 : memref<80x128xi32, #tpu.memory_space<hbm>>) dst(%arg6 : memref<80x128xi32, #tpu.memory_space<vmem>>)
        tpu.yield
      }) : () -> ()
      "tpu.region"() ({
        %run_scoped3A = tpu.sem_alloc : memref<!tpu.dma_semaphore, #tpu.memory_space<semaphore_mem>>
        tpu.enqueue_dma source(%arg3 : memref<128x128xf32, #tpu.memory_space<hbm>>) target(%arg7 : memref<128x128xf32, #tpu.memory_space<vmem>>) target_semaphore(%run_scoped3A : memref<!tpu.dma_semaphore, #tpu.memory_space<semaphore_mem>>)
        tpu.wait_dma2 semaphore(%run_scoped3A : memref<!tpu.dma_semaphore, #tpu.memory_space<semaphore_mem>>) src(%arg3 : memref<128x128xf32, #tpu.memory_space<hbm>>) dst(%arg7 : memref<128x128xf32, #tpu.memory_space<vmem>>)
        tpu.yield
      }) : () -> ()
      %mul3A = arith.constant 632 : i32
      %mul3A_2 = arith.muli %arg1, %mul3A : i32
      "tpu.region"() ({
        %run_scoped3A = tpu.sem_alloc : memref<!tpu.dma_semaphore, #tpu.memory_space<semaphore_mem>>
        %dma_start3A = arith.constant 0 : i32
        %dma_start3A_13 = tpu.memref_slice %arg8[%mul3A_2, %dma_start3A] : memref<10112x128xf32, #tpu.memory_space<vmem_shared>> -> memref<632x128xf32, #tpu.memory_space<vmem_shared>>
        tpu.enqueue_dma source(%arg4 : memref<632x128xf32, #tpu.memory_space<hbm>>) target(%dma_start3A_13 : memref<632x128xf32, #tpu.memory_space<vmem_shared>>) target_semaphore(%run_scoped3A : memref<!tpu.dma_semaphore, #tpu.memory_space<semaphore_mem>>)
        %dma_wait3A = arith.constant 0 : i32
        %dma_wait3A_14 = tpu.memref_slice %arg8[%mul3A_2, %dma_wait3A] : memref<10112x128xf32, #tpu.memory_space<vmem_shared>> -> memref<632x128xf32, #tpu.memory_space<vmem_shared>>
        tpu.wait_dma2 semaphore(%run_scoped3A : memref<!tpu.dma_semaphore, #tpu.memory_space<semaphore_mem>>) src(%arg4 : memref<632x128xf32, #tpu.memory_space<hbm>>) dst(%dma_wait3A_14 : memref<632x128xf32, #tpu.memory_space<vmem_shared>>)
        tpu.yield
      }) : () -> ()
      %barrier3A = arith.constant 0 : index
      tpu.barrier barrier_id(%barrier3A)
      %scan3A = arith.constant 0 : i32
      %scan3A_3 = arith.constant 0 : i32
      %scan3A_4 = arith.constant 80 : i32
      %scan3A_5 = arith.addi %scan3A_3, %scan3A_4 : i32
      %scan3A_6 = arith.constant 1 : i32
      scf.for %scan3A_13 = %scan3A_3 to %scan3A_5 step %scan3A_6  : i32 {
        "tpu.region"() ({
          %run_scoped3A = tpu.sem_alloc : memref<!tpu.dma_semaphore, #tpu.memory_space<semaphore_mem>>
          %dma_start3A = arith.constant 0 : i32
          %dma_start3A_14 = tpu.memref_slice %arg6[%scan3A_13, %dma_start3A] : memref<80x128xi32, #tpu.memory_space<vmem>> -> memref<1x128xi32, #tpu.memory_space<vmem>>
          %dma_start3A_15 = tpu.memref_squeeze %dma_start3A_14 : memref<1x128xi32, #tpu.memory_space<vmem>> -> memref<128xi32, #tpu.memory_space<vmem>>
          %dma_start3A_16 = arith.constant 0 : i32
          %dma_start3A_17 = arith.constant 0 : i32
          %dma_start3A_18 = tpu.memref_slice %arg8[%dma_start3A_16, %dma_start3A_17] : memref<10112x128xf32, #tpu.memory_space<vmem_shared>> -> memref<10112x128xf32, #tpu.memory_space<vmem_shared>>
          tpu.enqueue_indirect_dma source(%arg7 : memref<128x128xf32, #tpu.memory_space<vmem>>) target(%dma_start3A_18 : memref<10112x128xf32, #tpu.memory_space<vmem_shared>>) offsets(%dma_start3A_15 : memref<128xi32, #tpu.memory_space<vmem>>) semaphore(%run_scoped3A : memref<!tpu.dma_semaphore, #tpu.memory_space<semaphore_mem>>) {add = true}
          %dma_wait3A = arith.constant 0 : i32
          %dma_wait3A_19 = tpu.memref_slice %arg6[%scan3A_13, %dma_wait3A] : memref<80x128xi32, #tpu.memory_space<vmem>> -> memref<1x128xi32, #tpu.memory_space<vmem>>
          %dma_wait3A_20 = tpu.memref_squeeze %dma_wait3A_19 : memref<1x128xi32, #tpu.memory_space<vmem>> -> memref<128xi32, #tpu.memory_space<vmem>>
          %dma_wait3A_21 = arith.constant 0 : i32
          %dma_wait3A_22 = arith.constant 0 : i32
          %dma_wait3A_23 = tpu.memref_slice %arg8[%dma_wait3A_21, %dma_wait3A_22] : memref<10112x128xf32, #tpu.memory_space<vmem_shared>> -> memref<10112x128xf32, #tpu.memory_space<vmem_shared>>
          tpu.wait_indirect_dma semaphore(%run_scoped3A : memref<!tpu.dma_semaphore, #tpu.memory_space<semaphore_mem>>) src(%arg7 : memref<128x128xf32, #tpu.memory_space<vmem>>) dst(%dma_wait3A_23 : memref<10112x128xf32, #tpu.memory_space<vmem_shared>>)
          tpu.yield
        }) : () -> ()
      }
      %scan3A_7 = arith.constant 80 : i32
      %barrier3A_8 = arith.constant 0 : index
      tpu.barrier barrier_id(%barrier3A_8)
      %mul3A_9 = arith.constant 632 : i32
      %mul3A_10 = arith.muli %arg1, %mul3A_9 : i32
      %mul3A_11 = arith.constant 632 : i32
      %mul3A_12 = arith.muli %arg1, %mul3A_11 : i32
      "tpu.region"() ({
        %run_scoped3A = tpu.sem_alloc : memref<!tpu.dma_semaphore, #tpu.memory_space<semaphore_mem>>
        %dma_start3A = arith.constant 0 : i32
        %dma_start3A_13 = tpu.memref_slice %arg5[%mul3A_12, %dma_start3A] : memref<10112x128xf32, #tpu.memory_space<hbm>> -> memref<632x128xf32, #tpu.memory_space<hbm>>
        %dma_start3A_14 = arith.constant 0 : i32
        %dma_start3A_15 = tpu.memref_slice %arg8[%mul3A_10, %dma_start3A_14] : memref<10112x128xf32, #tpu.memory_space<vmem_shared>> -> memref<632x128xf32, #tpu.memory_space<vmem_shared>>
        tpu.enqueue_dma source(%dma_start3A_15 : memref<632x128xf32, #tpu.memory_space<vmem_shared>>) target(%dma_start3A_13 : memref<632x128xf32, #tpu.memory_space<hbm>>) target_semaphore(%run_scoped3A : memref<!tpu.dma_semaphore, #tpu.memory_space<semaphore_mem>>)
        %dma_wait3A = arith.constant 0 : i32
        %dma_wait3A_16 = tpu.memref_slice %arg5[%mul3A_12, %dma_wait3A] : memref<10112x128xf32, #tpu.memory_space<hbm>> -> memref<632x128xf32, #tpu.memory_space<hbm>>
        %dma_wait3A_17 = arith.constant 0 : i32
        %dma_wait3A_18 = tpu.memref_slice %arg8[%mul3A_10, %dma_wait3A_17] : memref<10112x128xf32, #tpu.memory_space<vmem_shared>> -> memref<632x128xf32, #tpu.memory_space<vmem_shared>>
        tpu.wait_dma2 semaphore(%run_scoped3A : memref<!tpu.dma_semaphore, #tpu.memory_space<semaphore_mem>>) src(%dma_wait3A_18 : memref<632x128xf32, #tpu.memory_space<vmem_shared>>) dst(%dma_wait3A_16 : memref<632x128xf32, #tpu.memory_space<hbm>>)
        tpu.yield
      }) : () -> ()
    } else {
    }
    return
  }
}

#map = affine_map<(d0, d1) -> (0, 0)>
#map1 = affine_map<(d0, d1) -> (0, 0, 0)>
module attributes {stable_mosaic.version = 14 : i64} {
  func.func @_agg_kernel(%arg0: i32, %arg1: i32, %arg2: memref<20000x128xf32, #tpu.memory_space<hbm>>, %arg3: memref<32x40x128xi32, #tpu.memory_space<hbm>>, %arg4: memref<16x40x128xi32, #tpu.memory_space<hbm>>, %arg5: memref<2x10112x128xf32, #tpu.memory_space<hbm>>, %arg6: memref<2x10112x128xf32, #tpu.memory_space<hbm>>, %arg7: memref<40x128xi32, #tpu.memory_space<vmem>>, %arg8: memref<40x128xi32, #tpu.memory_space<vmem>>, %arg9: memref<128x128xf32, #tpu.memory_space<vmem>>, %arg10: memref<128x128xf32, #tpu.memory_space<vmem>>, %arg11: memref<!tpu.dma_semaphore, #tpu.memory_space<semaphore_mem>>, %arg12: memref<!tpu.dma_semaphore, #tpu.memory_space<semaphore_mem>>, %arg13: memref<10112x128xf32, #tpu.memory_space<vmem_shared>>) attributes {dimension_semantics = [#tpu.dimension_semantics<core_parallel>, #tpu.dimension_semantics<subcore_parallel>], iteration_bounds = array<i64: 2, 16>, scalar_prefetch = 0 : i64, scratch_operands = 7 : i64, tpu.core_type = #tpu.core_type<sc_vector_subcore>, window_params = [{transform_indices = #map}, {transform_indices = #map1}, {transform_indices = #map1}, {transform_indices = #map1}, {transform_indices = #map1}]} {
    %mul3A = arith.constant 16 : i32
    %mul3A_0 = arith.muli %arg0, %mul3A : i32
    %add3A = arith.addi %mul3A_0, %arg1 : i32
    "tpu.region"() ({
      %run_scoped3A = tpu.sem_alloc : memref<!tpu.dma_semaphore, #tpu.memory_space<semaphore_mem>>
      %dma_start3A_28 = arith.constant 0 : i32
      %dma_start3A_29 = arith.constant 0 : i32
      %dma_start3A_30 = tpu.memref_slice %arg3[%add3A, %dma_start3A_28, %dma_start3A_29] : memref<32x40x128xi32, #tpu.memory_space<hbm>> -> memref<1x40x128xi32, #tpu.memory_space<hbm>>
      %dma_start3A_31 = tpu.memref_squeeze %dma_start3A_30 : memref<1x40x128xi32, #tpu.memory_space<hbm>> -> memref<40x128xi32, #tpu.memory_space<hbm>>
      %dma_start3A_32 = arith.constant 0 : i32
      %dma_start3A_33 = arith.constant 0 : i32
      %dma_start3A_34 = tpu.memref_slice %arg3[%add3A, %dma_start3A_32, %dma_start3A_33] : memref<32x40x128xi32, #tpu.memory_space<hbm>> -> memref<1x40x128xi32, #tpu.memory_space<hbm>>
      %dma_start3A_35 = tpu.memref_squeeze %dma_start3A_34 : memref<1x40x128xi32, #tpu.memory_space<hbm>> -> memref<40x128xi32, #tpu.memory_space<hbm>>
      tpu.enqueue_dma source(%dma_start3A_35 : memref<40x128xi32, #tpu.memory_space<hbm>>) target(%arg7 : memref<40x128xi32, #tpu.memory_space<vmem>>) target_semaphore(%run_scoped3A : memref<!tpu.dma_semaphore, #tpu.memory_space<semaphore_mem>>)
      %dma_wait3A = arith.constant 0 : i32
      %dma_wait3A_36 = arith.constant 0 : i32
      %dma_wait3A_37 = tpu.memref_slice %arg3[%add3A, %dma_wait3A, %dma_wait3A_36] : memref<32x40x128xi32, #tpu.memory_space<hbm>> -> memref<1x40x128xi32, #tpu.memory_space<hbm>>
      %dma_wait3A_38 = tpu.memref_squeeze %dma_wait3A_37 : memref<1x40x128xi32, #tpu.memory_space<hbm>> -> memref<40x128xi32, #tpu.memory_space<hbm>>
      %dma_wait3A_39 = arith.constant 0 : i32
      %dma_wait3A_40 = arith.constant 0 : i32
      %dma_wait3A_41 = tpu.memref_slice %arg3[%add3A, %dma_wait3A_39, %dma_wait3A_40] : memref<32x40x128xi32, #tpu.memory_space<hbm>> -> memref<1x40x128xi32, #tpu.memory_space<hbm>>
      %dma_wait3A_42 = tpu.memref_squeeze %dma_wait3A_41 : memref<1x40x128xi32, #tpu.memory_space<hbm>> -> memref<40x128xi32, #tpu.memory_space<hbm>>
      tpu.wait_dma2 semaphore(%run_scoped3A : memref<!tpu.dma_semaphore, #tpu.memory_space<semaphore_mem>>) src(%dma_wait3A_42 : memref<40x128xi32, #tpu.memory_space<hbm>>) dst(%arg7 : memref<40x128xi32, #tpu.memory_space<vmem>>)
      tpu.yield
    }) : () -> ()
    "tpu.region"() ({
      %run_scoped3A = tpu.sem_alloc : memref<!tpu.dma_semaphore, #tpu.memory_space<semaphore_mem>>
      %dma_start3A_28 = arith.constant 0 : i32
      %dma_start3A_29 = arith.constant 0 : i32
      %dma_start3A_30 = tpu.memref_slice %arg4[%arg1, %dma_start3A_28, %dma_start3A_29] : memref<16x40x128xi32, #tpu.memory_space<hbm>> -> memref<1x40x128xi32, #tpu.memory_space<hbm>>
      %dma_start3A_31 = tpu.memref_squeeze %dma_start3A_30 : memref<1x40x128xi32, #tpu.memory_space<hbm>> -> memref<40x128xi32, #tpu.memory_space<hbm>>
      %dma_start3A_32 = arith.constant 0 : i32
      %dma_start3A_33 = arith.constant 0 : i32
      %dma_start3A_34 = tpu.memref_slice %arg4[%arg1, %dma_start3A_32, %dma_start3A_33] : memref<16x40x128xi32, #tpu.memory_space<hbm>> -> memref<1x40x128xi32, #tpu.memory_space<hbm>>
      %dma_start3A_35 = tpu.memref_squeeze %dma_start3A_34 : memref<1x40x128xi32, #tpu.memory_space<hbm>> -> memref<40x128xi32, #tpu.memory_space<hbm>>
      tpu.enqueue_dma source(%dma_start3A_35 : memref<40x128xi32, #tpu.memory_space<hbm>>) target(%arg8 : memref<40x128xi32, #tpu.memory_space<vmem>>) target_semaphore(%run_scoped3A : memref<!tpu.dma_semaphore, #tpu.memory_space<semaphore_mem>>)
      %dma_wait3A = arith.constant 0 : i32
      %dma_wait3A_36 = arith.constant 0 : i32
      %dma_wait3A_37 = tpu.memref_slice %arg4[%arg1, %dma_wait3A, %dma_wait3A_36] : memref<16x40x128xi32, #tpu.memory_space<hbm>> -> memref<1x40x128xi32, #tpu.memory_space<hbm>>
      %dma_wait3A_38 = tpu.memref_squeeze %dma_wait3A_37 : memref<1x40x128xi32, #tpu.memory_space<hbm>> -> memref<40x128xi32, #tpu.memory_space<hbm>>
      %dma_wait3A_39 = arith.constant 0 : i32
      %dma_wait3A_40 = arith.constant 0 : i32
      %dma_wait3A_41 = tpu.memref_slice %arg4[%arg1, %dma_wait3A_39, %dma_wait3A_40] : memref<16x40x128xi32, #tpu.memory_space<hbm>> -> memref<1x40x128xi32, #tpu.memory_space<hbm>>
      %dma_wait3A_42 = tpu.memref_squeeze %dma_wait3A_41 : memref<1x40x128xi32, #tpu.memory_space<hbm>> -> memref<40x128xi32, #tpu.memory_space<hbm>>
      tpu.wait_dma2 semaphore(%run_scoped3A : memref<!tpu.dma_semaphore, #tpu.memory_space<semaphore_mem>>) src(%dma_wait3A_42 : memref<40x128xi32, #tpu.memory_space<hbm>>) dst(%arg8 : memref<40x128xi32, #tpu.memory_space<vmem>>)
      tpu.yield
    }) : () -> ()
    %mul3A_1 = arith.constant 632 : i32
    %mul3A_2 = arith.muli %arg1, %mul3A_1 : i32
    %mul3A_3 = arith.constant 632 : i32
    %mul3A_4 = arith.muli %arg1, %mul3A_3 : i32
    "tpu.region"() ({
      %run_scoped3A = tpu.sem_alloc : memref<!tpu.dma_semaphore, #tpu.memory_space<semaphore_mem>>
      %dma_start3A_28 = arith.constant 0 : i32
      %dma_start3A_29 = tpu.memref_slice %arg13[%mul3A_4, %dma_start3A_28] : memref<10112x128xf32, #tpu.memory_space<vmem_shared>> -> memref<632x128xf32, #tpu.memory_space<vmem_shared>>
      %dma_start3A_30 = arith.constant 0 : i32
      %dma_start3A_31 = arith.constant 0 : i32
      %dma_start3A_32 = tpu.memref_slice %arg5[%arg0, %dma_start3A_30, %dma_start3A_31] : memref<2x10112x128xf32, #tpu.memory_space<hbm>> -> memref<1x10112x128xf32, #tpu.memory_space<hbm>>
      %dma_start3A_33 = tpu.memref_squeeze %dma_start3A_32 : memref<1x10112x128xf32, #tpu.memory_space<hbm>> -> memref<10112x128xf32, #tpu.memory_space<hbm>>
      %dma_start3A_34 = arith.constant 0 : i32
      %dma_start3A_35 = tpu.memref_slice %dma_start3A_33[%mul3A_2, %dma_start3A_34] : memref<10112x128xf32, #tpu.memory_space<hbm>> -> memref<632x128xf32, #tpu.memory_space<hbm>>
      tpu.enqueue_dma source(%dma_start3A_35 : memref<632x128xf32, #tpu.memory_space<hbm>>) target(%dma_start3A_29 : memref<632x128xf32, #tpu.memory_space<vmem_shared>>) target_semaphore(%run_scoped3A : memref<!tpu.dma_semaphore, #tpu.memory_space<semaphore_mem>>)
      %dma_wait3A = arith.constant 0 : i32
      %dma_wait3A_36 = tpu.memref_slice %arg13[%mul3A_4, %dma_wait3A] : memref<10112x128xf32, #tpu.memory_space<vmem_shared>> -> memref<632x128xf32, #tpu.memory_space<vmem_shared>>
      %dma_wait3A_37 = arith.constant 0 : i32
      %dma_wait3A_38 = arith.constant 0 : i32
      %dma_wait3A_39 = tpu.memref_slice %arg5[%arg0, %dma_wait3A_37, %dma_wait3A_38] : memref<2x10112x128xf32, #tpu.memory_space<hbm>> -> memref<1x10112x128xf32, #tpu.memory_space<hbm>>
      %dma_wait3A_40 = tpu.memref_squeeze %dma_wait3A_39 : memref<1x10112x128xf32, #tpu.memory_space<hbm>> -> memref<10112x128xf32, #tpu.memory_space<hbm>>
      %dma_wait3A_41 = arith.constant 0 : i32
      %dma_wait3A_42 = tpu.memref_slice %dma_wait3A_40[%mul3A_2, %dma_wait3A_41] : memref<10112x128xf32, #tpu.memory_space<hbm>> -> memref<632x128xf32, #tpu.memory_space<hbm>>
      tpu.wait_dma2 semaphore(%run_scoped3A : memref<!tpu.dma_semaphore, #tpu.memory_space<semaphore_mem>>) src(%dma_wait3A_42 : memref<632x128xf32, #tpu.memory_space<hbm>>) dst(%dma_wait3A_36 : memref<632x128xf32, #tpu.memory_space<vmem_shared>>)
      tpu.yield
    }) : () -> ()
    %barrier3A = arith.constant 0 : index
    tpu.barrier barrier_id(%barrier3A)
    %dma_start3A = arith.constant 0 : i32
    %dma_start3A_5 = arith.constant 0 : i32
    %dma_start3A_6 = tpu.memref_slice %arg7[%dma_start3A, %dma_start3A_5] : memref<40x128xi32, #tpu.memory_space<vmem>> -> memref<1x128xi32, #tpu.memory_space<vmem>>
    %dma_start3A_7 = tpu.memref_squeeze %dma_start3A_6 : memref<1x128xi32, #tpu.memory_space<vmem>> -> memref<128xi32, #tpu.memory_space<vmem>>
    %dma_start3A_8 = arith.constant 0 : i32
    %dma_start3A_9 = arith.constant 0 : i32
    %dma_start3A_10 = tpu.memref_slice %arg2[%dma_start3A_8, %dma_start3A_9] : memref<20000x128xf32, #tpu.memory_space<hbm>> -> memref<20000x128xf32, #tpu.memory_space<hbm>>
    tpu.enqueue_indirect_dma source(%dma_start3A_10 : memref<20000x128xf32, #tpu.memory_space<hbm>>) target(%arg9 : memref<128x128xf32, #tpu.memory_space<vmem>>) offsets(%dma_start3A_7 : memref<128xi32, #tpu.memory_space<vmem>>) semaphore(%arg11 : memref<!tpu.dma_semaphore, #tpu.memory_space<semaphore_mem>>)
    %dma_start3A_11 = arith.constant 1 : i32
    %dma_start3A_12 = arith.constant 0 : i32
    %dma_start3A_13 = tpu.memref_slice %arg7[%dma_start3A_11, %dma_start3A_12] : memref<40x128xi32, #tpu.memory_space<vmem>> -> memref<1x128xi32, #tpu.memory_space<vmem>>
    %dma_start3A_14 = tpu.memref_squeeze %dma_start3A_13 : memref<1x128xi32, #tpu.memory_space<vmem>> -> memref<128xi32, #tpu.memory_space<vmem>>
    %dma_start3A_15 = arith.constant 0 : i32
    %dma_start3A_16 = arith.constant 0 : i32
    %dma_start3A_17 = tpu.memref_slice %arg2[%dma_start3A_15, %dma_start3A_16] : memref<20000x128xf32, #tpu.memory_space<hbm>> -> memref<20000x128xf32, #tpu.memory_space<hbm>>
    tpu.enqueue_indirect_dma source(%dma_start3A_17 : memref<20000x128xf32, #tpu.memory_space<hbm>>) target(%arg10 : memref<128x128xf32, #tpu.memory_space<vmem>>) offsets(%dma_start3A_14 : memref<128xi32, #tpu.memory_space<vmem>>) semaphore(%arg12 : memref<!tpu.dma_semaphore, #tpu.memory_space<semaphore_mem>>)
    %scan3A = arith.constant 0 : i32
    %scan3A_18 = arith.constant 0 : i32
    %scan3A_19 = arith.constant 20 : i32
    %scan3A_20 = arith.addi %scan3A_18, %scan3A_19 : i32
    %scan3A_21 = arith.constant 1 : i32
    scf.for %scan3A_28 = %scan3A_18 to %scan3A_20 step %scan3A_21  : i32 {
      %mul3A_29 = arith.constant 2 : i32
      %mul3A_30 = arith.muli %mul3A_29, %scan3A_28 : i32
      %add3A_31 = arith.constant 1 : i32
      %add3A_32 = arith.addi %mul3A_30, %add3A_31 : i32
      %dma_wait3A = arith.constant 0 : i32
      %dma_wait3A_33 = tpu.memref_slice %arg7[%mul3A_30, %dma_wait3A] : memref<40x128xi32, #tpu.memory_space<vmem>> -> memref<1x128xi32, #tpu.memory_space<vmem>>
      %dma_wait3A_34 = tpu.memref_squeeze %dma_wait3A_33 : memref<1x128xi32, #tpu.memory_space<vmem>> -> memref<128xi32, #tpu.memory_space<vmem>>
      %dma_wait3A_35 = arith.constant 0 : i32
      %dma_wait3A_36 = arith.constant 0 : i32
      %dma_wait3A_37 = tpu.memref_slice %arg2[%dma_wait3A_35, %dma_wait3A_36] : memref<20000x128xf32, #tpu.memory_space<hbm>> -> memref<20000x128xf32, #tpu.memory_space<hbm>>
      tpu.wait_indirect_dma semaphore(%arg11 : memref<!tpu.dma_semaphore, #tpu.memory_space<semaphore_mem>>) src(%dma_wait3A_37 : memref<20000x128xf32, #tpu.memory_space<hbm>>) dst(%arg9 : memref<128x128xf32, #tpu.memory_space<vmem>>)
      "tpu.region"() ({
        %run_scoped3A = tpu.sem_alloc : memref<!tpu.dma_semaphore, #tpu.memory_space<semaphore_mem>>
        %dma_start3A_51 = arith.constant 0 : i32
        %dma_start3A_52 = tpu.memref_slice %arg8[%mul3A_30, %dma_start3A_51] : memref<40x128xi32, #tpu.memory_space<vmem>> -> memref<1x128xi32, #tpu.memory_space<vmem>>
        %dma_start3A_53 = tpu.memref_squeeze %dma_start3A_52 : memref<1x128xi32, #tpu.memory_space<vmem>> -> memref<128xi32, #tpu.memory_space<vmem>>
        %dma_start3A_54 = arith.constant 0 : i32
        %dma_start3A_55 = arith.constant 0 : i32
        %dma_start3A_56 = tpu.memref_slice %arg13[%dma_start3A_54, %dma_start3A_55] : memref<10112x128xf32, #tpu.memory_space<vmem_shared>> -> memref<10112x128xf32, #tpu.memory_space<vmem_shared>>
        tpu.enqueue_indirect_dma source(%arg9 : memref<128x128xf32, #tpu.memory_space<vmem>>) target(%dma_start3A_56 : memref<10112x128xf32, #tpu.memory_space<vmem_shared>>) offsets(%dma_start3A_53 : memref<128xi32, #tpu.memory_space<vmem>>) semaphore(%run_scoped3A : memref<!tpu.dma_semaphore, #tpu.memory_space<semaphore_mem>>) {add = true}
        %dma_wait3A_57 = arith.constant 0 : i32
        %dma_wait3A_58 = tpu.memref_slice %arg8[%mul3A_30, %dma_wait3A_57] : memref<40x128xi32, #tpu.memory_space<vmem>> -> memref<1x128xi32, #tpu.memory_space<vmem>>
        %dma_wait3A_59 = tpu.memref_squeeze %dma_wait3A_58 : memref<1x128xi32, #tpu.memory_space<vmem>> -> memref<128xi32, #tpu.memory_space<vmem>>
        %dma_wait3A_60 = arith.constant 0 : i32
        %dma_wait3A_61 = arith.constant 0 : i32
        %dma_wait3A_62 = tpu.memref_slice %arg13[%dma_wait3A_60, %dma_wait3A_61] : memref<10112x128xf32, #tpu.memory_space<vmem_shared>> -> memref<10112x128xf32, #tpu.memory_space<vmem_shared>>
        tpu.wait_indirect_dma semaphore(%run_scoped3A : memref<!tpu.dma_semaphore, #tpu.memory_space<semaphore_mem>>) src(%arg9 : memref<128x128xf32, #tpu.memory_space<vmem>>) dst(%dma_wait3A_62 : memref<10112x128xf32, #tpu.memory_space<vmem_shared>>)
        tpu.yield
      }) : () -> ()
      %lt3A = arith.constant 19 : i32
      %lt3A_38 = arith.cmpi slt, %scan3A_28, %lt3A : i32
      %convert_element_type3A = arith.extui %lt3A_38 : i1 to i32
      %cond3A = arith.constant 0 : i32
      %cond3A_39 = arith.cmpi ne, %convert_element_type3A, %cond3A : i32
      scf.if %cond3A_39 {
        %add3A_51 = arith.constant 2 : i32
        %add3A_52 = arith.addi %mul3A_30, %add3A_51 : i32
        %dma_start3A_53 = arith.constant 0 : i32
        %dma_start3A_54 = tpu.memref_slice %arg7[%add3A_52, %dma_start3A_53] : memref<40x128xi32, #tpu.memory_space<vmem>> -> memref<1x128xi32, #tpu.memory_space<vmem>>
        %dma_start3A_55 = tpu.memref_squeeze %dma_start3A_54 : memref<1x128xi32, #tpu.memory_space<vmem>> -> memref<128xi32, #tpu.memory_space<vmem>>
        %dma_start3A_56 = arith.constant 0 : i32
        %dma_start3A_57 = arith.constant 0 : i32
        %dma_start3A_58 = tpu.memref_slice %arg2[%dma_start3A_56, %dma_start3A_57] : memref<20000x128xf32, #tpu.memory_space<hbm>> -> memref<20000x128xf32, #tpu.memory_space<hbm>>
        tpu.enqueue_indirect_dma source(%dma_start3A_58 : memref<20000x128xf32, #tpu.memory_space<hbm>>) target(%arg9 : memref<128x128xf32, #tpu.memory_space<vmem>>) offsets(%dma_start3A_55 : memref<128xi32, #tpu.memory_space<vmem>>) semaphore(%arg11 : memref<!tpu.dma_semaphore, #tpu.memory_space<semaphore_mem>>)
      } else {
      }
      %dma_wait3A_40 = arith.constant 0 : i32
      %dma_wait3A_41 = tpu.memref_slice %arg7[%add3A_32, %dma_wait3A_40] : memref<40x128xi32, #tpu.memory_space<vmem>> -> memref<1x128xi32, #tpu.memory_space<vmem>>
      %dma_wait3A_42 = tpu.memref_squeeze %dma_wait3A_41 : memref<1x128xi32, #tpu.memory_space<vmem>> -> memref<128xi32, #tpu.memory_space<vmem>>
      %dma_wait3A_43 = arith.constant 0 : i32
      %dma_wait3A_44 = arith.constant 0 : i32
      %dma_wait3A_45 = tpu.memref_slice %arg2[%dma_wait3A_43, %dma_wait3A_44] : memref<20000x128xf32, #tpu.memory_space<hbm>> -> memref<20000x128xf32, #tpu.memory_space<hbm>>
      tpu.wait_indirect_dma semaphore(%arg12 : memref<!tpu.dma_semaphore, #tpu.memory_space<semaphore_mem>>) src(%dma_wait3A_45 : memref<20000x128xf32, #tpu.memory_space<hbm>>) dst(%arg10 : memref<128x128xf32, #tpu.memory_space<vmem>>)
      "tpu.region"() ({
        %run_scoped3A = tpu.sem_alloc : memref<!tpu.dma_semaphore, #tpu.memory_space<semaphore_mem>>
        %dma_start3A_51 = arith.constant 0 : i32
        %dma_start3A_52 = tpu.memref_slice %arg8[%add3A_32, %dma_start3A_51] : memref<40x128xi32, #tpu.memory_space<vmem>> -> memref<1x128xi32, #tpu.memory_space<vmem>>
        %dma_start3A_53 = tpu.memref_squeeze %dma_start3A_52 : memref<1x128xi32, #tpu.memory_space<vmem>> -> memref<128xi32, #tpu.memory_space<vmem>>
        %dma_start3A_54 = arith.constant 0 : i32
        %dma_start3A_55 = arith.constant 0 : i32
        %dma_start3A_56 = tpu.memref_slice %arg13[%dma_start3A_54, %dma_start3A_55] : memref<10112x128xf32, #tpu.memory_space<vmem_shared>> -> memref<10112x128xf32, #tpu.memory_space<vmem_shared>>
        tpu.enqueue_indirect_dma source(%arg10 : memref<128x128xf32, #tpu.memory_space<vmem>>) target(%dma_start3A_56 : memref<10112x128xf32, #tpu.memory_space<vmem_shared>>) offsets(%dma_start3A_53 : memref<128xi32, #tpu.memory_space<vmem>>) semaphore(%run_scoped3A : memref<!tpu.dma_semaphore, #tpu.memory_space<semaphore_mem>>) {add = true}
        %dma_wait3A_57 = arith.constant 0 : i32
        %dma_wait3A_58 = tpu.memref_slice %arg8[%add3A_32, %dma_wait3A_57] : memref<40x128xi32, #tpu.memory_space<vmem>> -> memref<1x128xi32, #tpu.memory_space<vmem>>
        %dma_wait3A_59 = tpu.memref_squeeze %dma_wait3A_58 : memref<1x128xi32, #tpu.memory_space<vmem>> -> memref<128xi32, #tpu.memory_space<vmem>>
        %dma_wait3A_60 = arith.constant 0 : i32
        %dma_wait3A_61 = arith.constant 0 : i32
        %dma_wait3A_62 = tpu.memref_slice %arg13[%dma_wait3A_60, %dma_wait3A_61] : memref<10112x128xf32, #tpu.memory_space<vmem_shared>> -> memref<10112x128xf32, #tpu.memory_space<vmem_shared>>
        tpu.wait_indirect_dma semaphore(%run_scoped3A : memref<!tpu.dma_semaphore, #tpu.memory_space<semaphore_mem>>) src(%arg10 : memref<128x128xf32, #tpu.memory_space<vmem>>) dst(%dma_wait3A_62 : memref<10112x128xf32, #tpu.memory_space<vmem_shared>>)
        tpu.yield
      }) : () -> ()
      %lt3A_46 = arith.constant 19 : i32
      %lt3A_47 = arith.cmpi slt, %scan3A_28, %lt3A_46 : i32
      %convert_element_type3A_48 = arith.extui %lt3A_47 : i1 to i32
      %cond3A_49 = arith.constant 0 : i32
      %cond3A_50 = arith.cmpi ne, %convert_element_type3A_48, %cond3A_49 : i32
      scf.if %cond3A_50 {
        %add3A_51 = arith.constant 2 : i32
        %add3A_52 = arith.addi %add3A_32, %add3A_51 : i32
        %dma_start3A_53 = arith.constant 0 : i32
        %dma_start3A_54 = tpu.memref_slice %arg7[%add3A_52, %dma_start3A_53] : memref<40x128xi32, #tpu.memory_space<vmem>> -> memref<1x128xi32, #tpu.memory_space<vmem>>
        %dma_start3A_55 = tpu.memref_squeeze %dma_start3A_54 : memref<1x128xi32, #tpu.memory_space<vmem>> -> memref<128xi32, #tpu.memory_space<vmem>>
        %dma_start3A_56 = arith.constant 0 : i32
        %dma_start3A_57 = arith.constant 0 : i32
        %dma_start3A_58 = tpu.memref_slice %arg2[%dma_start3A_56, %dma_start3A_57] : memref<20000x128xf32, #tpu.memory_space<hbm>> -> memref<20000x128xf32, #tpu.memory_space<hbm>>
        tpu.enqueue_indirect_dma source(%dma_start3A_58 : memref<20000x128xf32, #tpu.memory_space<hbm>>) target(%arg10 : memref<128x128xf32, #tpu.memory_space<vmem>>) offsets(%dma_start3A_55 : memref<128xi32, #tpu.memory_space<vmem>>) semaphore(%arg12 : memref<!tpu.dma_semaphore, #tpu.memory_space<semaphore_mem>>)
      } else {
      }
    }
    %scan3A_22 = arith.constant 20 : i32
    %barrier3A_23 = arith.constant 0 : index
    tpu.barrier barrier_id(%barrier3A_23)
    %mul3A_24 = arith.constant 632 : i32
    %mul3A_25 = arith.muli %arg1, %mul3A_24 : i32
    %mul3A_26 = arith.constant 632 : i32
    %mul3A_27 = arith.muli %arg1, %mul3A_26 : i32
    "tpu.region"() ({
      %run_scoped3A = tpu.sem_alloc : memref<!tpu.dma_semaphore, #tpu.memory_space<semaphore_mem>>
      %dma_start3A_28 = arith.constant 0 : i32
      %dma_start3A_29 = arith.constant 0 : i32
      %dma_start3A_30 = tpu.memref_slice %arg6[%arg0, %dma_start3A_28, %dma_start3A_29] : memref<2x10112x128xf32, #tpu.memory_space<hbm>> -> memref<1x10112x128xf32, #tpu.memory_space<hbm>>
      %dma_start3A_31 = tpu.memref_squeeze %dma_start3A_30 : memref<1x10112x128xf32, #tpu.memory_space<hbm>> -> memref<10112x128xf32, #tpu.memory_space<hbm>>
      %dma_start3A_32 = arith.constant 0 : i32
      %dma_start3A_33 = tpu.memref_slice %dma_start3A_31[%mul3A_27, %dma_start3A_32] : memref<10112x128xf32, #tpu.memory_space<hbm>> -> memref<632x128xf32, #tpu.memory_space<hbm>>
      %dma_start3A_34 = arith.constant 0 : i32
      %dma_start3A_35 = tpu.memref_slice %arg13[%mul3A_25, %dma_start3A_34] : memref<10112x128xf32, #tpu.memory_space<vmem_shared>> -> memref<632x128xf32, #tpu.memory_space<vmem_shared>>
      tpu.enqueue_dma source(%dma_start3A_35 : memref<632x128xf32, #tpu.memory_space<vmem_shared>>) target(%dma_start3A_33 : memref<632x128xf32, #tpu.memory_space<hbm>>) target_semaphore(%run_scoped3A : memref<!tpu.dma_semaphore, #tpu.memory_space<semaphore_mem>>)
      %dma_wait3A = arith.constant 0 : i32
      %dma_wait3A_36 = arith.constant 0 : i32
      %dma_wait3A_37 = tpu.memref_slice %arg6[%arg0, %dma_wait3A, %dma_wait3A_36] : memref<2x10112x128xf32, #tpu.memory_space<hbm>> -> memref<1x10112x128xf32, #tpu.memory_space<hbm>>
      %dma_wait3A_38 = tpu.memref_squeeze %dma_wait3A_37 : memref<1x10112x128xf32, #tpu.memory_space<hbm>> -> memref<10112x128xf32, #tpu.memory_space<hbm>>
      %dma_wait3A_39 = arith.constant 0 : i32
      %dma_wait3A_40 = tpu.memref_slice %dma_wait3A_38[%mul3A_27, %dma_wait3A_39] : memref<10112x128xf32, #tpu.memory_space<hbm>> -> memref<632x128xf32, #tpu.memory_space<hbm>>
      %dma_wait3A_41 = arith.constant 0 : i32
      %dma_wait3A_42 = tpu.memref_slice %arg13[%mul3A_25, %dma_wait3A_41] : memref<10112x128xf32, #tpu.memory_space<vmem_shared>> -> memref<632x128xf32, #tpu.memory_space<vmem_shared>>
      tpu.wait_dma2 semaphore(%run_scoped3A : memref<!tpu.dma_semaphore, #tpu.memory_space<semaphore_mem>>) src(%dma_wait3A_42 : memref<632x128xf32, #tpu.memory_space<vmem_shared>>) dst(%dma_wait3A_40 : memref<632x128xf32, #tpu.memory_space<hbm>>)
      tpu.yield
    }) : () -> ()
    return
  }
}

#map = affine_map<(d0, d1) -> (0, 0)>
#map1 = affine_map<(d0, d1) -> (0, 0, 0)>
module attributes {stable_mosaic.version = 14 : i64} {
  func.func @_agg_kernel(%arg0: i32, %arg1: i32, %arg2: memref<20000x128xf32, #tpu.memory_space<hbm>>, %arg3: memref<32x40x128xi32, #tpu.memory_space<hbm>>, %arg4: memref<16x40x128xi32, #tpu.memory_space<hbm>>, %arg5: memref<2x10112x128xf32, #tpu.memory_space<hbm>>, %arg6: memref<2x10112x128xf32, #tpu.memory_space<hbm>>, %arg7: memref<40x128xi32, #tpu.memory_space<vmem>>, %arg8: memref<40x128xi32, #tpu.memory_space<vmem>>, %arg9: memref<128x128xf32, #tpu.memory_space<vmem>>, %arg10: memref<128x128xf32, #tpu.memory_space<vmem>>, %arg11: memref<!tpu.dma_semaphore, #tpu.memory_space<semaphore_mem>>, %arg12: memref<!tpu.dma_semaphore, #tpu.memory_space<semaphore_mem>>, %arg13: memref<10112x128xf32, #tpu.memory_space<vmem_shared>>) attributes {dimension_semantics = [#tpu.dimension_semantics<core_parallel>, #tpu.dimension_semantics<subcore_parallel>], iteration_bounds = array<i64: 2, 16>, scalar_prefetch = 0 : i64, scratch_operands = 7 : i64, tpu.core_type = #tpu.core_type<sc_vector_subcore>, window_params = [{transform_indices = #map}, {transform_indices = #map1}, {transform_indices = #map1}, {transform_indices = #map1}, {transform_indices = #map1}]} {
    %mul3A = arith.constant 16 : i32
    %mul3A_0 = arith.muli %arg0, %mul3A : i32
    %add3A = arith.addi %mul3A_0, %arg1 : i32
    "tpu.region"() ({
      %run_scoped3A = tpu.sem_alloc : memref<!tpu.dma_semaphore, #tpu.memory_space<semaphore_mem>>
      %dma_start3A_28 = arith.constant 0 : i32
      %dma_start3A_29 = arith.constant 0 : i32
      %dma_start3A_30 = tpu.memref_slice %arg3[%add3A, %dma_start3A_28, %dma_start3A_29] : memref<32x40x128xi32, #tpu.memory_space<hbm>> -> memref<1x40x128xi32, #tpu.memory_space<hbm>>
      %dma_start3A_31 = tpu.memref_squeeze %dma_start3A_30 : memref<1x40x128xi32, #tpu.memory_space<hbm>> -> memref<40x128xi32, #tpu.memory_space<hbm>>
      %dma_start3A_32 = arith.constant 0 : i32
      %dma_start3A_33 = arith.constant 0 : i32
      %dma_start3A_34 = tpu.memref_slice %arg3[%add3A, %dma_start3A_32, %dma_start3A_33] : memref<32x40x128xi32, #tpu.memory_space<hbm>> -> memref<1x40x128xi32, #tpu.memory_space<hbm>>
      %dma_start3A_35 = tpu.memref_squeeze %dma_start3A_34 : memref<1x40x128xi32, #tpu.memory_space<hbm>> -> memref<40x128xi32, #tpu.memory_space<hbm>>
      tpu.enqueue_dma source(%dma_start3A_35 : memref<40x128xi32, #tpu.memory_space<hbm>>) target(%arg7 : memref<40x128xi32, #tpu.memory_space<vmem>>) target_semaphore(%run_scoped3A : memref<!tpu.dma_semaphore, #tpu.memory_space<semaphore_mem>>)
      %dma_wait3A = arith.constant 0 : i32
      %dma_wait3A_36 = arith.constant 0 : i32
      %dma_wait3A_37 = tpu.memref_slice %arg3[%add3A, %dma_wait3A, %dma_wait3A_36] : memref<32x40x128xi32, #tpu.memory_space<hbm>> -> memref<1x40x128xi32, #tpu.memory_space<hbm>>
      %dma_wait3A_38 = tpu.memref_squeeze %dma_wait3A_37 : memref<1x40x128xi32, #tpu.memory_space<hbm>> -> memref<40x128xi32, #tpu.memory_space<hbm>>
      %dma_wait3A_39 = arith.constant 0 : i32
      %dma_wait3A_40 = arith.constant 0 : i32
      %dma_wait3A_41 = tpu.memref_slice %arg3[%add3A, %dma_wait3A_39, %dma_wait3A_40] : memref<32x40x128xi32, #tpu.memory_space<hbm>> -> memref<1x40x128xi32, #tpu.memory_space<hbm>>
      %dma_wait3A_42 = tpu.memref_squeeze %dma_wait3A_41 : memref<1x40x128xi32, #tpu.memory_space<hbm>> -> memref<40x128xi32, #tpu.memory_space<hbm>>
      tpu.wait_dma2 semaphore(%run_scoped3A : memref<!tpu.dma_semaphore, #tpu.memory_space<semaphore_mem>>) src(%dma_wait3A_42 : memref<40x128xi32, #tpu.memory_space<hbm>>) dst(%arg7 : memref<40x128xi32, #tpu.memory_space<vmem>>)
      tpu.yield
    }) : () -> ()
    "tpu.region"() ({
      %run_scoped3A = tpu.sem_alloc : memref<!tpu.dma_semaphore, #tpu.memory_space<semaphore_mem>>
      %dma_start3A_28 = arith.constant 0 : i32
      %dma_start3A_29 = arith.constant 0 : i32
      %dma_start3A_30 = tpu.memref_slice %arg4[%arg1, %dma_start3A_28, %dma_start3A_29] : memref<16x40x128xi32, #tpu.memory_space<hbm>> -> memref<1x40x128xi32, #tpu.memory_space<hbm>>
      %dma_start3A_31 = tpu.memref_squeeze %dma_start3A_30 : memref<1x40x128xi32, #tpu.memory_space<hbm>> -> memref<40x128xi32, #tpu.memory_space<hbm>>
      %dma_start3A_32 = arith.constant 0 : i32
      %dma_start3A_33 = arith.constant 0 : i32
      %dma_start3A_34 = tpu.memref_slice %arg4[%arg1, %dma_start3A_32, %dma_start3A_33] : memref<16x40x128xi32, #tpu.memory_space<hbm>> -> memref<1x40x128xi32, #tpu.memory_space<hbm>>
      %dma_start3A_35 = tpu.memref_squeeze %dma_start3A_34 : memref<1x40x128xi32, #tpu.memory_space<hbm>> -> memref<40x128xi32, #tpu.memory_space<hbm>>
      tpu.enqueue_dma source(%dma_start3A_35 : memref<40x128xi32, #tpu.memory_space<hbm>>) target(%arg8 : memref<40x128xi32, #tpu.memory_space<vmem>>) target_semaphore(%run_scoped3A : memref<!tpu.dma_semaphore, #tpu.memory_space<semaphore_mem>>)
      %dma_wait3A = arith.constant 0 : i32
      %dma_wait3A_36 = arith.constant 0 : i32
      %dma_wait3A_37 = tpu.memref_slice %arg4[%arg1, %dma_wait3A, %dma_wait3A_36] : memref<16x40x128xi32, #tpu.memory_space<hbm>> -> memref<1x40x128xi32, #tpu.memory_space<hbm>>
      %dma_wait3A_38 = tpu.memref_squeeze %dma_wait3A_37 : memref<1x40x128xi32, #tpu.memory_space<hbm>> -> memref<40x128xi32, #tpu.memory_space<hbm>>
      %dma_wait3A_39 = arith.constant 0 : i32
      %dma_wait3A_40 = arith.constant 0 : i32
      %dma_wait3A_41 = tpu.memref_slice %arg4[%arg1, %dma_wait3A_39, %dma_wait3A_40] : memref<16x40x128xi32, #tpu.memory_space<hbm>> -> memref<1x40x128xi32, #tpu.memory_space<hbm>>
      %dma_wait3A_42 = tpu.memref_squeeze %dma_wait3A_41 : memref<1x40x128xi32, #tpu.memory_space<hbm>> -> memref<40x128xi32, #tpu.memory_space<hbm>>
      tpu.wait_dma2 semaphore(%run_scoped3A : memref<!tpu.dma_semaphore, #tpu.memory_space<semaphore_mem>>) src(%dma_wait3A_42 : memref<40x128xi32, #tpu.memory_space<hbm>>) dst(%arg8 : memref<40x128xi32, #tpu.memory_space<vmem>>)
      tpu.yield
    }) : () -> ()
    %mul3A_1 = arith.constant 632 : i32
    %mul3A_2 = arith.muli %arg1, %mul3A_1 : i32
    %mul3A_3 = arith.constant 632 : i32
    %mul3A_4 = arith.muli %arg1, %mul3A_3 : i32
    "tpu.region"() ({
      %run_scoped3A = tpu.sem_alloc : memref<!tpu.dma_semaphore, #tpu.memory_space<semaphore_mem>>
      %dma_start3A_28 = arith.constant 0 : i32
      %dma_start3A_29 = tpu.memref_slice %arg13[%mul3A_4, %dma_start3A_28] : memref<10112x128xf32, #tpu.memory_space<vmem_shared>> -> memref<632x128xf32, #tpu.memory_space<vmem_shared>>
      %dma_start3A_30 = arith.constant 0 : i32
      %dma_start3A_31 = arith.constant 0 : i32
      %dma_start3A_32 = tpu.memref_slice %arg5[%arg0, %dma_start3A_30, %dma_start3A_31] : memref<2x10112x128xf32, #tpu.memory_space<hbm>> -> memref<1x10112x128xf32, #tpu.memory_space<hbm>>
      %dma_start3A_33 = tpu.memref_squeeze %dma_start3A_32 : memref<1x10112x128xf32, #tpu.memory_space<hbm>> -> memref<10112x128xf32, #tpu.memory_space<hbm>>
      %dma_start3A_34 = arith.constant 0 : i32
      %dma_start3A_35 = tpu.memref_slice %dma_start3A_33[%mul3A_2, %dma_start3A_34] : memref<10112x128xf32, #tpu.memory_space<hbm>> -> memref<632x128xf32, #tpu.memory_space<hbm>>
      tpu.enqueue_dma source(%dma_start3A_35 : memref<632x128xf32, #tpu.memory_space<hbm>>) target(%dma_start3A_29 : memref<632x128xf32, #tpu.memory_space<vmem_shared>>) target_semaphore(%run_scoped3A : memref<!tpu.dma_semaphore, #tpu.memory_space<semaphore_mem>>)
      %dma_wait3A = arith.constant 0 : i32
      %dma_wait3A_36 = tpu.memref_slice %arg13[%mul3A_4, %dma_wait3A] : memref<10112x128xf32, #tpu.memory_space<vmem_shared>> -> memref<632x128xf32, #tpu.memory_space<vmem_shared>>
      %dma_wait3A_37 = arith.constant 0 : i32
      %dma_wait3A_38 = arith.constant 0 : i32
      %dma_wait3A_39 = tpu.memref_slice %arg5[%arg0, %dma_wait3A_37, %dma_wait3A_38] : memref<2x10112x128xf32, #tpu.memory_space<hbm>> -> memref<1x10112x128xf32, #tpu.memory_space<hbm>>
      %dma_wait3A_40 = tpu.memref_squeeze %dma_wait3A_39 : memref<1x10112x128xf32, #tpu.memory_space<hbm>> -> memref<10112x128xf32, #tpu.memory_space<hbm>>
      %dma_wait3A_41 = arith.constant 0 : i32
      %dma_wait3A_42 = tpu.memref_slice %dma_wait3A_40[%mul3A_2, %dma_wait3A_41] : memref<10112x128xf32, #tpu.memory_space<hbm>> -> memref<632x128xf32, #tpu.memory_space<hbm>>
      tpu.wait_dma2 semaphore(%run_scoped3A : memref<!tpu.dma_semaphore, #tpu.memory_space<semaphore_mem>>) src(%dma_wait3A_42 : memref<632x128xf32, #tpu.memory_space<hbm>>) dst(%dma_wait3A_36 : memref<632x128xf32, #tpu.memory_space<vmem_shared>>)
      tpu.yield
    }) : () -> ()
    %barrier3A = arith.constant 0 : index
    tpu.barrier barrier_id(%barrier3A)
    %dma_start3A = arith.constant 0 : i32
    %dma_start3A_5 = arith.constant 0 : i32
    %dma_start3A_6 = tpu.memref_slice %arg7[%dma_start3A, %dma_start3A_5] : memref<40x128xi32, #tpu.memory_space<vmem>> -> memref<1x128xi32, #tpu.memory_space<vmem>>
    %dma_start3A_7 = tpu.memref_squeeze %dma_start3A_6 : memref<1x128xi32, #tpu.memory_space<vmem>> -> memref<128xi32, #tpu.memory_space<vmem>>
    %dma_start3A_8 = arith.constant 0 : i32
    %dma_start3A_9 = arith.constant 0 : i32
    %dma_start3A_10 = tpu.memref_slice %arg2[%dma_start3A_8, %dma_start3A_9] : memref<20000x128xf32, #tpu.memory_space<hbm>> -> memref<20000x128xf32, #tpu.memory_space<hbm>>
    tpu.enqueue_indirect_dma source(%dma_start3A_10 : memref<20000x128xf32, #tpu.memory_space<hbm>>) target(%arg9 : memref<128x128xf32, #tpu.memory_space<vmem>>) offsets(%dma_start3A_7 : memref<128xi32, #tpu.memory_space<vmem>>) semaphore(%arg11 : memref<!tpu.dma_semaphore, #tpu.memory_space<semaphore_mem>>)
    %dma_start3A_11 = arith.constant 1 : i32
    %dma_start3A_12 = arith.constant 0 : i32
    %dma_start3A_13 = tpu.memref_slice %arg7[%dma_start3A_11, %dma_start3A_12] : memref<40x128xi32, #tpu.memory_space<vmem>> -> memref<1x128xi32, #tpu.memory_space<vmem>>
    %dma_start3A_14 = tpu.memref_squeeze %dma_start3A_13 : memref<1x128xi32, #tpu.memory_space<vmem>> -> memref<128xi32, #tpu.memory_space<vmem>>
    %dma_start3A_15 = arith.constant 0 : i32
    %dma_start3A_16 = arith.constant 0 : i32
    %dma_start3A_17 = tpu.memref_slice %arg2[%dma_start3A_15, %dma_start3A_16] : memref<20000x128xf32, #tpu.memory_space<hbm>> -> memref<20000x128xf32, #tpu.memory_space<hbm>>
    tpu.enqueue_indirect_dma source(%dma_start3A_17 : memref<20000x128xf32, #tpu.memory_space<hbm>>) target(%arg10 : memref<128x128xf32, #tpu.memory_space<vmem>>) offsets(%dma_start3A_14 : memref<128xi32, #tpu.memory_space<vmem>>) semaphore(%arg12 : memref<!tpu.dma_semaphore, #tpu.memory_space<semaphore_mem>>)
    %scan3A = arith.constant 0 : i32
    %scan3A_18 = arith.constant 0 : i32
    %scan3A_19 = arith.constant 20 : i32
    %scan3A_20 = arith.addi %scan3A_18, %scan3A_19 : i32
    %scan3A_21 = arith.constant 1 : i32
    scf.for %scan3A_28 = %scan3A_18 to %scan3A_20 step %scan3A_21  : i32 {
      %mul3A_29 = arith.constant 2 : i32
      %mul3A_30 = arith.muli %mul3A_29, %scan3A_28 : i32
      %add3A_31 = arith.constant 1 : i32
      %add3A_32 = arith.addi %mul3A_30, %add3A_31 : i32
      %dma_wait3A = arith.constant 0 : i32
      %dma_wait3A_33 = tpu.memref_slice %arg7[%mul3A_30, %dma_wait3A] : memref<40x128xi32, #tpu.memory_space<vmem>> -> memref<1x128xi32, #tpu.memory_space<vmem>>
      %dma_wait3A_34 = tpu.memref_squeeze %dma_wait3A_33 : memref<1x128xi32, #tpu.memory_space<vmem>> -> memref<128xi32, #tpu.memory_space<vmem>>
      %dma_wait3A_35 = arith.constant 0 : i32
      %dma_wait3A_36 = arith.constant 0 : i32
      %dma_wait3A_37 = tpu.memref_slice %arg2[%dma_wait3A_35, %dma_wait3A_36] : memref<20000x128xf32, #tpu.memory_space<hbm>> -> memref<20000x128xf32, #tpu.memory_space<hbm>>
      tpu.wait_indirect_dma semaphore(%arg11 : memref<!tpu.dma_semaphore, #tpu.memory_space<semaphore_mem>>) src(%dma_wait3A_37 : memref<20000x128xf32, #tpu.memory_space<hbm>>) dst(%arg9 : memref<128x128xf32, #tpu.memory_space<vmem>>)
      "tpu.region"() ({
        %run_scoped3A = tpu.sem_alloc : memref<!tpu.dma_semaphore, #tpu.memory_space<semaphore_mem>>
        %dma_start3A_51 = arith.constant 0 : i32
        %dma_start3A_52 = tpu.memref_slice %arg8[%mul3A_30, %dma_start3A_51] : memref<40x128xi32, #tpu.memory_space<vmem>> -> memref<1x128xi32, #tpu.memory_space<vmem>>
        %dma_start3A_53 = tpu.memref_squeeze %dma_start3A_52 : memref<1x128xi32, #tpu.memory_space<vmem>> -> memref<128xi32, #tpu.memory_space<vmem>>
        %dma_start3A_54 = arith.constant 0 : i32
        %dma_start3A_55 = arith.constant 0 : i32
        %dma_start3A_56 = tpu.memref_slice %arg13[%dma_start3A_54, %dma_start3A_55] : memref<10112x128xf32, #tpu.memory_space<vmem_shared>> -> memref<10112x128xf32, #tpu.memory_space<vmem_shared>>
        tpu.enqueue_indirect_dma source(%arg9 : memref<128x128xf32, #tpu.memory_space<vmem>>) target(%dma_start3A_56 : memref<10112x128xf32, #tpu.memory_space<vmem_shared>>) offsets(%dma_start3A_53 : memref<128xi32, #tpu.memory_space<vmem>>) semaphore(%run_scoped3A : memref<!tpu.dma_semaphore, #tpu.memory_space<semaphore_mem>>) {add = true}
        %dma_wait3A_57 = arith.constant 0 : i32
        %dma_wait3A_58 = tpu.memref_slice %arg8[%mul3A_30, %dma_wait3A_57] : memref<40x128xi32, #tpu.memory_space<vmem>> -> memref<1x128xi32, #tpu.memory_space<vmem>>
        %dma_wait3A_59 = tpu.memref_squeeze %dma_wait3A_58 : memref<1x128xi32, #tpu.memory_space<vmem>> -> memref<128xi32, #tpu.memory_space<vmem>>
        %dma_wait3A_60 = arith.constant 0 : i32
        %dma_wait3A_61 = arith.constant 0 : i32
        %dma_wait3A_62 = tpu.memref_slice %arg13[%dma_wait3A_60, %dma_wait3A_61] : memref<10112x128xf32, #tpu.memory_space<vmem_shared>> -> memref<10112x128xf32, #tpu.memory_space<vmem_shared>>
        tpu.wait_indirect_dma semaphore(%run_scoped3A : memref<!tpu.dma_semaphore, #tpu.memory_space<semaphore_mem>>) src(%arg9 : memref<128x128xf32, #tpu.memory_space<vmem>>) dst(%dma_wait3A_62 : memref<10112x128xf32, #tpu.memory_space<vmem_shared>>)
        tpu.yield
      }) : () -> ()
      %lt3A = arith.constant 19 : i32
      %lt3A_38 = arith.cmpi slt, %scan3A_28, %lt3A : i32
      %convert_element_type3A = arith.extui %lt3A_38 : i1 to i32
      %cond3A = arith.constant 0 : i32
      %cond3A_39 = arith.cmpi ne, %convert_element_type3A, %cond3A : i32
      scf.if %cond3A_39 {
        %add3A_51 = arith.constant 2 : i32
        %add3A_52 = arith.addi %mul3A_30, %add3A_51 : i32
        %dma_start3A_53 = arith.constant 0 : i32
        %dma_start3A_54 = tpu.memref_slice %arg7[%add3A_52, %dma_start3A_53] : memref<40x128xi32, #tpu.memory_space<vmem>> -> memref<1x128xi32, #tpu.memory_space<vmem>>
        %dma_start3A_55 = tpu.memref_squeeze %dma_start3A_54 : memref<1x128xi32, #tpu.memory_space<vmem>> -> memref<128xi32, #tpu.memory_space<vmem>>
        %dma_start3A_56 = arith.constant 0 : i32
        %dma_start3A_57 = arith.constant 0 : i32
        %dma_start3A_58 = tpu.memref_slice %arg2[%dma_start3A_56, %dma_start3A_57] : memref<20000x128xf32, #tpu.memory_space<hbm>> -> memref<20000x128xf32, #tpu.memory_space<hbm>>
        tpu.enqueue_indirect_dma source(%dma_start3A_58 : memref<20000x128xf32, #tpu.memory_space<hbm>>) target(%arg9 : memref<128x128xf32, #tpu.memory_space<vmem>>) offsets(%dma_start3A_55 : memref<128xi32, #tpu.memory_space<vmem>>) semaphore(%arg11 : memref<!tpu.dma_semaphore, #tpu.memory_space<semaphore_mem>>)
      } else {
      }
      %dma_wait3A_40 = arith.constant 0 : i32
      %dma_wait3A_41 = tpu.memref_slice %arg7[%add3A_32, %dma_wait3A_40] : memref<40x128xi32, #tpu.memory_space<vmem>> -> memref<1x128xi32, #tpu.memory_space<vmem>>
      %dma_wait3A_42 = tpu.memref_squeeze %dma_wait3A_41 : memref<1x128xi32, #tpu.memory_space<vmem>> -> memref<128xi32, #tpu.memory_space<vmem>>
      %dma_wait3A_43 = arith.constant 0 : i32
      %dma_wait3A_44 = arith.constant 0 : i32
      %dma_wait3A_45 = tpu.memref_slice %arg2[%dma_wait3A_43, %dma_wait3A_44] : memref<20000x128xf32, #tpu.memory_space<hbm>> -> memref<20000x128xf32, #tpu.memory_space<hbm>>
      tpu.wait_indirect_dma semaphore(%arg12 : memref<!tpu.dma_semaphore, #tpu.memory_space<semaphore_mem>>) src(%dma_wait3A_45 : memref<20000x128xf32, #tpu.memory_space<hbm>>) dst(%arg10 : memref<128x128xf32, #tpu.memory_space<vmem>>)
      "tpu.region"() ({
        %run_scoped3A = tpu.sem_alloc : memref<!tpu.dma_semaphore, #tpu.memory_space<semaphore_mem>>
        %dma_start3A_51 = arith.constant 0 : i32
        %dma_start3A_52 = tpu.memref_slice %arg8[%add3A_32, %dma_start3A_51] : memref<40x128xi32, #tpu.memory_space<vmem>> -> memref<1x128xi32, #tpu.memory_space<vmem>>
        %dma_start3A_53 = tpu.memref_squeeze %dma_start3A_52 : memref<1x128xi32, #tpu.memory_space<vmem>> -> memref<128xi32, #tpu.memory_space<vmem>>
        %dma_start3A_54 = arith.constant 0 : i32
        %dma_start3A_55 = arith.constant 0 : i32
        %dma_start3A_56 = tpu.memref_slice %arg13[%dma_start3A_54, %dma_start3A_55] : memref<10112x128xf32, #tpu.memory_space<vmem_shared>> -> memref<10112x128xf32, #tpu.memory_space<vmem_shared>>
        tpu.enqueue_indirect_dma source(%arg10 : memref<128x128xf32, #tpu.memory_space<vmem>>) target(%dma_start3A_56 : memref<10112x128xf32, #tpu.memory_space<vmem_shared>>) offsets(%dma_start3A_53 : memref<128xi32, #tpu.memory_space<vmem>>) semaphore(%run_scoped3A : memref<!tpu.dma_semaphore, #tpu.memory_space<semaphore_mem>>) {add = true}
        %dma_wait3A_57 = arith.constant 0 : i32
        %dma_wait3A_58 = tpu.memref_slice %arg8[%add3A_32, %dma_wait3A_57] : memref<40x128xi32, #tpu.memory_space<vmem>> -> memref<1x128xi32, #tpu.memory_space<vmem>>
        %dma_wait3A_59 = tpu.memref_squeeze %dma_wait3A_58 : memref<1x128xi32, #tpu.memory_space<vmem>> -> memref<128xi32, #tpu.memory_space<vmem>>
        %dma_wait3A_60 = arith.constant 0 : i32
        %dma_wait3A_61 = arith.constant 0 : i32
        %dma_wait3A_62 = tpu.memref_slice %arg13[%dma_wait3A_60, %dma_wait3A_61] : memref<10112x128xf32, #tpu.memory_space<vmem_shared>> -> memref<10112x128xf32, #tpu.memory_space<vmem_shared>>
        tpu.wait_indirect_dma semaphore(%run_scoped3A : memref<!tpu.dma_semaphore, #tpu.memory_space<semaphore_mem>>) src(%arg10 : memref<128x128xf32, #tpu.memory_space<vmem>>) dst(%dma_wait3A_62 : memref<10112x128xf32, #tpu.memory_space<vmem_shared>>)
        tpu.yield
      }) : () -> ()
      %lt3A_46 = arith.constant 19 : i32
      %lt3A_47 = arith.cmpi slt, %scan3A_28, %lt3A_46 : i32
      %convert_element_type3A_48 = arith.extui %lt3A_47 : i1 to i32
      %cond3A_49 = arith.constant 0 : i32
      %cond3A_50 = arith.cmpi ne, %convert_element_type3A_48, %cond3A_49 : i32
      scf.if %cond3A_50 {
        %add3A_51 = arith.constant 2 : i32
        %add3A_52 = arith.addi %add3A_32, %add3A_51 : i32
        %dma_start3A_53 = arith.constant 0 : i32
        %dma_start3A_54 = tpu.memref_slice %arg7[%add3A_52, %dma_start3A_53] : memref<40x128xi32, #tpu.memory_space<vmem>> -> memref<1x128xi32, #tpu.memory_space<vmem>>
        %dma_start3A_55 = tpu.memref_squeeze %dma_start3A_54 : memref<1x128xi32, #tpu.memory_space<vmem>> -> memref<128xi32, #tpu.memory_space<vmem>>
        %dma_start3A_56 = arith.constant 0 : i32
        %dma_start3A_57 = arith.constant 0 : i32
        %dma_start3A_58 = tpu.memref_slice %arg2[%dma_start3A_56, %dma_start3A_57] : memref<20000x128xf32, #tpu.memory_space<hbm>> -> memref<20000x128xf32, #tpu.memory_space<hbm>>
        tpu.enqueue_indirect_dma source(%dma_start3A_58 : memref<20000x128xf32, #tpu.memory_space<hbm>>) target(%arg10 : memref<128x128xf32, #tpu.memory_space<vmem>>) offsets(%dma_start3A_55 : memref<128xi32, #tpu.memory_space<vmem>>) semaphore(%arg12 : memref<!tpu.dma_semaphore, #tpu.memory_space<semaphore_mem>>)
      } else {
      }
    }
    %scan3A_22 = arith.constant 20 : i32
    %barrier3A_23 = arith.constant 0 : index
    tpu.barrier barrier_id(%barrier3A_23)
    %mul3A_24 = arith.constant 632 : i32
    %mul3A_25 = arith.muli %arg1, %mul3A_24 : i32
    %mul3A_26 = arith.constant 632 : i32
    %mul3A_27 = arith.muli %arg1, %mul3A_26 : i32
    "tpu.region"() ({
      %run_scoped3A = tpu.sem_alloc : memref<!tpu.dma_semaphore, #tpu.memory_space<semaphore_mem>>
      %dma_start3A_28 = arith.constant 0 : i32
      %dma_start3A_29 = arith.constant 0 : i32
      %dma_start3A_30 = tpu.memref_slice %arg6[%arg0, %dma_start3A_28, %dma_start3A_29] : memref<2x10112x128xf32, #tpu.memory_space<hbm>> -> memref<1x10112x128xf32, #tpu.memory_space<hbm>>
      %dma_start3A_31 = tpu.memref_squeeze %dma_start3A_30 : memref<1x10112x128xf32, #tpu.memory_space<hbm>> -> memref<10112x128xf32, #tpu.memory_space<hbm>>
      %dma_start3A_32 = arith.constant 0 : i32
      %dma_start3A_33 = tpu.memref_slice %dma_start3A_31[%mul3A_27, %dma_start3A_32] : memref<10112x128xf32, #tpu.memory_space<hbm>> -> memref<632x128xf32, #tpu.memory_space<hbm>>
      %dma_start3A_34 = arith.constant 0 : i32
      %dma_start3A_35 = tpu.memref_slice %arg13[%mul3A_25, %dma_start3A_34] : memref<10112x128xf32, #tpu.memory_space<vmem_shared>> -> memref<632x128xf32, #tpu.memory_space<vmem_shared>>
      tpu.enqueue_dma source(%dma_start3A_35 : memref<632x128xf32, #tpu.memory_space<vmem_shared>>) target(%dma_start3A_33 : memref<632x128xf32, #tpu.memory_space<hbm>>) target_semaphore(%run_scoped3A : memref<!tpu.dma_semaphore, #tpu.memory_space<semaphore_mem>>)
      %dma_wait3A = arith.constant 0 : i32
      %dma_wait3A_36 = arith.constant 0 : i32
      %dma_wait3A_37 = tpu.memref_slice %arg6[%arg0, %dma_wait3A, %dma_wait3A_36] : memref<2x10112x128xf32, #tpu.memory_space<hbm>> -> memref<1x10112x128xf32, #tpu.memory_space<hbm>>
      %dma_wait3A_38 = tpu.memref_squeeze %dma_wait3A_37 : memref<1x10112x128xf32, #tpu.memory_space<hbm>> -> memref<10112x128xf32, #tpu.memory_space<hbm>>
      %dma_wait3A_39 = arith.constant 0 : i32
      %dma_wait3A_40 = tpu.memref_slice %dma_wait3A_38[%mul3A_27, %dma_wait3A_39] : memref<10112x128xf32, #tpu.memory_space<hbm>> -> memref<632x128xf32, #tpu.memory_space<hbm>>
      %dma_wait3A_41 = arith.constant 0 : i32
      %dma_wait3A_42 = tpu.memref_slice %arg13[%mul3A_25, %dma_wait3A_41] : memref<10112x128xf32, #tpu.memory_space<vmem_shared>> -> memref<632x128xf32, #tpu.memory_space<vmem_shared>>
      tpu.wait_dma2 semaphore(%run_scoped3A : memref<!tpu.dma_semaphore, #tpu.memory_space<semaphore_mem>>) src(%dma_wait3A_42 : memref<632x128xf32, #tpu.memory_space<vmem_shared>>) dst(%dma_wait3A_40 : memref<632x128xf32, #tpu.memory_space<hbm>>)
      tpu.yield
    }) : () -> ()
    return
  }
}

#map = affine_map<(d0, d1) -> (0, 0)>
#map1 = affine_map<(d0, d1) -> (0, 0, 0)>
module attributes {stable_mosaic.version = 14 : i64} {
  func.func @_agg_kernel(%arg0: i32, %arg1: i32, %arg2: memref<20000x128xf32, #tpu.memory_space<hbm>>, %arg3: memref<32x40x128xi32, #tpu.memory_space<hbm>>, %arg4: memref<16x40x128xi32, #tpu.memory_space<hbm>>, %arg5: memref<2x10112x128xf32, #tpu.memory_space<hbm>>, %arg6: memref<2x10112x128xf32, #tpu.memory_space<hbm>>, %arg7: memref<40x128xi32, #tpu.memory_space<vmem>>, %arg8: memref<40x128xi32, #tpu.memory_space<vmem>>, %arg9: memref<128x128xf32, #tpu.memory_space<vmem>>, %arg10: memref<128x128xf32, #tpu.memory_space<vmem>>, %arg11: memref<!tpu.dma_semaphore, #tpu.memory_space<semaphore_mem>>, %arg12: memref<!tpu.dma_semaphore, #tpu.memory_space<semaphore_mem>>, %arg13: memref<10112x128xf32, #tpu.memory_space<vmem_shared>>) attributes {dimension_semantics = [#tpu.dimension_semantics<core_parallel>, #tpu.dimension_semantics<subcore_parallel>], iteration_bounds = array<i64: 2, 16>, scalar_prefetch = 0 : i64, scratch_operands = 7 : i64, tpu.core_type = #tpu.core_type<sc_vector_subcore>, window_params = [{transform_indices = #map}, {transform_indices = #map1}, {transform_indices = #map1}, {transform_indices = #map1}, {transform_indices = #map1}]} {
    %mul3A = arith.constant 16 : i32
    %mul3A_0 = arith.muli %arg0, %mul3A : i32
    %add3A = arith.addi %mul3A_0, %arg1 : i32
    "tpu.region"() ({
      %run_scoped3A = tpu.sem_alloc : memref<!tpu.dma_semaphore, #tpu.memory_space<semaphore_mem>>
      %dma_start3A_28 = arith.constant 0 : i32
      %dma_start3A_29 = arith.constant 0 : i32
      %dma_start3A_30 = tpu.memref_slice %arg3[%add3A, %dma_start3A_28, %dma_start3A_29] : memref<32x40x128xi32, #tpu.memory_space<hbm>> -> memref<1x40x128xi32, #tpu.memory_space<hbm>>
      %dma_start3A_31 = tpu.memref_squeeze %dma_start3A_30 : memref<1x40x128xi32, #tpu.memory_space<hbm>> -> memref<40x128xi32, #tpu.memory_space<hbm>>
      %dma_start3A_32 = arith.constant 0 : i32
      %dma_start3A_33 = arith.constant 0 : i32
      %dma_start3A_34 = tpu.memref_slice %arg3[%add3A, %dma_start3A_32, %dma_start3A_33] : memref<32x40x128xi32, #tpu.memory_space<hbm>> -> memref<1x40x128xi32, #tpu.memory_space<hbm>>
      %dma_start3A_35 = tpu.memref_squeeze %dma_start3A_34 : memref<1x40x128xi32, #tpu.memory_space<hbm>> -> memref<40x128xi32, #tpu.memory_space<hbm>>
      tpu.enqueue_dma source(%dma_start3A_35 : memref<40x128xi32, #tpu.memory_space<hbm>>) target(%arg7 : memref<40x128xi32, #tpu.memory_space<vmem>>) target_semaphore(%run_scoped3A : memref<!tpu.dma_semaphore, #tpu.memory_space<semaphore_mem>>)
      %dma_wait3A = arith.constant 0 : i32
      %dma_wait3A_36 = arith.constant 0 : i32
      %dma_wait3A_37 = tpu.memref_slice %arg3[%add3A, %dma_wait3A, %dma_wait3A_36] : memref<32x40x128xi32, #tpu.memory_space<hbm>> -> memref<1x40x128xi32, #tpu.memory_space<hbm>>
      %dma_wait3A_38 = tpu.memref_squeeze %dma_wait3A_37 : memref<1x40x128xi32, #tpu.memory_space<hbm>> -> memref<40x128xi32, #tpu.memory_space<hbm>>
      %dma_wait3A_39 = arith.constant 0 : i32
      %dma_wait3A_40 = arith.constant 0 : i32
      %dma_wait3A_41 = tpu.memref_slice %arg3[%add3A, %dma_wait3A_39, %dma_wait3A_40] : memref<32x40x128xi32, #tpu.memory_space<hbm>> -> memref<1x40x128xi32, #tpu.memory_space<hbm>>
      %dma_wait3A_42 = tpu.memref_squeeze %dma_wait3A_41 : memref<1x40x128xi32, #tpu.memory_space<hbm>> -> memref<40x128xi32, #tpu.memory_space<hbm>>
      tpu.wait_dma2 semaphore(%run_scoped3A : memref<!tpu.dma_semaphore, #tpu.memory_space<semaphore_mem>>) src(%dma_wait3A_42 : memref<40x128xi32, #tpu.memory_space<hbm>>) dst(%arg7 : memref<40x128xi32, #tpu.memory_space<vmem>>)
      tpu.yield
    }) : () -> ()
    "tpu.region"() ({
      %run_scoped3A = tpu.sem_alloc : memref<!tpu.dma_semaphore, #tpu.memory_space<semaphore_mem>>
      %dma_start3A_28 = arith.constant 0 : i32
      %dma_start3A_29 = arith.constant 0 : i32
      %dma_start3A_30 = tpu.memref_slice %arg4[%arg1, %dma_start3A_28, %dma_start3A_29] : memref<16x40x128xi32, #tpu.memory_space<hbm>> -> memref<1x40x128xi32, #tpu.memory_space<hbm>>
      %dma_start3A_31 = tpu.memref_squeeze %dma_start3A_30 : memref<1x40x128xi32, #tpu.memory_space<hbm>> -> memref<40x128xi32, #tpu.memory_space<hbm>>
      %dma_start3A_32 = arith.constant 0 : i32
      %dma_start3A_33 = arith.constant 0 : i32
      %dma_start3A_34 = tpu.memref_slice %arg4[%arg1, %dma_start3A_32, %dma_start3A_33] : memref<16x40x128xi32, #tpu.memory_space<hbm>> -> memref<1x40x128xi32, #tpu.memory_space<hbm>>
      %dma_start3A_35 = tpu.memref_squeeze %dma_start3A_34 : memref<1x40x128xi32, #tpu.memory_space<hbm>> -> memref<40x128xi32, #tpu.memory_space<hbm>>
      tpu.enqueue_dma source(%dma_start3A_35 : memref<40x128xi32, #tpu.memory_space<hbm>>) target(%arg8 : memref<40x128xi32, #tpu.memory_space<vmem>>) target_semaphore(%run_scoped3A : memref<!tpu.dma_semaphore, #tpu.memory_space<semaphore_mem>>)
      %dma_wait3A = arith.constant 0 : i32
      %dma_wait3A_36 = arith.constant 0 : i32
      %dma_wait3A_37 = tpu.memref_slice %arg4[%arg1, %dma_wait3A, %dma_wait3A_36] : memref<16x40x128xi32, #tpu.memory_space<hbm>> -> memref<1x40x128xi32, #tpu.memory_space<hbm>>
      %dma_wait3A_38 = tpu.memref_squeeze %dma_wait3A_37 : memref<1x40x128xi32, #tpu.memory_space<hbm>> -> memref<40x128xi32, #tpu.memory_space<hbm>>
      %dma_wait3A_39 = arith.constant 0 : i32
      %dma_wait3A_40 = arith.constant 0 : i32
      %dma_wait3A_41 = tpu.memref_slice %arg4[%arg1, %dma_wait3A_39, %dma_wait3A_40] : memref<16x40x128xi32, #tpu.memory_space<hbm>> -> memref<1x40x128xi32, #tpu.memory_space<hbm>>
      %dma_wait3A_42 = tpu.memref_squeeze %dma_wait3A_41 : memref<1x40x128xi32, #tpu.memory_space<hbm>> -> memref<40x128xi32, #tpu.memory_space<hbm>>
      tpu.wait_dma2 semaphore(%run_scoped3A : memref<!tpu.dma_semaphore, #tpu.memory_space<semaphore_mem>>) src(%dma_wait3A_42 : memref<40x128xi32, #tpu.memory_space<hbm>>) dst(%arg8 : memref<40x128xi32, #tpu.memory_space<vmem>>)
      tpu.yield
    }) : () -> ()
    %mul3A_1 = arith.constant 632 : i32
    %mul3A_2 = arith.muli %arg1, %mul3A_1 : i32
    %mul3A_3 = arith.constant 632 : i32
    %mul3A_4 = arith.muli %arg1, %mul3A_3 : i32
    "tpu.region"() ({
      %run_scoped3A = tpu.sem_alloc : memref<!tpu.dma_semaphore, #tpu.memory_space<semaphore_mem>>
      %dma_start3A_28 = arith.constant 0 : i32
      %dma_start3A_29 = tpu.memref_slice %arg13[%mul3A_4, %dma_start3A_28] : memref<10112x128xf32, #tpu.memory_space<vmem_shared>> -> memref<632x128xf32, #tpu.memory_space<vmem_shared>>
      %dma_start3A_30 = arith.constant 0 : i32
      %dma_start3A_31 = arith.constant 0 : i32
      %dma_start3A_32 = tpu.memref_slice %arg5[%arg0, %dma_start3A_30, %dma_start3A_31] : memref<2x10112x128xf32, #tpu.memory_space<hbm>> -> memref<1x10112x128xf32, #tpu.memory_space<hbm>>
      %dma_start3A_33 = tpu.memref_squeeze %dma_start3A_32 : memref<1x10112x128xf32, #tpu.memory_space<hbm>> -> memref<10112x128xf32, #tpu.memory_space<hbm>>
      %dma_start3A_34 = arith.constant 0 : i32
      %dma_start3A_35 = tpu.memref_slice %dma_start3A_33[%mul3A_2, %dma_start3A_34] : memref<10112x128xf32, #tpu.memory_space<hbm>> -> memref<632x128xf32, #tpu.memory_space<hbm>>
      tpu.enqueue_dma source(%dma_start3A_35 : memref<632x128xf32, #tpu.memory_space<hbm>>) target(%dma_start3A_29 : memref<632x128xf32, #tpu.memory_space<vmem_shared>>) target_semaphore(%run_scoped3A : memref<!tpu.dma_semaphore, #tpu.memory_space<semaphore_mem>>)
      %dma_wait3A = arith.constant 0 : i32
      %dma_wait3A_36 = tpu.memref_slice %arg13[%mul3A_4, %dma_wait3A] : memref<10112x128xf32, #tpu.memory_space<vmem_shared>> -> memref<632x128xf32, #tpu.memory_space<vmem_shared>>
      %dma_wait3A_37 = arith.constant 0 : i32
      %dma_wait3A_38 = arith.constant 0 : i32
      %dma_wait3A_39 = tpu.memref_slice %arg5[%arg0, %dma_wait3A_37, %dma_wait3A_38] : memref<2x10112x128xf32, #tpu.memory_space<hbm>> -> memref<1x10112x128xf32, #tpu.memory_space<hbm>>
      %dma_wait3A_40 = tpu.memref_squeeze %dma_wait3A_39 : memref<1x10112x128xf32, #tpu.memory_space<hbm>> -> memref<10112x128xf32, #tpu.memory_space<hbm>>
      %dma_wait3A_41 = arith.constant 0 : i32
      %dma_wait3A_42 = tpu.memref_slice %dma_wait3A_40[%mul3A_2, %dma_wait3A_41] : memref<10112x128xf32, #tpu.memory_space<hbm>> -> memref<632x128xf32, #tpu.memory_space<hbm>>
      tpu.wait_dma2 semaphore(%run_scoped3A : memref<!tpu.dma_semaphore, #tpu.memory_space<semaphore_mem>>) src(%dma_wait3A_42 : memref<632x128xf32, #tpu.memory_space<hbm>>) dst(%dma_wait3A_36 : memref<632x128xf32, #tpu.memory_space<vmem_shared>>)
      tpu.yield
    }) : () -> ()
    %barrier3A = arith.constant 0 : index
    tpu.barrier barrier_id(%barrier3A)
    %dma_start3A = arith.constant 0 : i32
    %dma_start3A_5 = arith.constant 0 : i32
    %dma_start3A_6 = tpu.memref_slice %arg7[%dma_start3A, %dma_start3A_5] : memref<40x128xi32, #tpu.memory_space<vmem>> -> memref<1x128xi32, #tpu.memory_space<vmem>>
    %dma_start3A_7 = tpu.memref_squeeze %dma_start3A_6 : memref<1x128xi32, #tpu.memory_space<vmem>> -> memref<128xi32, #tpu.memory_space<vmem>>
    %dma_start3A_8 = arith.constant 0 : i32
    %dma_start3A_9 = arith.constant 0 : i32
    %dma_start3A_10 = tpu.memref_slice %arg2[%dma_start3A_8, %dma_start3A_9] : memref<20000x128xf32, #tpu.memory_space<hbm>> -> memref<20000x128xf32, #tpu.memory_space<hbm>>
    tpu.enqueue_indirect_dma source(%dma_start3A_10 : memref<20000x128xf32, #tpu.memory_space<hbm>>) target(%arg9 : memref<128x128xf32, #tpu.memory_space<vmem>>) offsets(%dma_start3A_7 : memref<128xi32, #tpu.memory_space<vmem>>) semaphore(%arg11 : memref<!tpu.dma_semaphore, #tpu.memory_space<semaphore_mem>>)
    %dma_start3A_11 = arith.constant 1 : i32
    %dma_start3A_12 = arith.constant 0 : i32
    %dma_start3A_13 = tpu.memref_slice %arg7[%dma_start3A_11, %dma_start3A_12] : memref<40x128xi32, #tpu.memory_space<vmem>> -> memref<1x128xi32, #tpu.memory_space<vmem>>
    %dma_start3A_14 = tpu.memref_squeeze %dma_start3A_13 : memref<1x128xi32, #tpu.memory_space<vmem>> -> memref<128xi32, #tpu.memory_space<vmem>>
    %dma_start3A_15 = arith.constant 0 : i32
    %dma_start3A_16 = arith.constant 0 : i32
    %dma_start3A_17 = tpu.memref_slice %arg2[%dma_start3A_15, %dma_start3A_16] : memref<20000x128xf32, #tpu.memory_space<hbm>> -> memref<20000x128xf32, #tpu.memory_space<hbm>>
    tpu.enqueue_indirect_dma source(%dma_start3A_17 : memref<20000x128xf32, #tpu.memory_space<hbm>>) target(%arg10 : memref<128x128xf32, #tpu.memory_space<vmem>>) offsets(%dma_start3A_14 : memref<128xi32, #tpu.memory_space<vmem>>) semaphore(%arg12 : memref<!tpu.dma_semaphore, #tpu.memory_space<semaphore_mem>>)
    %scan3A = arith.constant 0 : i32
    %scan3A_18 = arith.constant 0 : i32
    %scan3A_19 = arith.constant 20 : i32
    %scan3A_20 = arith.addi %scan3A_18, %scan3A_19 : i32
    %scan3A_21 = arith.constant 1 : i32
    scf.for %scan3A_28 = %scan3A_18 to %scan3A_20 step %scan3A_21  : i32 {
      %mul3A_29 = arith.constant 2 : i32
      %mul3A_30 = arith.muli %mul3A_29, %scan3A_28 : i32
      %add3A_31 = arith.constant 1 : i32
      %add3A_32 = arith.addi %mul3A_30, %add3A_31 : i32
      %dma_wait3A = arith.constant 0 : i32
      %dma_wait3A_33 = tpu.memref_slice %arg7[%mul3A_30, %dma_wait3A] : memref<40x128xi32, #tpu.memory_space<vmem>> -> memref<1x128xi32, #tpu.memory_space<vmem>>
      %dma_wait3A_34 = tpu.memref_squeeze %dma_wait3A_33 : memref<1x128xi32, #tpu.memory_space<vmem>> -> memref<128xi32, #tpu.memory_space<vmem>>
      %dma_wait3A_35 = arith.constant 0 : i32
      %dma_wait3A_36 = arith.constant 0 : i32
      %dma_wait3A_37 = tpu.memref_slice %arg2[%dma_wait3A_35, %dma_wait3A_36] : memref<20000x128xf32, #tpu.memory_space<hbm>> -> memref<20000x128xf32, #tpu.memory_space<hbm>>
      tpu.wait_indirect_dma semaphore(%arg11 : memref<!tpu.dma_semaphore, #tpu.memory_space<semaphore_mem>>) src(%dma_wait3A_37 : memref<20000x128xf32, #tpu.memory_space<hbm>>) dst(%arg9 : memref<128x128xf32, #tpu.memory_space<vmem>>)
      "tpu.region"() ({
        %run_scoped3A = tpu.sem_alloc : memref<!tpu.dma_semaphore, #tpu.memory_space<semaphore_mem>>
        %dma_start3A_51 = arith.constant 0 : i32
        %dma_start3A_52 = tpu.memref_slice %arg8[%mul3A_30, %dma_start3A_51] : memref<40x128xi32, #tpu.memory_space<vmem>> -> memref<1x128xi32, #tpu.memory_space<vmem>>
        %dma_start3A_53 = tpu.memref_squeeze %dma_start3A_52 : memref<1x128xi32, #tpu.memory_space<vmem>> -> memref<128xi32, #tpu.memory_space<vmem>>
        %dma_start3A_54 = arith.constant 0 : i32
        %dma_start3A_55 = arith.constant 0 : i32
        %dma_start3A_56 = tpu.memref_slice %arg13[%dma_start3A_54, %dma_start3A_55] : memref<10112x128xf32, #tpu.memory_space<vmem_shared>> -> memref<10112x128xf32, #tpu.memory_space<vmem_shared>>
        tpu.enqueue_indirect_dma source(%arg9 : memref<128x128xf32, #tpu.memory_space<vmem>>) target(%dma_start3A_56 : memref<10112x128xf32, #tpu.memory_space<vmem_shared>>) offsets(%dma_start3A_53 : memref<128xi32, #tpu.memory_space<vmem>>) semaphore(%run_scoped3A : memref<!tpu.dma_semaphore, #tpu.memory_space<semaphore_mem>>) {add = true}
        %dma_wait3A_57 = arith.constant 0 : i32
        %dma_wait3A_58 = tpu.memref_slice %arg8[%mul3A_30, %dma_wait3A_57] : memref<40x128xi32, #tpu.memory_space<vmem>> -> memref<1x128xi32, #tpu.memory_space<vmem>>
        %dma_wait3A_59 = tpu.memref_squeeze %dma_wait3A_58 : memref<1x128xi32, #tpu.memory_space<vmem>> -> memref<128xi32, #tpu.memory_space<vmem>>
        %dma_wait3A_60 = arith.constant 0 : i32
        %dma_wait3A_61 = arith.constant 0 : i32
        %dma_wait3A_62 = tpu.memref_slice %arg13[%dma_wait3A_60, %dma_wait3A_61] : memref<10112x128xf32, #tpu.memory_space<vmem_shared>> -> memref<10112x128xf32, #tpu.memory_space<vmem_shared>>
        tpu.wait_indirect_dma semaphore(%run_scoped3A : memref<!tpu.dma_semaphore, #tpu.memory_space<semaphore_mem>>) src(%arg9 : memref<128x128xf32, #tpu.memory_space<vmem>>) dst(%dma_wait3A_62 : memref<10112x128xf32, #tpu.memory_space<vmem_shared>>)
        tpu.yield
      }) : () -> ()
      %lt3A = arith.constant 19 : i32
      %lt3A_38 = arith.cmpi slt, %scan3A_28, %lt3A : i32
      %convert_element_type3A = arith.extui %lt3A_38 : i1 to i32
      %cond3A = arith.constant 0 : i32
      %cond3A_39 = arith.cmpi ne, %convert_element_type3A, %cond3A : i32
      scf.if %cond3A_39 {
        %add3A_51 = arith.constant 2 : i32
        %add3A_52 = arith.addi %mul3A_30, %add3A_51 : i32
        %dma_start3A_53 = arith.constant 0 : i32
        %dma_start3A_54 = tpu.memref_slice %arg7[%add3A_52, %dma_start3A_53] : memref<40x128xi32, #tpu.memory_space<vmem>> -> memref<1x128xi32, #tpu.memory_space<vmem>>
        %dma_start3A_55 = tpu.memref_squeeze %dma_start3A_54 : memref<1x128xi32, #tpu.memory_space<vmem>> -> memref<128xi32, #tpu.memory_space<vmem>>
        %dma_start3A_56 = arith.constant 0 : i32
        %dma_start3A_57 = arith.constant 0 : i32
        %dma_start3A_58 = tpu.memref_slice %arg2[%dma_start3A_56, %dma_start3A_57] : memref<20000x128xf32, #tpu.memory_space<hbm>> -> memref<20000x128xf32, #tpu.memory_space<hbm>>
        tpu.enqueue_indirect_dma source(%dma_start3A_58 : memref<20000x128xf32, #tpu.memory_space<hbm>>) target(%arg9 : memref<128x128xf32, #tpu.memory_space<vmem>>) offsets(%dma_start3A_55 : memref<128xi32, #tpu.memory_space<vmem>>) semaphore(%arg11 : memref<!tpu.dma_semaphore, #tpu.memory_space<semaphore_mem>>)
      } else {
      }
      %dma_wait3A_40 = arith.constant 0 : i32
      %dma_wait3A_41 = tpu.memref_slice %arg7[%add3A_32, %dma_wait3A_40] : memref<40x128xi32, #tpu.memory_space<vmem>> -> memref<1x128xi32, #tpu.memory_space<vmem>>
      %dma_wait3A_42 = tpu.memref_squeeze %dma_wait3A_41 : memref<1x128xi32, #tpu.memory_space<vmem>> -> memref<128xi32, #tpu.memory_space<vmem>>
      %dma_wait3A_43 = arith.constant 0 : i32
      %dma_wait3A_44 = arith.constant 0 : i32
      %dma_wait3A_45 = tpu.memref_slice %arg2[%dma_wait3A_43, %dma_wait3A_44] : memref<20000x128xf32, #tpu.memory_space<hbm>> -> memref<20000x128xf32, #tpu.memory_space<hbm>>
      tpu.wait_indirect_dma semaphore(%arg12 : memref<!tpu.dma_semaphore, #tpu.memory_space<semaphore_mem>>) src(%dma_wait3A_45 : memref<20000x128xf32, #tpu.memory_space<hbm>>) dst(%arg10 : memref<128x128xf32, #tpu.memory_space<vmem>>)
      "tpu.region"() ({
        %run_scoped3A = tpu.sem_alloc : memref<!tpu.dma_semaphore, #tpu.memory_space<semaphore_mem>>
        %dma_start3A_51 = arith.constant 0 : i32
        %dma_start3A_52 = tpu.memref_slice %arg8[%add3A_32, %dma_start3A_51] : memref<40x128xi32, #tpu.memory_space<vmem>> -> memref<1x128xi32, #tpu.memory_space<vmem>>
        %dma_start3A_53 = tpu.memref_squeeze %dma_start3A_52 : memref<1x128xi32, #tpu.memory_space<vmem>> -> memref<128xi32, #tpu.memory_space<vmem>>
        %dma_start3A_54 = arith.constant 0 : i32
        %dma_start3A_55 = arith.constant 0 : i32
        %dma_start3A_56 = tpu.memref_slice %arg13[%dma_start3A_54, %dma_start3A_55] : memref<10112x128xf32, #tpu.memory_space<vmem_shared>> -> memref<10112x128xf32, #tpu.memory_space<vmem_shared>>
        tpu.enqueue_indirect_dma source(%arg10 : memref<128x128xf32, #tpu.memory_space<vmem>>) target(%dma_start3A_56 : memref<10112x128xf32, #tpu.memory_space<vmem_shared>>) offsets(%dma_start3A_53 : memref<128xi32, #tpu.memory_space<vmem>>) semaphore(%run_scoped3A : memref<!tpu.dma_semaphore, #tpu.memory_space<semaphore_mem>>) {add = true}
        %dma_wait3A_57 = arith.constant 0 : i32
        %dma_wait3A_58 = tpu.memref_slice %arg8[%add3A_32, %dma_wait3A_57] : memref<40x128xi32, #tpu.memory_space<vmem>> -> memref<1x128xi32, #tpu.memory_space<vmem>>
        %dma_wait3A_59 = tpu.memref_squeeze %dma_wait3A_58 : memref<1x128xi32, #tpu.memory_space<vmem>> -> memref<128xi32, #tpu.memory_space<vmem>>
        %dma_wait3A_60 = arith.constant 0 : i32
        %dma_wait3A_61 = arith.constant 0 : i32
        %dma_wait3A_62 = tpu.memref_slice %arg13[%dma_wait3A_60, %dma_wait3A_61] : memref<10112x128xf32, #tpu.memory_space<vmem_shared>> -> memref<10112x128xf32, #tpu.memory_space<vmem_shared>>
        tpu.wait_indirect_dma semaphore(%run_scoped3A : memref<!tpu.dma_semaphore, #tpu.memory_space<semaphore_mem>>) src(%arg10 : memref<128x128xf32, #tpu.memory_space<vmem>>) dst(%dma_wait3A_62 : memref<10112x128xf32, #tpu.memory_space<vmem_shared>>)
        tpu.yield
      }) : () -> ()
      %lt3A_46 = arith.constant 19 : i32
      %lt3A_47 = arith.cmpi slt, %scan3A_28, %lt3A_46 : i32
      %convert_element_type3A_48 = arith.extui %lt3A_47 : i1 to i32
      %cond3A_49 = arith.constant 0 : i32
      %cond3A_50 = arith.cmpi ne, %convert_element_type3A_48, %cond3A_49 : i32
      scf.if %cond3A_50 {
        %add3A_51 = arith.constant 2 : i32
        %add3A_52 = arith.addi %add3A_32, %add3A_51 : i32
        %dma_start3A_53 = arith.constant 0 : i32
        %dma_start3A_54 = tpu.memref_slice %arg7[%add3A_52, %dma_start3A_53] : memref<40x128xi32, #tpu.memory_space<vmem>> -> memref<1x128xi32, #tpu.memory_space<vmem>>
        %dma_start3A_55 = tpu.memref_squeeze %dma_start3A_54 : memref<1x128xi32, #tpu.memory_space<vmem>> -> memref<128xi32, #tpu.memory_space<vmem>>
        %dma_start3A_56 = arith.constant 0 : i32
        %dma_start3A_57 = arith.constant 0 : i32
        %dma_start3A_58 = tpu.memref_slice %arg2[%dma_start3A_56, %dma_start3A_57] : memref<20000x128xf32, #tpu.memory_space<hbm>> -> memref<20000x128xf32, #tpu.memory_space<hbm>>
        tpu.enqueue_indirect_dma source(%dma_start3A_58 : memref<20000x128xf32, #tpu.memory_space<hbm>>) target(%arg10 : memref<128x128xf32, #tpu.memory_space<vmem>>) offsets(%dma_start3A_55 : memref<128xi32, #tpu.memory_space<vmem>>) semaphore(%arg12 : memref<!tpu.dma_semaphore, #tpu.memory_space<semaphore_mem>>)
      } else {
      }
    }
    %scan3A_22 = arith.constant 20 : i32
    %barrier3A_23 = arith.constant 0 : index
    tpu.barrier barrier_id(%barrier3A_23)
    %mul3A_24 = arith.constant 632 : i32
    %mul3A_25 = arith.muli %arg1, %mul3A_24 : i32
    %mul3A_26 = arith.constant 632 : i32
    %mul3A_27 = arith.muli %arg1, %mul3A_26 : i32
    "tpu.region"() ({
      %run_scoped3A = tpu.sem_alloc : memref<!tpu.dma_semaphore, #tpu.memory_space<semaphore_mem>>
      %dma_start3A_28 = arith.constant 0 : i32
      %dma_start3A_29 = arith.constant 0 : i32
      %dma_start3A_30 = tpu.memref_slice %arg6[%arg0, %dma_start3A_28, %dma_start3A_29] : memref<2x10112x128xf32, #tpu.memory_space<hbm>> -> memref<1x10112x128xf32, #tpu.memory_space<hbm>>
      %dma_start3A_31 = tpu.memref_squeeze %dma_start3A_30 : memref<1x10112x128xf32, #tpu.memory_space<hbm>> -> memref<10112x128xf32, #tpu.memory_space<hbm>>
      %dma_start3A_32 = arith.constant 0 : i32
      %dma_start3A_33 = tpu.memref_slice %dma_start3A_31[%mul3A_27, %dma_start3A_32] : memref<10112x128xf32, #tpu.memory_space<hbm>> -> memref<632x128xf32, #tpu.memory_space<hbm>>
      %dma_start3A_34 = arith.constant 0 : i32
      %dma_start3A_35 = tpu.memref_slice %arg13[%mul3A_25, %dma_start3A_34] : memref<10112x128xf32, #tpu.memory_space<vmem_shared>> -> memref<632x128xf32, #tpu.memory_space<vmem_shared>>
      tpu.enqueue_dma source(%dma_start3A_35 : memref<632x128xf32, #tpu.memory_space<vmem_shared>>) target(%dma_start3A_33 : memref<632x128xf32, #tpu.memory_space<hbm>>) target_semaphore(%run_scoped3A : memref<!tpu.dma_semaphore, #tpu.memory_space<semaphore_mem>>)
      %dma_wait3A = arith.constant 0 : i32
      %dma_wait3A_36 = arith.constant 0 : i32
      %dma_wait3A_37 = tpu.memref_slice %arg6[%arg0, %dma_wait3A, %dma_wait3A_36] : memref<2x10112x128xf32, #tpu.memory_space<hbm>> -> memref<1x10112x128xf32, #tpu.memory_space<hbm>>
      %dma_wait3A_38 = tpu.memref_squeeze %dma_wait3A_37 : memref<1x10112x128xf32, #tpu.memory_space<hbm>> -> memref<10112x128xf32, #tpu.memory_space<hbm>>
      %dma_wait3A_39 = arith.constant 0 : i32
      %dma_wait3A_40 = tpu.memref_slice %dma_wait3A_38[%mul3A_27, %dma_wait3A_39] : memref<10112x128xf32, #tpu.memory_space<hbm>> -> memref<632x128xf32, #tpu.memory_space<hbm>>
      %dma_wait3A_41 = arith.constant 0 : i32
      %dma_wait3A_42 = tpu.memref_slice %arg13[%mul3A_25, %dma_wait3A_41] : memref<10112x128xf32, #tpu.memory_space<vmem_shared>> -> memref<632x128xf32, #tpu.memory_space<vmem_shared>>
      tpu.wait_dma2 semaphore(%run_scoped3A : memref<!tpu.dma_semaphore, #tpu.memory_space<semaphore_mem>>) src(%dma_wait3A_42 : memref<632x128xf32, #tpu.memory_space<vmem_shared>>) dst(%dma_wait3A_40 : memref<632x128xf32, #tpu.memory_space<hbm>>)
      tpu.yield
    }) : () -> ()
    return
  }
}

#map = affine_map<(d0, d1) -> (0, 0)>
#map1 = affine_map<(d0, d1) -> (0, 0, 0)>
module attributes {stable_mosaic.version = 14 : i64} {
  func.func @_agg_kernel(%arg0: i32, %arg1: i32, %arg2: memref<20000x128xf32, #tpu.memory_space<hbm>>, %arg3: memref<32x40x128xi32, #tpu.memory_space<hbm>>, %arg4: memref<16x40x128xi32, #tpu.memory_space<hbm>>, %arg5: memref<2x10112x128xf32, #tpu.memory_space<hbm>>, %arg6: memref<2x10112x128xf32, #tpu.memory_space<hbm>>, %arg7: memref<40x128xi32, #tpu.memory_space<vmem>>, %arg8: memref<40x128xi32, #tpu.memory_space<vmem>>, %arg9: memref<128x128xf32, #tpu.memory_space<vmem>>, %arg10: memref<128x128xf32, #tpu.memory_space<vmem>>, %arg11: memref<!tpu.dma_semaphore, #tpu.memory_space<semaphore_mem>>, %arg12: memref<!tpu.dma_semaphore, #tpu.memory_space<semaphore_mem>>, %arg13: memref<10112x128xf32, #tpu.memory_space<vmem_shared>>) attributes {dimension_semantics = [#tpu.dimension_semantics<core_parallel>, #tpu.dimension_semantics<subcore_parallel>], iteration_bounds = array<i64: 2, 16>, scalar_prefetch = 0 : i64, scratch_operands = 7 : i64, tpu.core_type = #tpu.core_type<sc_vector_subcore>, window_params = [{transform_indices = #map}, {transform_indices = #map1}, {transform_indices = #map1}, {transform_indices = #map1}, {transform_indices = #map1}]} {
    %mul3A = arith.constant 16 : i32
    %mul3A_0 = arith.muli %arg0, %mul3A : i32
    %add3A = arith.addi %mul3A_0, %arg1 : i32
    "tpu.region"() ({
      %run_scoped3A = tpu.sem_alloc : memref<!tpu.dma_semaphore, #tpu.memory_space<semaphore_mem>>
      %dma_start3A_28 = arith.constant 0 : i32
      %dma_start3A_29 = arith.constant 0 : i32
      %dma_start3A_30 = tpu.memref_slice %arg3[%add3A, %dma_start3A_28, %dma_start3A_29] : memref<32x40x128xi32, #tpu.memory_space<hbm>> -> memref<1x40x128xi32, #tpu.memory_space<hbm>>
      %dma_start3A_31 = tpu.memref_squeeze %dma_start3A_30 : memref<1x40x128xi32, #tpu.memory_space<hbm>> -> memref<40x128xi32, #tpu.memory_space<hbm>>
      %dma_start3A_32 = arith.constant 0 : i32
      %dma_start3A_33 = arith.constant 0 : i32
      %dma_start3A_34 = tpu.memref_slice %arg3[%add3A, %dma_start3A_32, %dma_start3A_33] : memref<32x40x128xi32, #tpu.memory_space<hbm>> -> memref<1x40x128xi32, #tpu.memory_space<hbm>>
      %dma_start3A_35 = tpu.memref_squeeze %dma_start3A_34 : memref<1x40x128xi32, #tpu.memory_space<hbm>> -> memref<40x128xi32, #tpu.memory_space<hbm>>
      tpu.enqueue_dma source(%dma_start3A_35 : memref<40x128xi32, #tpu.memory_space<hbm>>) target(%arg7 : memref<40x128xi32, #tpu.memory_space<vmem>>) target_semaphore(%run_scoped3A : memref<!tpu.dma_semaphore, #tpu.memory_space<semaphore_mem>>)
      %dma_wait3A = arith.constant 0 : i32
      %dma_wait3A_36 = arith.constant 0 : i32
      %dma_wait3A_37 = tpu.memref_slice %arg3[%add3A, %dma_wait3A, %dma_wait3A_36] : memref<32x40x128xi32, #tpu.memory_space<hbm>> -> memref<1x40x128xi32, #tpu.memory_space<hbm>>
      %dma_wait3A_38 = tpu.memref_squeeze %dma_wait3A_37 : memref<1x40x128xi32, #tpu.memory_space<hbm>> -> memref<40x128xi32, #tpu.memory_space<hbm>>
      %dma_wait3A_39 = arith.constant 0 : i32
      %dma_wait3A_40 = arith.constant 0 : i32
      %dma_wait3A_41 = tpu.memref_slice %arg3[%add3A, %dma_wait3A_39, %dma_wait3A_40] : memref<32x40x128xi32, #tpu.memory_space<hbm>> -> memref<1x40x128xi32, #tpu.memory_space<hbm>>
      %dma_wait3A_42 = tpu.memref_squeeze %dma_wait3A_41 : memref<1x40x128xi32, #tpu.memory_space<hbm>> -> memref<40x128xi32, #tpu.memory_space<hbm>>
      tpu.wait_dma2 semaphore(%run_scoped3A : memref<!tpu.dma_semaphore, #tpu.memory_space<semaphore_mem>>) src(%dma_wait3A_42 : memref<40x128xi32, #tpu.memory_space<hbm>>) dst(%arg7 : memref<40x128xi32, #tpu.memory_space<vmem>>)
      tpu.yield
    }) : () -> ()
    "tpu.region"() ({
      %run_scoped3A = tpu.sem_alloc : memref<!tpu.dma_semaphore, #tpu.memory_space<semaphore_mem>>
      %dma_start3A_28 = arith.constant 0 : i32
      %dma_start3A_29 = arith.constant 0 : i32
      %dma_start3A_30 = tpu.memref_slice %arg4[%arg1, %dma_start3A_28, %dma_start3A_29] : memref<16x40x128xi32, #tpu.memory_space<hbm>> -> memref<1x40x128xi32, #tpu.memory_space<hbm>>
      %dma_start3A_31 = tpu.memref_squeeze %dma_start3A_30 : memref<1x40x128xi32, #tpu.memory_space<hbm>> -> memref<40x128xi32, #tpu.memory_space<hbm>>
      %dma_start3A_32 = arith.constant 0 : i32
      %dma_start3A_33 = arith.constant 0 : i32
      %dma_start3A_34 = tpu.memref_slice %arg4[%arg1, %dma_start3A_32, %dma_start3A_33] : memref<16x40x128xi32, #tpu.memory_space<hbm>> -> memref<1x40x128xi32, #tpu.memory_space<hbm>>
      %dma_start3A_35 = tpu.memref_squeeze %dma_start3A_34 : memref<1x40x128xi32, #tpu.memory_space<hbm>> -> memref<40x128xi32, #tpu.memory_space<hbm>>
      tpu.enqueue_dma source(%dma_start3A_35 : memref<40x128xi32, #tpu.memory_space<hbm>>) target(%arg8 : memref<40x128xi32, #tpu.memory_space<vmem>>) target_semaphore(%run_scoped3A : memref<!tpu.dma_semaphore, #tpu.memory_space<semaphore_mem>>)
      %dma_wait3A = arith.constant 0 : i32
      %dma_wait3A_36 = arith.constant 0 : i32
      %dma_wait3A_37 = tpu.memref_slice %arg4[%arg1, %dma_wait3A, %dma_wait3A_36] : memref<16x40x128xi32, #tpu.memory_space<hbm>> -> memref<1x40x128xi32, #tpu.memory_space<hbm>>
      %dma_wait3A_38 = tpu.memref_squeeze %dma_wait3A_37 : memref<1x40x128xi32, #tpu.memory_space<hbm>> -> memref<40x128xi32, #tpu.memory_space<hbm>>
      %dma_wait3A_39 = arith.constant 0 : i32
      %dma_wait3A_40 = arith.constant 0 : i32
      %dma_wait3A_41 = tpu.memref_slice %arg4[%arg1, %dma_wait3A_39, %dma_wait3A_40] : memref<16x40x128xi32, #tpu.memory_space<hbm>> -> memref<1x40x128xi32, #tpu.memory_space<hbm>>
      %dma_wait3A_42 = tpu.memref_squeeze %dma_wait3A_41 : memref<1x40x128xi32, #tpu.memory_space<hbm>> -> memref<40x128xi32, #tpu.memory_space<hbm>>
      tpu.wait_dma2 semaphore(%run_scoped3A : memref<!tpu.dma_semaphore, #tpu.memory_space<semaphore_mem>>) src(%dma_wait3A_42 : memref<40x128xi32, #tpu.memory_space<hbm>>) dst(%arg8 : memref<40x128xi32, #tpu.memory_space<vmem>>)
      tpu.yield
    }) : () -> ()
    %mul3A_1 = arith.constant 632 : i32
    %mul3A_2 = arith.muli %arg1, %mul3A_1 : i32
    %mul3A_3 = arith.constant 632 : i32
    %mul3A_4 = arith.muli %arg1, %mul3A_3 : i32
    "tpu.region"() ({
      %run_scoped3A = tpu.sem_alloc : memref<!tpu.dma_semaphore, #tpu.memory_space<semaphore_mem>>
      %dma_start3A_28 = arith.constant 0 : i32
      %dma_start3A_29 = tpu.memref_slice %arg13[%mul3A_4, %dma_start3A_28] : memref<10112x128xf32, #tpu.memory_space<vmem_shared>> -> memref<632x128xf32, #tpu.memory_space<vmem_shared>>
      %dma_start3A_30 = arith.constant 0 : i32
      %dma_start3A_31 = arith.constant 0 : i32
      %dma_start3A_32 = tpu.memref_slice %arg5[%arg0, %dma_start3A_30, %dma_start3A_31] : memref<2x10112x128xf32, #tpu.memory_space<hbm>> -> memref<1x10112x128xf32, #tpu.memory_space<hbm>>
      %dma_start3A_33 = tpu.memref_squeeze %dma_start3A_32 : memref<1x10112x128xf32, #tpu.memory_space<hbm>> -> memref<10112x128xf32, #tpu.memory_space<hbm>>
      %dma_start3A_34 = arith.constant 0 : i32
      %dma_start3A_35 = tpu.memref_slice %dma_start3A_33[%mul3A_2, %dma_start3A_34] : memref<10112x128xf32, #tpu.memory_space<hbm>> -> memref<632x128xf32, #tpu.memory_space<hbm>>
      tpu.enqueue_dma source(%dma_start3A_35 : memref<632x128xf32, #tpu.memory_space<hbm>>) target(%dma_start3A_29 : memref<632x128xf32, #tpu.memory_space<vmem_shared>>) target_semaphore(%run_scoped3A : memref<!tpu.dma_semaphore, #tpu.memory_space<semaphore_mem>>)
      %dma_wait3A = arith.constant 0 : i32
      %dma_wait3A_36 = tpu.memref_slice %arg13[%mul3A_4, %dma_wait3A] : memref<10112x128xf32, #tpu.memory_space<vmem_shared>> -> memref<632x128xf32, #tpu.memory_space<vmem_shared>>
      %dma_wait3A_37 = arith.constant 0 : i32
      %dma_wait3A_38 = arith.constant 0 : i32
      %dma_wait3A_39 = tpu.memref_slice %arg5[%arg0, %dma_wait3A_37, %dma_wait3A_38] : memref<2x10112x128xf32, #tpu.memory_space<hbm>> -> memref<1x10112x128xf32, #tpu.memory_space<hbm>>
      %dma_wait3A_40 = tpu.memref_squeeze %dma_wait3A_39 : memref<1x10112x128xf32, #tpu.memory_space<hbm>> -> memref<10112x128xf32, #tpu.memory_space<hbm>>
      %dma_wait3A_41 = arith.constant 0 : i32
      %dma_wait3A_42 = tpu.memref_slice %dma_wait3A_40[%mul3A_2, %dma_wait3A_41] : memref<10112x128xf32, #tpu.memory_space<hbm>> -> memref<632x128xf32, #tpu.memory_space<hbm>>
      tpu.wait_dma2 semaphore(%run_scoped3A : memref<!tpu.dma_semaphore, #tpu.memory_space<semaphore_mem>>) src(%dma_wait3A_42 : memref<632x128xf32, #tpu.memory_space<hbm>>) dst(%dma_wait3A_36 : memref<632x128xf32, #tpu.memory_space<vmem_shared>>)
      tpu.yield
    }) : () -> ()
    %barrier3A = arith.constant 0 : index
    tpu.barrier barrier_id(%barrier3A)
    %dma_start3A = arith.constant 0 : i32
    %dma_start3A_5 = arith.constant 0 : i32
    %dma_start3A_6 = tpu.memref_slice %arg7[%dma_start3A, %dma_start3A_5] : memref<40x128xi32, #tpu.memory_space<vmem>> -> memref<1x128xi32, #tpu.memory_space<vmem>>
    %dma_start3A_7 = tpu.memref_squeeze %dma_start3A_6 : memref<1x128xi32, #tpu.memory_space<vmem>> -> memref<128xi32, #tpu.memory_space<vmem>>
    %dma_start3A_8 = arith.constant 0 : i32
    %dma_start3A_9 = arith.constant 0 : i32
    %dma_start3A_10 = tpu.memref_slice %arg2[%dma_start3A_8, %dma_start3A_9] : memref<20000x128xf32, #tpu.memory_space<hbm>> -> memref<20000x128xf32, #tpu.memory_space<hbm>>
    tpu.enqueue_indirect_dma source(%dma_start3A_10 : memref<20000x128xf32, #tpu.memory_space<hbm>>) target(%arg9 : memref<128x128xf32, #tpu.memory_space<vmem>>) offsets(%dma_start3A_7 : memref<128xi32, #tpu.memory_space<vmem>>) semaphore(%arg11 : memref<!tpu.dma_semaphore, #tpu.memory_space<semaphore_mem>>)
    %dma_start3A_11 = arith.constant 1 : i32
    %dma_start3A_12 = arith.constant 0 : i32
    %dma_start3A_13 = tpu.memref_slice %arg7[%dma_start3A_11, %dma_start3A_12] : memref<40x128xi32, #tpu.memory_space<vmem>> -> memref<1x128xi32, #tpu.memory_space<vmem>>
    %dma_start3A_14 = tpu.memref_squeeze %dma_start3A_13 : memref<1x128xi32, #tpu.memory_space<vmem>> -> memref<128xi32, #tpu.memory_space<vmem>>
    %dma_start3A_15 = arith.constant 0 : i32
    %dma_start3A_16 = arith.constant 0 : i32
    %dma_start3A_17 = tpu.memref_slice %arg2[%dma_start3A_15, %dma_start3A_16] : memref<20000x128xf32, #tpu.memory_space<hbm>> -> memref<20000x128xf32, #tpu.memory_space<hbm>>
    tpu.enqueue_indirect_dma source(%dma_start3A_17 : memref<20000x128xf32, #tpu.memory_space<hbm>>) target(%arg10 : memref<128x128xf32, #tpu.memory_space<vmem>>) offsets(%dma_start3A_14 : memref<128xi32, #tpu.memory_space<vmem>>) semaphore(%arg12 : memref<!tpu.dma_semaphore, #tpu.memory_space<semaphore_mem>>)
    %scan3A = arith.constant 0 : i32
    %scan3A_18 = arith.constant 0 : i32
    %scan3A_19 = arith.constant 20 : i32
    %scan3A_20 = arith.addi %scan3A_18, %scan3A_19 : i32
    %scan3A_21 = arith.constant 1 : i32
    scf.for %scan3A_28 = %scan3A_18 to %scan3A_20 step %scan3A_21  : i32 {
      %mul3A_29 = arith.constant 2 : i32
      %mul3A_30 = arith.muli %mul3A_29, %scan3A_28 : i32
      %add3A_31 = arith.constant 1 : i32
      %add3A_32 = arith.addi %mul3A_30, %add3A_31 : i32
      %dma_wait3A = arith.constant 0 : i32
      %dma_wait3A_33 = tpu.memref_slice %arg7[%mul3A_30, %dma_wait3A] : memref<40x128xi32, #tpu.memory_space<vmem>> -> memref<1x128xi32, #tpu.memory_space<vmem>>
      %dma_wait3A_34 = tpu.memref_squeeze %dma_wait3A_33 : memref<1x128xi32, #tpu.memory_space<vmem>> -> memref<128xi32, #tpu.memory_space<vmem>>
      %dma_wait3A_35 = arith.constant 0 : i32
      %dma_wait3A_36 = arith.constant 0 : i32
      %dma_wait3A_37 = tpu.memref_slice %arg2[%dma_wait3A_35, %dma_wait3A_36] : memref<20000x128xf32, #tpu.memory_space<hbm>> -> memref<20000x128xf32, #tpu.memory_space<hbm>>
      tpu.wait_indirect_dma semaphore(%arg11 : memref<!tpu.dma_semaphore, #tpu.memory_space<semaphore_mem>>) src(%dma_wait3A_37 : memref<20000x128xf32, #tpu.memory_space<hbm>>) dst(%arg9 : memref<128x128xf32, #tpu.memory_space<vmem>>)
      "tpu.region"() ({
        %run_scoped3A = tpu.sem_alloc : memref<!tpu.dma_semaphore, #tpu.memory_space<semaphore_mem>>
        %dma_start3A_51 = arith.constant 0 : i32
        %dma_start3A_52 = tpu.memref_slice %arg8[%mul3A_30, %dma_start3A_51] : memref<40x128xi32, #tpu.memory_space<vmem>> -> memref<1x128xi32, #tpu.memory_space<vmem>>
        %dma_start3A_53 = tpu.memref_squeeze %dma_start3A_52 : memref<1x128xi32, #tpu.memory_space<vmem>> -> memref<128xi32, #tpu.memory_space<vmem>>
        %dma_start3A_54 = arith.constant 0 : i32
        %dma_start3A_55 = arith.constant 0 : i32
        %dma_start3A_56 = tpu.memref_slice %arg13[%dma_start3A_54, %dma_start3A_55] : memref<10112x128xf32, #tpu.memory_space<vmem_shared>> -> memref<10112x128xf32, #tpu.memory_space<vmem_shared>>
        tpu.enqueue_indirect_dma source(%arg9 : memref<128x128xf32, #tpu.memory_space<vmem>>) target(%dma_start3A_56 : memref<10112x128xf32, #tpu.memory_space<vmem_shared>>) offsets(%dma_start3A_53 : memref<128xi32, #tpu.memory_space<vmem>>) semaphore(%run_scoped3A : memref<!tpu.dma_semaphore, #tpu.memory_space<semaphore_mem>>) {add = true}
        %dma_wait3A_57 = arith.constant 0 : i32
        %dma_wait3A_58 = tpu.memref_slice %arg8[%mul3A_30, %dma_wait3A_57] : memref<40x128xi32, #tpu.memory_space<vmem>> -> memref<1x128xi32, #tpu.memory_space<vmem>>
        %dma_wait3A_59 = tpu.memref_squeeze %dma_wait3A_58 : memref<1x128xi32, #tpu.memory_space<vmem>> -> memref<128xi32, #tpu.memory_space<vmem>>
        %dma_wait3A_60 = arith.constant 0 : i32
        %dma_wait3A_61 = arith.constant 0 : i32
        %dma_wait3A_62 = tpu.memref_slice %arg13[%dma_wait3A_60, %dma_wait3A_61] : memref<10112x128xf32, #tpu.memory_space<vmem_shared>> -> memref<10112x128xf32, #tpu.memory_space<vmem_shared>>
        tpu.wait_indirect_dma semaphore(%run_scoped3A : memref<!tpu.dma_semaphore, #tpu.memory_space<semaphore_mem>>) src(%arg9 : memref<128x128xf32, #tpu.memory_space<vmem>>) dst(%dma_wait3A_62 : memref<10112x128xf32, #tpu.memory_space<vmem_shared>>)
        tpu.yield
      }) : () -> ()
      %lt3A = arith.constant 19 : i32
      %lt3A_38 = arith.cmpi slt, %scan3A_28, %lt3A : i32
      %convert_element_type3A = arith.extui %lt3A_38 : i1 to i32
      %cond3A = arith.constant 0 : i32
      %cond3A_39 = arith.cmpi ne, %convert_element_type3A, %cond3A : i32
      scf.if %cond3A_39 {
        %add3A_51 = arith.constant 2 : i32
        %add3A_52 = arith.addi %mul3A_30, %add3A_51 : i32
        %dma_start3A_53 = arith.constant 0 : i32
        %dma_start3A_54 = tpu.memref_slice %arg7[%add3A_52, %dma_start3A_53] : memref<40x128xi32, #tpu.memory_space<vmem>> -> memref<1x128xi32, #tpu.memory_space<vmem>>
        %dma_start3A_55 = tpu.memref_squeeze %dma_start3A_54 : memref<1x128xi32, #tpu.memory_space<vmem>> -> memref<128xi32, #tpu.memory_space<vmem>>
        %dma_start3A_56 = arith.constant 0 : i32
        %dma_start3A_57 = arith.constant 0 : i32
        %dma_start3A_58 = tpu.memref_slice %arg2[%dma_start3A_56, %dma_start3A_57] : memref<20000x128xf32, #tpu.memory_space<hbm>> -> memref<20000x128xf32, #tpu.memory_space<hbm>>
        tpu.enqueue_indirect_dma source(%dma_start3A_58 : memref<20000x128xf32, #tpu.memory_space<hbm>>) target(%arg9 : memref<128x128xf32, #tpu.memory_space<vmem>>) offsets(%dma_start3A_55 : memref<128xi32, #tpu.memory_space<vmem>>) semaphore(%arg11 : memref<!tpu.dma_semaphore, #tpu.memory_space<semaphore_mem>>)
      } else {
      }
      %dma_wait3A_40 = arith.constant 0 : i32
      %dma_wait3A_41 = tpu.memref_slice %arg7[%add3A_32, %dma_wait3A_40] : memref<40x128xi32, #tpu.memory_space<vmem>> -> memref<1x128xi32, #tpu.memory_space<vmem>>
      %dma_wait3A_42 = tpu.memref_squeeze %dma_wait3A_41 : memref<1x128xi32, #tpu.memory_space<vmem>> -> memref<128xi32, #tpu.memory_space<vmem>>
      %dma_wait3A_43 = arith.constant 0 : i32
      %dma_wait3A_44 = arith.constant 0 : i32
      %dma_wait3A_45 = tpu.memref_slice %arg2[%dma_wait3A_43, %dma_wait3A_44] : memref<20000x128xf32, #tpu.memory_space<hbm>> -> memref<20000x128xf32, #tpu.memory_space<hbm>>
      tpu.wait_indirect_dma semaphore(%arg12 : memref<!tpu.dma_semaphore, #tpu.memory_space<semaphore_mem>>) src(%dma_wait3A_45 : memref<20000x128xf32, #tpu.memory_space<hbm>>) dst(%arg10 : memref<128x128xf32, #tpu.memory_space<vmem>>)
      "tpu.region"() ({
        %run_scoped3A = tpu.sem_alloc : memref<!tpu.dma_semaphore, #tpu.memory_space<semaphore_mem>>
        %dma_start3A_51 = arith.constant 0 : i32
        %dma_start3A_52 = tpu.memref_slice %arg8[%add3A_32, %dma_start3A_51] : memref<40x128xi32, #tpu.memory_space<vmem>> -> memref<1x128xi32, #tpu.memory_space<vmem>>
        %dma_start3A_53 = tpu.memref_squeeze %dma_start3A_52 : memref<1x128xi32, #tpu.memory_space<vmem>> -> memref<128xi32, #tpu.memory_space<vmem>>
        %dma_start3A_54 = arith.constant 0 : i32
        %dma_start3A_55 = arith.constant 0 : i32
        %dma_start3A_56 = tpu.memref_slice %arg13[%dma_start3A_54, %dma_start3A_55] : memref<10112x128xf32, #tpu.memory_space<vmem_shared>> -> memref<10112x128xf32, #tpu.memory_space<vmem_shared>>
        tpu.enqueue_indirect_dma source(%arg10 : memref<128x128xf32, #tpu.memory_space<vmem>>) target(%dma_start3A_56 : memref<10112x128xf32, #tpu.memory_space<vmem_shared>>) offsets(%dma_start3A_53 : memref<128xi32, #tpu.memory_space<vmem>>) semaphore(%run_scoped3A : memref<!tpu.dma_semaphore, #tpu.memory_space<semaphore_mem>>) {add = true}
        %dma_wait3A_57 = arith.constant 0 : i32
        %dma_wait3A_58 = tpu.memref_slice %arg8[%add3A_32, %dma_wait3A_57] : memref<40x128xi32, #tpu.memory_space<vmem>> -> memref<1x128xi32, #tpu.memory_space<vmem>>
        %dma_wait3A_59 = tpu.memref_squeeze %dma_wait3A_58 : memref<1x128xi32, #tpu.memory_space<vmem>> -> memref<128xi32, #tpu.memory_space<vmem>>
        %dma_wait3A_60 = arith.constant 0 : i32
        %dma_wait3A_61 = arith.constant 0 : i32
        %dma_wait3A_62 = tpu.memref_slice %arg13[%dma_wait3A_60, %dma_wait3A_61] : memref<10112x128xf32, #tpu.memory_space<vmem_shared>> -> memref<10112x128xf32, #tpu.memory_space<vmem_shared>>
        tpu.wait_indirect_dma semaphore(%run_scoped3A : memref<!tpu.dma_semaphore, #tpu.memory_space<semaphore_mem>>) src(%arg10 : memref<128x128xf32, #tpu.memory_space<vmem>>) dst(%dma_wait3A_62 : memref<10112x128xf32, #tpu.memory_space<vmem_shared>>)
        tpu.yield
      }) : () -> ()
      %lt3A_46 = arith.constant 19 : i32
      %lt3A_47 = arith.cmpi slt, %scan3A_28, %lt3A_46 : i32
      %convert_element_type3A_48 = arith.extui %lt3A_47 : i1 to i32
      %cond3A_49 = arith.constant 0 : i32
      %cond3A_50 = arith.cmpi ne, %convert_element_type3A_48, %cond3A_49 : i32
      scf.if %cond3A_50 {
        %add3A_51 = arith.constant 2 : i32
        %add3A_52 = arith.addi %add3A_32, %add3A_51 : i32
        %dma_start3A_53 = arith.constant 0 : i32
        %dma_start3A_54 = tpu.memref_slice %arg7[%add3A_52, %dma_start3A_53] : memref<40x128xi32, #tpu.memory_space<vmem>> -> memref<1x128xi32, #tpu.memory_space<vmem>>
        %dma_start3A_55 = tpu.memref_squeeze %dma_start3A_54 : memref<1x128xi32, #tpu.memory_space<vmem>> -> memref<128xi32, #tpu.memory_space<vmem>>
        %dma_start3A_56 = arith.constant 0 : i32
        %dma_start3A_57 = arith.constant 0 : i32
        %dma_start3A_58 = tpu.memref_slice %arg2[%dma_start3A_56, %dma_start3A_57] : memref<20000x128xf32, #tpu.memory_space<hbm>> -> memref<20000x128xf32, #tpu.memory_space<hbm>>
        tpu.enqueue_indirect_dma source(%dma_start3A_58 : memref<20000x128xf32, #tpu.memory_space<hbm>>) target(%arg10 : memref<128x128xf32, #tpu.memory_space<vmem>>) offsets(%dma_start3A_55 : memref<128xi32, #tpu.memory_space<vmem>>) semaphore(%arg12 : memref<!tpu.dma_semaphore, #tpu.memory_space<semaphore_mem>>)
      } else {
      }
    }
    %scan3A_22 = arith.constant 20 : i32
    %barrier3A_23 = arith.constant 0 : index
    tpu.barrier barrier_id(%barrier3A_23)
    %mul3A_24 = arith.constant 632 : i32
    %mul3A_25 = arith.muli %arg1, %mul3A_24 : i32
    %mul3A_26 = arith.constant 632 : i32
    %mul3A_27 = arith.muli %arg1, %mul3A_26 : i32
    "tpu.region"() ({
      %run_scoped3A = tpu.sem_alloc : memref<!tpu.dma_semaphore, #tpu.memory_space<semaphore_mem>>
      %dma_start3A_28 = arith.constant 0 : i32
      %dma_start3A_29 = arith.constant 0 : i32
      %dma_start3A_30 = tpu.memref_slice %arg6[%arg0, %dma_start3A_28, %dma_start3A_29] : memref<2x10112x128xf32, #tpu.memory_space<hbm>> -> memref<1x10112x128xf32, #tpu.memory_space<hbm>>
      %dma_start3A_31 = tpu.memref_squeeze %dma_start3A_30 : memref<1x10112x128xf32, #tpu.memory_space<hbm>> -> memref<10112x128xf32, #tpu.memory_space<hbm>>
      %dma_start3A_32 = arith.constant 0 : i32
      %dma_start3A_33 = tpu.memref_slice %dma_start3A_31[%mul3A_27, %dma_start3A_32] : memref<10112x128xf32, #tpu.memory_space<hbm>> -> memref<632x128xf32, #tpu.memory_space<hbm>>
      %dma_start3A_34 = arith.constant 0 : i32
      %dma_start3A_35 = tpu.memref_slice %arg13[%mul3A_25, %dma_start3A_34] : memref<10112x128xf32, #tpu.memory_space<vmem_shared>> -> memref<632x128xf32, #tpu.memory_space<vmem_shared>>
      tpu.enqueue_dma source(%dma_start3A_35 : memref<632x128xf32, #tpu.memory_space<vmem_shared>>) target(%dma_start3A_33 : memref<632x128xf32, #tpu.memory_space<hbm>>) target_semaphore(%run_scoped3A : memref<!tpu.dma_semaphore, #tpu.memory_space<semaphore_mem>>)
      %dma_wait3A = arith.constant 0 : i32
      %dma_wait3A_36 = arith.constant 0 : i32
      %dma_wait3A_37 = tpu.memref_slice %arg6[%arg0, %dma_wait3A, %dma_wait3A_36] : memref<2x10112x128xf32, #tpu.memory_space<hbm>> -> memref<1x10112x128xf32, #tpu.memory_space<hbm>>
      %dma_wait3A_38 = tpu.memref_squeeze %dma_wait3A_37 : memref<1x10112x128xf32, #tpu.memory_space<hbm>> -> memref<10112x128xf32, #tpu.memory_space<hbm>>
      %dma_wait3A_39 = arith.constant 0 : i32
      %dma_wait3A_40 = tpu.memref_slice %dma_wait3A_38[%mul3A_27, %dma_wait3A_39] : memref<10112x128xf32, #tpu.memory_space<hbm>> -> memref<632x128xf32, #tpu.memory_space<hbm>>
      %dma_wait3A_41 = arith.constant 0 : i32
      %dma_wait3A_42 = tpu.memref_slice %arg13[%mul3A_25, %dma_wait3A_41] : memref<10112x128xf32, #tpu.memory_space<vmem_shared>> -> memref<632x128xf32, #tpu.memory_space<vmem_shared>>
      tpu.wait_dma2 semaphore(%run_scoped3A : memref<!tpu.dma_semaphore, #tpu.memory_space<semaphore_mem>>) src(%dma_wait3A_42 : memref<632x128xf32, #tpu.memory_space<vmem_shared>>) dst(%dma_wait3A_40 : memref<632x128xf32, #tpu.memory_space<hbm>>)
      tpu.yield
    }) : () -> ()
    return
  }
}

module attributes {stable_mosaic.version = 14 : i64} {
  func.func @_mm_body(%arg0: i32, %arg1: memref<1000x256xf32, #tpu.memory_space<vmem>>, %arg2: memref<256x256xf32, #tpu.memory_space<vmem>>, %arg3: memref<1000x256xf32, #tpu.memory_space<vmem>>) attributes {dimension_semantics = [#tpu.dimension_semantics<arbitrary>], iteration_bounds = array<i64: 10>, scalar_prefetch = 0 : i64, scratch_operands = 0 : i64, tpu.core_type = #tpu.core_type<tc>, window_params = [{transform_indices = @transform_0, window_bounds = array<i64: 1000, 256>}, {pipeline_mode = #tpu.pipeline_mode<synchronous>, transform_indices = @transform_1, window_bounds = array<i64: 256, 256>}, {transform_indices = @transform_2, window_bounds = array<i64: 1000, 256>}]} {
    %get3A = arith.constant 0 : index
    %get3A_0 = arith.constant 0 : index
    %get3A_1 = vector.load %arg1[%get3A, %get3A_0] : memref<1000x256xf32, #tpu.memory_space<vmem>>, vector<1000x256xf32>
    %get3A_2 = arith.constant 0 : index
    %get3A_3 = arith.constant 0 : index
    %get3A_4 = vector.load %arg2[%get3A_2, %get3A_3] : memref<256x256xf32, #tpu.memory_space<vmem>>, vector<256x256xf32>
    %dot_general3A = arith.constant dense<0.000000e+00> : vector<1000x256xf32>
    %dot_general3A_5 = tpu.matmul %get3A_1, %get3A_4, %dot_general3A {dimension_numbers = #tpu.dot_dimension_numbers<[1], [0], [0], [1], [0, 0, 1, 1], [], []>, transpose_lhs_hint = false} : vector<1000x256xf32>, vector<256x256xf32>, vector<1000x256xf32> -> vector<1000x256xf32>
    %swap3A = arith.constant 0 : index
    %swap3A_6 = arith.constant 0 : index
    %swap3A_7 = vector.load %arg3[%swap3A, %swap3A_6] : memref<1000x256xf32, #tpu.memory_space<vmem>>, vector<1000x256xf32>
    tpu.vector_store %arg3[%swap3A, %swap3A_6], %dot_general3A_5 {strides = array<i32>} : memref<1000x256xf32, #tpu.memory_space<vmem>>, vector<1000x256xf32>,
    return
  }
  func.func @transform_0(%arg0: i32) -> (i32, i32) {
    %c0_i32 = arith.constant 0 : i32
    %c0_i32_0 = arith.constant 0 : i32
    return %arg0, %c0_i32 : i32, i32
  }
  func.func @transform_1(%arg0: i32) -> (i32, i32) {
    %c0_i32 = arith.constant 0 : i32
    %c0_i32_0 = arith.constant 0 : i32
    %c0_i32_1 = arith.constant 0 : i32
    return %c0_i32, %c0_i32_0 : i32, i32
  }
  func.func @transform_2(%arg0: i32) -> (i32, i32) {
    %c0_i32 = arith.constant 0 : i32
    %c0_i32_0 = arith.constant 0 : i32
    return %arg0, %c0_i32 : i32, i32
  }
}

module attributes {stable_mosaic.version = 14 : i64} {
  func.func @_scale_body(%arg0: i32, %arg1: memref<1000x256xf32, #tpu.memory_space<vmem>>, %arg2: memref<1000x16xf32, #tpu.memory_space<vmem>>, %arg3: memref<1000x256xf32, #tpu.memory_space<vmem>>) attributes {dimension_semantics = [#tpu.dimension_semantics<arbitrary>], iteration_bounds = array<i64: 10>, scalar_prefetch = 0 : i64, scratch_operands = 0 : i64, tpu.core_type = #tpu.core_type<tc>, window_params = [{transform_indices = @transform_0, window_bounds = array<i64: 1000, 256>}, {transform_indices = @transform_1, window_bounds = array<i64: 1000, 16>}, {transform_indices = @transform_2, window_bounds = array<i64: 1000, 256>}]} {
    %get3A = arith.constant 0 : index
    %get3A_0 = arith.constant 0 : index
    %get3A_1 = vector.load %arg2[%get3A, %get3A_0] : memref<1000x16xf32, #tpu.memory_space<vmem>>, vector<1000x1xf32>
    %add3A = arith.constant 1.000000e+00 : f32
    %add3A_2 = vector.broadcast %add3A : f32 to vector<1000x1xf32>
    %add3A_3 = arith.addf %get3A_1, %add3A_2 : vector<1000x1xf32>
    %rsqrt3A = math.rsqrt %add3A_3 : vector<1000x1xf32>
    %get3A_4 = arith.constant 0 : index
    %get3A_5 = arith.constant 0 : index
    %get3A_6 = vector.load %arg1[%get3A_4, %get3A_5] : memref<1000x256xf32, #tpu.memory_space<vmem>>, vector<1000x256xf32>
    %mul3A = vector.broadcast %rsqrt3A : vector<1000x1xf32> to vector<1000x256xf32>
    %mul3A_7 = arith.mulf %get3A_6, %mul3A : vector<1000x256xf32>
    %swap3A = arith.constant 0 : index
    %swap3A_8 = arith.constant 0 : index
    %swap3A_9 = vector.load %arg3[%swap3A, %swap3A_8] : memref<1000x256xf32, #tpu.memory_space<vmem>>, vector<1000x256xf32>
    tpu.vector_store %arg3[%swap3A, %swap3A_8], %mul3A_7 {strides = array<i32>} : memref<1000x256xf32, #tpu.memory_space<vmem>>, vector<1000x256xf32>,
    return
  }
  func.func @transform_0(%arg0: i32) -> (i32, i32) {
    %c0_i32 = arith.constant 0 : i32
    %c0_i32_0 = arith.constant 0 : i32
    return %arg0, %c0_i32 : i32, i32
  }
  func.func @transform_1(%arg0: i32) -> (i32, i32) {
    %c0_i32 = arith.constant 0 : i32
    %c0_i32_0 = arith.constant 0 : i32
    return %arg0, %c0_i32 : i32, i32
  }
  func.func @transform_2(%arg0: i32) -> (i32, i32) {
    %c0_i32 = arith.constant 0 : i32
    %c0_i32_0 = arith.constant 0 : i32
    return %arg0, %c0_i32 : i32, i32
  }
}

module attributes {stable_mosaic.version = 14 : i64} {
  func.func @_fused_body(%arg0: i32, %arg1: memref<1000x128xf32, #tpu.memory_space<vmem>>, %arg2: memref<1000x128xf32, #tpu.memory_space<vmem>>, %arg3: memref<1000x256xf32, #tpu.memory_space<vmem>>, %arg4: memref<1000x16xf32, #tpu.memory_space<vmem>>, %arg5: memref<1x256xf32, #tpu.memory_space<vmem>>, %arg6: memref<256x256xf32, #tpu.memory_space<vmem>>, %arg7: memref<1000x256xf32, #tpu.memory_space<vmem>>, %arg8: memref<1000x256xf32, #tpu.memory_space<vmem>>) attributes {dimension_semantics = [#tpu.dimension_semantics<arbitrary>], iteration_bounds = array<i64: 10>, scalar_prefetch = 0 : i64, scratch_operands = 0 : i64, tpu.core_type = #tpu.core_type<tc>, window_params = [{transform_indices = @transform_0, window_bounds = array<i64: 1000, 128>}, {transform_indices = @transform_1, window_bounds = array<i64: 1000, 128>}, {transform_indices = @transform_2, window_bounds = array<i64: 1000, 256>}, {transform_indices = @transform_3, window_bounds = array<i64: 1000, 16>}, {pipeline_mode = #tpu.pipeline_mode<synchronous>, transform_indices = @transform_4, window_bounds = array<i64: 1, 256>}, {pipeline_mode = #tpu.pipeline_mode<synchronous>, transform_indices = @transform_5, window_bounds = array<i64: 256, 256>}, {transform_indices = @transform_6, window_bounds = array<i64: 1000, 256>}, {transform_indices = @transform_7, window_bounds = array<i64: 1000, 256>}]} {
    %get3A = arith.constant 0 : index
    %get3A_0 = arith.constant 0 : index
    %get3A_1 = vector.load %arg4[%get3A, %get3A_0] : memref<1000x16xf32, #tpu.memory_space<vmem>>, vector<1000x1xf32>
    %add3A = arith.constant 1.000000e+00 : f32
    %add3A_2 = vector.broadcast %add3A : f32 to vector<1000x1xf32>
    %add3A_3 = arith.addf %get3A_1, %add3A_2 : vector<1000x1xf32>
    %rsqrt3A = math.rsqrt %add3A_3 : vector<1000x1xf32>
    %get3A_4 = arith.constant 0 : index
    %get3A_5 = arith.constant 0 : index
    %get3A_6 = vector.load %arg1[%get3A_4, %get3A_5] : memref<1000x128xf32, #tpu.memory_space<vmem>>, vector<1000x128xf32>
    %get3A_7 = arith.constant 0 : index
    %get3A_8 = arith.constant 0 : index
    %get3A_9 = vector.load %arg2[%get3A_7, %get3A_8] : memref<1000x128xf32, #tpu.memory_space<vmem>>, vector<1000x128xf32>
    %concatenate3A = tpu.concatenate %get3A_6, %get3A_9 in 1 : vector<1000x128xf32>, vector<1000x128xf32> -> vector<1000x256xf32>
    %get3A_10 = arith.constant 0 : index
    %get3A_11 = arith.constant 0 : index
    %get3A_12 = vector.load %arg3[%get3A_10, %get3A_11] : memref<1000x256xf32, #tpu.memory_space<vmem>>, vector<1000x256xf32>
    %add3A_13 = arith.addf %concatenate3A, %get3A_12 : vector<1000x256xf32>
    %mul3A = vector.broadcast %rsqrt3A : vector<1000x1xf32> to vector<1000x256xf32>
    %mul3A_14 = arith.mulf %mul3A, %add3A_13 : vector<1000x256xf32>
    %get3A_15 = arith.constant 0 : index
    %get3A_16 = arith.constant 0 : index
    %get3A_17 = vector.load %arg5[%get3A_15, %get3A_16] : memref<1x256xf32, #tpu.memory_space<vmem>>, vector<1x256xf32>
    %add3A_18 = vector.broadcast %get3A_17 : vector<1x256xf32> to vector<1000x256xf32>
    %add3A_19 = arith.addf %mul3A_14, %add3A_18 : vector<1000x256xf32>
    %max3A = arith.constant 0.000000e+00 : f32
    %max3A_20 = vector.broadcast %max3A : f32 to vector<1000x256xf32>
    %max3A_21 = arith.maximumf %add3A_19, %max3A_20 : vector<1000x256xf32>
    %swap3A = arith.constant 0 : index
    %swap3A_22 = arith.constant 0 : index
    %swap3A_23 = vector.load %arg7[%swap3A, %swap3A_22] : memref<1000x256xf32, #tpu.memory_space<vmem>>, vector<1000x256xf32>
    tpu.vector_store %arg7[%swap3A, %swap3A_22], %max3A_21 {strides = array<i32>} : memref<1000x256xf32, #tpu.memory_space<vmem>>, vector<1000x256xf32>,
    %get3A_24 = arith.constant 0 : index
    %get3A_25 = arith.constant 0 : index
    %get3A_26 = vector.load %arg6[%get3A_24, %get3A_25] : memref<256x256xf32, #tpu.memory_space<vmem>>, vector<256x256xf32>
    %dot_general3A = arith.constant dense<0.000000e+00> : vector<1000x256xf32>
    %dot_general3A_27 = tpu.matmul %max3A_21, %get3A_26, %dot_general3A {dimension_numbers = #tpu.dot_dimension_numbers<[1], [0], [0], [1], [0, 0, 1, 1], [], []>, transpose_lhs_hint = false} : vector<1000x256xf32>, vector<256x256xf32>, vector<1000x256xf32> -> vector<1000x256xf32>
    %mul3A_28 = vector.broadcast %rsqrt3A : vector<1000x1xf32> to vector<1000x256xf32>
    %mul3A_29 = arith.mulf %dot_general3A_27, %mul3A_28 : vector<1000x256xf32>
    %swap3A_30 = arith.constant 0 : index
    %swap3A_31 = arith.constant 0 : index
    %swap3A_32 = vector.load %arg8[%swap3A_30, %swap3A_31] : memref<1000x256xf32, #tpu.memory_space<vmem>>, vector<1000x256xf32>
    tpu.vector_store %arg8[%swap3A_30, %swap3A_31], %mul3A_29 {strides = array<i32>} : memref<1000x256xf32, #tpu.memory_space<vmem>>, vector<1000x256xf32>,
    return
  }
  func.func @transform_0(%arg0: i32) -> (i32, i32) {
    %c0_i32 = arith.constant 0 : i32
    %c0_i32_0 = arith.constant 0 : i32
    return %arg0, %c0_i32 : i32, i32
  }
  func.func @transform_1(%arg0: i32) -> (i32, i32) {
    %c0_i32 = arith.constant 0 : i32
    %c0_i32_0 = arith.constant 0 : i32
    return %arg0, %c0_i32 : i32, i32
  }
  func.func @transform_2(%arg0: i32) -> (i32, i32) {
    %c0_i32 = arith.constant 0 : i32
    %c0_i32_0 = arith.constant 0 : i32
    return %arg0, %c0_i32 : i32, i32
  }
  func.func @transform_3(%arg0: i32) -> (i32, i32) {
    %c0_i32 = arith.constant 0 : i32
    %c0_i32_0 = arith.constant 0 : i32
    return %arg0, %c0_i32 : i32, i32
  }
  func.func @transform_4(%arg0: i32) -> (i32, i32) {
    %c0_i32 = arith.constant 0 : i32
    %c0_i32_0 = arith.constant 0 : i32
    %c0_i32_1 = arith.constant 0 : i32
    return %c0_i32, %c0_i32_0 : i32, i32
  }
  func.func @transform_5(%arg0: i32) -> (i32, i32) {
    %c0_i32 = arith.constant 0 : i32
    %c0_i32_0 = arith.constant 0 : i32
    %c0_i32_1 = arith.constant 0 : i32
    return %c0_i32, %c0_i32_0 : i32, i32
  }
  func.func @transform_6(%arg0: i32) -> (i32, i32) {
    %c0_i32 = arith.constant 0 : i32
    %c0_i32_0 = arith.constant 0 : i32
    return %arg0, %c0_i32 : i32, i32
  }
  func.func @transform_7(%arg0: i32) -> (i32, i32) {
    %c0_i32 = arith.constant 0 : i32
    %c0_i32_0 = arith.constant 0 : i32
    return %arg0, %c0_i32 : i32, i32
  }
}

module attributes {stable_mosaic.version = 14 : i64} {
  func.func @_epi_body(%arg0: i32, %arg1: memref<1000x128xf32, #tpu.memory_space<vmem>>, %arg2: memref<1000x128xf32, #tpu.memory_space<vmem>>, %arg3: memref<1000x256xf32, #tpu.memory_space<vmem>>, %arg4: memref<1000x16xf32, #tpu.memory_space<vmem>>, %arg5: memref<1x256xf32, #tpu.memory_space<vmem>>, %arg6: memref<1000x256xf32, #tpu.memory_space<vmem>>) attributes {dimension_semantics = [#tpu.dimension_semantics<arbitrary>], iteration_bounds = array<i64: 10>, scalar_prefetch = 0 : i64, scratch_operands = 0 : i64, tpu.core_type = #tpu.core_type<tc>, window_params = [{transform_indices = @transform_0, window_bounds = array<i64: 1000, 128>}, {transform_indices = @transform_1, window_bounds = array<i64: 1000, 128>}, {transform_indices = @transform_2, window_bounds = array<i64: 1000, 256>}, {transform_indices = @transform_3, window_bounds = array<i64: 1000, 16>}, {pipeline_mode = #tpu.pipeline_mode<synchronous>, transform_indices = @transform_4, window_bounds = array<i64: 1, 256>}, {transform_indices = @transform_5, window_bounds = array<i64: 1000, 256>}]} {
    %get3A = arith.constant 0 : index
    %get3A_0 = arith.constant 0 : index
    %get3A_1 = vector.load %arg4[%get3A, %get3A_0] : memref<1000x16xf32, #tpu.memory_space<vmem>>, vector<1000x1xf32>
    %add3A = arith.constant 1.000000e+00 : f32
    %add3A_2 = vector.broadcast %add3A : f32 to vector<1000x1xf32>
    %add3A_3 = arith.addf %get3A_1, %add3A_2 : vector<1000x1xf32>
    %rsqrt3A = math.rsqrt %add3A_3 : vector<1000x1xf32>
    %get3A_4 = arith.constant 0 : index
    %get3A_5 = arith.constant 0 : index
    %get3A_6 = vector.load %arg1[%get3A_4, %get3A_5] : memref<1000x128xf32, #tpu.memory_space<vmem>>, vector<1000x128xf32>
    %get3A_7 = arith.constant 0 : index
    %get3A_8 = arith.constant 0 : index
    %get3A_9 = vector.load %arg2[%get3A_7, %get3A_8] : memref<1000x128xf32, #tpu.memory_space<vmem>>, vector<1000x128xf32>
    %concatenate3A = tpu.concatenate %get3A_6, %get3A_9 in 1 : vector<1000x128xf32>, vector<1000x128xf32> -> vector<1000x256xf32>
    %get3A_10 = arith.constant 0 : index
    %get3A_11 = arith.constant 0 : index
    %get3A_12 = vector.load %arg3[%get3A_10, %get3A_11] : memref<1000x256xf32, #tpu.memory_space<vmem>>, vector<1000x256xf32>
    %add3A_13 = arith.addf %concatenate3A, %get3A_12 : vector<1000x256xf32>
    %mul3A = vector.broadcast %rsqrt3A : vector<1000x1xf32> to vector<1000x256xf32>
    %mul3A_14 = arith.mulf %mul3A, %add3A_13 : vector<1000x256xf32>
    %get3A_15 = arith.constant 0 : index
    %get3A_16 = arith.constant 0 : index
    %get3A_17 = vector.load %arg5[%get3A_15, %get3A_16] : memref<1x256xf32, #tpu.memory_space<vmem>>, vector<1x256xf32>
    %add3A_18 = vector.broadcast %get3A_17 : vector<1x256xf32> to vector<1000x256xf32>
    %add3A_19 = arith.addf %mul3A_14, %add3A_18 : vector<1000x256xf32>
    %max3A = arith.constant 0.000000e+00 : f32
    %max3A_20 = vector.broadcast %max3A : f32 to vector<1000x256xf32>
    %max3A_21 = arith.maximumf %add3A_19, %max3A_20 : vector<1000x256xf32>
    %swap3A = arith.constant 0 : index
    %swap3A_22 = arith.constant 0 : index
    %swap3A_23 = vector.load %arg6[%swap3A, %swap3A_22] : memref<1000x256xf32, #tpu.memory_space<vmem>>, vector<1000x256xf32>
    tpu.vector_store %arg6[%swap3A, %swap3A_22], %max3A_21 {strides = array<i32>} : memref<1000x256xf32, #tpu.memory_space<vmem>>, vector<1000x256xf32>,
    return
  }
  func.func @transform_0(%arg0: i32) -> (i32, i32) {
    %c0_i32 = arith.constant 0 : i32
    %c0_i32_0 = arith.constant 0 : i32
    return %arg0, %c0_i32 : i32, i32
  }
  func.func @transform_1(%arg0: i32) -> (i32, i32) {
    %c0_i32 = arith.constant 0 : i32
    %c0_i32_0 = arith.constant 0 : i32
    return %arg0, %c0_i32 : i32, i32
  }
  func.func @transform_2(%arg0: i32) -> (i32, i32) {
    %c0_i32 = arith.constant 0 : i32
    %c0_i32_0 = arith.constant 0 : i32
    return %arg0, %c0_i32 : i32, i32
  }
  func.func @transform_3(%arg0: i32) -> (i32, i32) {
    %c0_i32 = arith.constant 0 : i32
    %c0_i32_0 = arith.constant 0 : i32
    return %arg0, %c0_i32 : i32, i32
  }
  func.func @transform_4(%arg0: i32) -> (i32, i32) {
    %c0_i32 = arith.constant 0 : i32
    %c0_i32_0 = arith.constant 0 : i32
    %c0_i32_1 = arith.constant 0 : i32
    return %c0_i32, %c0_i32_0 : i32, i32
  }
  func.func @transform_5(%arg0: i32) -> (i32, i32) {
    %c0_i32 = arith.constant 0 : i32
    %c0_i32_0 = arith.constant 0 : i32
    return %arg0, %c0_i32 : i32, i32
  }
}

</mosaic_0001>

<sc_bundles>
// kernel: kernel.11.cloned.1.call-start
scs
__scs_entry_jumppad:
0x0: {  	(pc) =	sbr.rel $0x88, $3  }
0x1: {  	(tag) =	ssettag $0x0;
	lr =	simm.s32 $0x1  }
0x2: {  	[smem:$0x3F9B] =	sst lr;
	_ =	strace $0xD0000000  }
0x3: {  	_ = 	snop  }
0x4: {  	_ = 	snop  }
0x5: {  	_ = 	snop  }
0x6: {  	_ = 	snop  }
0x7: {  	_ = 	snop  }
__scs_overlays_trampoline_lowered:
0x8: {  	[smem:$0x3FAA] =	sst s0  }
0x9: {  	[smem:$0x3FAB] =	sst s1  }
0xa: {  	[smem:$0x3FAC] =	sst s2  }
0xb: {  	[smem:$0x3FAD] =	sst s3  }
0xc: {  	[smem:$0x3FAE] =	sst s4  }
0xd: {  	[smem:$0x3FAF] =	sst s5  }
0xe: {  	[smem:$0x3FB0] =	sst s6  }
0xf: {  	[smem:$0x3FB1] =	sst s7  }
0x10: {  	[smem:$0x3FB2] =	sst s8  }
0x11: {  	[smem:$0x3FB3] =	sst s9;
	s0 =	simm.s32 @!p0 $0x0  }
0x12: {  	s1 =	sld [smem:$0x3F99];
	s0 =	simm.s32 @p0 $0x1  }
0x13: {  	[smem:$0x3FB4] =	sst s0;
	s0 =	simm.s32 @!p1 $0x0  }
0x14: {  	s2 =	sld [smem:$0x3F98];
	s0 =	simm.s32 @p1 $0x1  }
0x15: {  	[smem:$0x3FB5] =	sst s0;
	s0 =	simm.s32 @!p2 $0x0  }
0x16: {  	s3 =	sld [smem:$0x3FDB];
	s0 =	simm.s32 @p2 $0x1  }
0x17: {  	s4 =	simm.s32 $0x1BF5;
	[smem:$0x3FB7] =	sst s0  }
0x18: {  	s0 =	sld [smem:$0x3F9A];
	_ =	swait.ge [sflag:s4], $0x0  }
0x19: {  	s7 =	sld [smem:$0x3F9B]  }
0x1a: {  	s8 =	sadd.s32 $0xFFFFE003, lr  }
0x1b: {  	s9 =	sadd.s32 $0xFFFFFEF7, lr;
	s5 =	simm.s32 $0xFFFFFFFF;
	p2 =	slt.u32 s8, $0xFFFFF086  }
0x1c: {  	p1 =	slt.u32 s9, $0xF7A;
	s5 =	simm.s32 @!p2 $0x0  }
0x1d: {  	s5 =	simm.s32 @p1 $0x1;
	p0 =	seq.s32 s7, s2  }
0x1e: {  	s7 =	smul.u32 @!p0 $0xF7A, s2;
	p2 =	seq.s32 @!p0 s5, $0x0  }
0x1f: {  	s9 =	smul.u32 $0xF7A, s1;
	s8 =	simm.s32 @!p0 $0x1BF5;
	p2 =	por !p2, p0  }
0x20: {  	[sflag:s8] =	ssyncset.s32 @!p0 $0xFFFFF086;
	s6 =	sadd.s32 @!p0 s3, s7;
	s7 =	simm.s32 @!p0 $0x108  }
0x21: {  	s3 =	sadd.s32 s3, s9;
	s6 =	sadd.s32 @!p0 $0x88, s6;
	s7 =	simm.s32 @p2 $0x1082  }
0x22: {  	[simem:s7], [sflag:s8] =	dma.local @!p0 [hbm:s6], $0xF7A  }
0x23: {  	s9 =	sor.u32 $0xD0000000, s2;
	s6 =	simm.s32 $0x108;
	_ =	swait.ge @!p0 [sflag:s8], $0x0  }
0x24: {  	s3 =	sadd.s32 $0x88, s3;
	s6 =	simm.s32 @!p1 $0x1082;
	[sflag:s4] =	ssyncset.s32 $0xFFFFF086  }
0x25: {  	[simem:s6], [sflag:s4] =	dma.local [hbm:s3], $0xF7A  }
0x26: {  	[smem:$0x3F9B] =	sst s1;
	(tag) =	ssettag s2;
	_ =	strace s9  }
0x27: {  	s1 =	sld [smem:$0x3FAB]  }
0x28: {  	s2 =	sld [smem:$0x3FAC]  }
0x29: {  	s4 =	sld [smem:$0x3FAE]  }
0x2a: {  	p0 =	seq.s32 s5, $0x0;
	s5 =	sld [smem:$0x3FAF]  }
0x2b: {  	s6 =	sld [smem:$0x3FB0]  }
0x2c: {  	s7 =	sld [smem:$0x3FB1]  }
0x2d: {  	s3 =	simm.s32 $0x108;
	s8 =	sld [smem:$0x3FB2]  }
0x2e: {  	s3 =	simm.s32 @!p0 $0x1082;
	s9 =	sld [smem:$0x3FB3]  }
0x2f: {  	lr =	sadd.s32 s0, s3;
	s0 =	sld [smem:$0x3FAA]  }
0x30: {  	s3 =	sld [smem:$0x3FAD]  }
0x31: {  	[smem:$0x3FB6] =	sst s10  }
0x32: {  	s10 =	sld [smem:$0x3FB4];
	_ =	sdelay $0x3  }
0x33: {  	p0 =	seq.s32 s10, $0x1;
	s10 =	sld [smem:$0x3FB6];
	_ =	sdelay $0x3  }
0x34: {  	[smem:$0x3FB6] =	sst s10  }
0x35: {  	s10 =	sld [smem:$0x3FB5];
	_ =	sdelay $0x3  }
0x36: {  	p1 =	seq.s32 s10, $0x1;
	s10 =	sld [smem:$0x3FB6];
	_ =	sdelay $0x3  }
0x37: {  	[smem:$0x3FB6] =	sst s10  }
0x38: {  	s10 =	sld [smem:$0x3FB7]  }
0x39: {  	_ = 	snop;
	(pc) =	sbr.ind lr, $3  }
0x3a: {  	_ = 	snop  }
0x3b: {  	_ = 	snop  }
0x3c: {  	p2 =	seq.s32 s10, $0x1;
	s10 =	sld [smem:$0x3FB6]  }
0x3d: {  	_ =	shalt  }
0x3e: {  	_ =	shalt  }
0x3f: {  	_ =	shalt  }
0x40: {  	_ =	shalt  }
0x41: {  	_ =	shalt  }
0x42: {  	_ =	shalt  }
0x43: {  	_ =	shalt  }
0x44: {  	_ =	shalt  }
0x45: {  	_ =	shalt  }
0x46: {  	_ =	shalt  }
0x47: {  	_ =	shalt  }
0x48: {  	_ =	shalt  }
0x49: {  	_ =	shalt  }
0x4a: {  	_ =	shalt  }
0x4b: {  	_ =	shalt  }
0x4c: {  	_ =	shalt  }
0x4d: {  	_ =	shalt  }
0x4e: {  	_ =	shalt  }
0x4f: {  	_ =	shalt  }
0x50: {  	_ =	shalt  }
0x51: {  	_ =	shalt  }
0x52: {  	_ =	shalt  }
0x53: {  	_ =	shalt  }
0x54: {  	_ =	shalt  }
0x55: {  	_ =	shalt  }
0x56: {  	_ =	shalt  }
0x57: {  	_ =	shalt  }
0x58: {  	_ =	shalt  }
0x59: {  	_ =	shalt  }
0x5a: {  	_ =	shalt  }
0x5b: {  	_ =	shalt  }
0x5c: {  	_ =	shalt  }
0x5d: {  	_ =	shalt  }
0x5e: {  	_ =	shalt  }
0x5f: {  	_ =	shalt  }
0x60: {  	_ =	shalt  }
0x61: {  	_ =	shalt  }
0x62: {  	_ =	shalt  }
0x63: {  	_ =	shalt  }
0x64: {  	_ =	shalt  }
0x65: {  	_ =	shalt  }
0x66: {  	_ =	shalt  }
0x67: {  	_ =	shalt  }
0x68: {  	_ =	shalt  }
0x69: {  	_ =	shalt  }
0x6a: {  	_ =	shalt  }
0x6b: {  	_ =	shalt  }
0x6c: {  	_ =	shalt  }
0x6d: {  	_ =	shalt  }
0x6e: {  	_ =	shalt  }
0x6f: {  	_ =	shalt  }
0x70: {  	_ =	shalt  }
0x71: {  	_ =	shalt  }
0x72: {  	_ =	shalt  }
0x73: {  	_ =	shalt  }
0x74: {  	_ =	shalt  }
0x75: {  	_ =	shalt  }
0x76: {  	_ =	shalt  }
0x77: {  	_ =	shalt  }
0x78: {  	_ =	shalt  }
0x79: {  	_ =	shalt  }
0x7a: {  	_ =	shalt  }
0x7b: {  	_ =	shalt  }
0x7c: {  	_ =	shalt  }
0x7d: {  	_ =	shalt  }
0x7e: {  	_ =	shalt  }
0x7f: {  	_ =	shalt  }
0x80: {  	_ =	shalt  }
0x81: {  	_ =	shalt  }
0x82: {  	_ =	shalt  }
0x83: {  	_ =	shalt  }
0x84: {  	_ =	shalt  }
0x85: {  	_ =	shalt  }
0x86: {  	_ =	shalt  }
0x87: {  	_ =	shalt  }
.Lfunc_end0:
.L_simem_size_0:
called_computation_lowered:
.L_overlay_start_0:
0x88: {  	s2 =	sld [smem:$0x3FD9]  }
0x89: {  	s3 =	sld [smem:$0x3FFE];
	_ =	sdelay $0x1  }
0x8a: {  	s1 =	srdreg.scid  }
0x8b: {  	s0 =	sand.u32 $0x1, s1  }
0x8c: {  	s16 =	sshll.u32 s0, $0xA;
	s2 =	sadd.s32 s3, s2  }
0x8d: {  	s2 =	sadd.s32 s2, s16  }
0x8e: {  	[smem:$0x3FC2] =	sst s2  }
0x8f: {  	_ = 	snop  }
0x90: {  	(tm) =	ssettm $0x1  }
0x91: {  	s17 =	sld [smem:$0x3FFB];
	_ =	sdelay $0x3  }
0x92: {  	_ =	strace s17  }
0x93: {  	s2 =	sld [smem:$0x3FFC];
	_ =	sdelay $0x3  }
0x94: {  	_ =	strace s2  }
0x95: {  	s2 =	sld [smem:$0x3FFD];
	_ =	sdelay $0x3  }
0x96: {  	_ =	strace s2  }
0x97: {  	_ =	strace $0x8FFFFFFF  }
0x98: {  	s18 =	sld [smem:$0x3FDB];
	_ =	sdelay $0x1  }
0x99: {  	s19 =	simm.s32 $_scs_section_size  }
0x9a: {  	s4 =	simm.s32 $_size__tile_overlayer_lowered;
	s5 =	simm.s32 $_tile_overlayer_lowered  }
0x9b: {  	s22 =	simm.s32 $0x1BFF;
	s21 =	sshll.u32 s5, $0x1;
	s2 =	sadd.s32 s19, s18  }
0x9c: {  	s6 =	simm.s32 $0x0;
	s20 =	sshll.u32 s4, $0x1;
	s4 =	sadd.s32 s21, s2  }
0x9d: {  	[timem:s6], [sflag:s22] =	dma.local [hbm:s4], s20  }
0x9e: {  	_ =	swait.ge [sflag:s22], s20  }
0x9f: {  	s3 =	ssub.s32 $0x0, s20;
	[sflag:s22] =	ssyncset.done $0x0  }
0xa0: {  	[sflag:s22] =	ssyncadd.s32 s3;
	_ =	sdelay $0x1  }
0xa1: {  	s23 =	simm.s32 $0x1B8B  }
0xa2: {  	_ =	swait.ge [sflag:s23], $0x1  }
0xa3: {  	[sflag:s23] =	ssyncset.done $0x0  }
0xa4: {  	s25 =	simm.s32 $0x1B8E;
	s24 =	sld [smem:$0x3FFE];
	[sflag:s23] =	ssyncadd.s32 $0xFFFFFFFF  }
0xa5: {  	s26 =	simm.s32 $execute0_lowered;
	[smem:$0x3FD2] =	sst s25  }
0xa6: {  	s4 =	sshll.u32 s26, $0x1;
	_ =	strace $0x80000046;
	[dreg:$0x1] =	wrdreg $0xFFFFFFFF  }
0xa7: {  	s28 =	simm.s32 $_size_execute0_lowered;
	s2 =	sadd.s32 s2, s4;
	[dreg:$0x0] =	wrdreg $0x0  }
0xa8: {  	s4 =	sshll.u32 s28, $0x1;
	[dreg:$0x2] =	wrdreg s2  }
0xa9: {  	[dreg:$0x3] =	wrdreg s4  }
0xaa: {  	[dreg:$0x4] =	wrdreg $0xC0  }
0xab: {  	_ =	task [dreg:s6], $0x5FFFF  }
0xac: {  	[dreg:$0x1] =	wrdreg $0xFFFFFFFF  }
0xad: {  	[dreg:$0x0] =	wrdreg $0x60  }
0xae: {  	[dreg:$0x2] =	wrdreg s24  }
0xaf: {  	[dreg:$0x3] =	wrdreg $0x68000  }
0xb0: {  	[dreg:$0x4] =	wrdreg $0x9  }
0xb1: {  	_ =	task.clear_ibuf [dreg:s6], $0x5FFFF;
	_ =	strace $0x90000046  }
0xb2: {  	s29 =	simm.s32 $0x9;
	_ =	strace $0x80000048  }
0xb3: {  	_ =	swait.ge [sflag:s29], $0x1  }
0xb4: {  	[sflag:s29] =	ssyncadd.s32 $0xFFFFFFFF  }
0xb5: {  	_ =	strace $0x90000048  }
0xb6: {  	_ =	sfence  }
0xb7: {  	s30 =	sld [smem:$0x0];
	_ =	sdelay $0x2  }
0xb8: {  	s31 =	sshll.u32 s1, $0xD;
	s1 =	sshrl.u32 s1, $0x2  }
0xb9: {  	s3 =	sand.u32 $0x4000, s31;
	s1 =	sadd.s32 s1, s30  }
0xba: {  	s0 =	sor.u32 s3, s0;
	s1 =	sshll.u32 s1, $0x11  }
0xbb: {  	s0 =	sor.u32 s1, s0  }
0xbc: {  	s0 =	sadd.s32 $0x8F2B, s0  }
0xbd: {  	[sflag:s0] =	ssyncadd.remote.s32 $0x1  }
0xbe: {  	_ =	sfence.sel $0xFFFF  }
0xbf: {  	[dreg:$0x0] =	wrdreg $0xFFFFFFFF;
	(pc) =	sbr.abs _section_cstart, $3  }
0xc0: {  	[dreg:$0x1] =	wrdreg $0xFFFFFFFF  }
0xc1: {  	_ =	task.clear_ibuf [dreg:s6], $0x2FFFF;
	_ =	strace $0x9FFFFFFF  }
0xc2: {  	(tm) =	ssettm $0x7FFFFFFF  }
0xc3: {  	_ =	shalt  }
tec
execute0_lowered:
.L_overlay_start_1:
0x0: {  	(tag) =	ssettag $0x1  }
0x1: {  	s1 =	srdreg.scid  }
0x2: {  	s1 =	sand.u32 $0x1, s1  }
0x3: {  	p0 =	seq.s32 s1, $0x1  }
.Ltmp0:
0x4: {  	_ = 	snop;
	(pc) =	sbr.rel @p0 .LBB2_4-.Ltmp0, $4  }
0x5: {  	s4 =	rddreg [dreg:$0x0]  }
0x6: {  	s2 =	rddreg [dreg:$0x1];
	s6 =	simm.s32 $0x0  }
0x7: {  	[smem:$0x7FF] =	sst s6  }
0x8: {  	s0 =	rddreg [dreg:$0x2];
	_ =	strace $0x80000047;
	s1 =	stileid.u32  }
0x9: {  	s3 =	smul.u32 $0x500, s1  }
0xa: {  	s5 =	sadd.s32 $0x3E00, s4  }
0xb: {  	s3 =	sadd.s32 s5, s3  }
0xc: {  	[tilespmem:s6], [sflag:$0x1] =	stream.linear.gather [hbm4b:s3+s6], $0x2800, $0x38;
	[tilespmem:$0x1A400] =	vst v63  }
0xd: {  	s3 =	simm.s32 $0x1  }
0xe: {  	_ =	swait.ge [sflag:s3], $0x2800  }
0xf: {  	s7 =	sadd.s32 $0x8E00, s4;
	[sflag:s3] =	ssyncset.done $0x0  }
0x10: {  	s8 =	smul.u32 $0x4F000, s1;
	s5 =	simm.s32 $0x2800;
	[sflag:s3] =	ssyncadd.s32 $0xFFFFD800  }
0x11: {  	[tilespmem:s5], [sflag:$0x1] =	stream.linear.gather [hbm4b:s7+s6], $0x4000, $0x38;
	[tilespmem:$0x1A400] =	vst v63  }
0x12: {  	s9 =	sadd.s32 $0x9600, s4;
	s26 =	sshrl.u32 s8, $0x2;
	_ =	swait.ge [sflag:s3], $0x4000  }
0x13: {  	s29 =	sshll.u32 s1, $0x6;
	s28 =	sadd.s32 s26, s2;
	[sflag:s3] =	ssyncset.done $0x0  }
0x14: {  	s6 =	sor.u32 $0x1C01, s29;
	s7 =	sshrl.u32 s28, $0x3;
	[sflag:s3] =	ssyncadd.s32 $0xFFFFC000  }
0x15: {  	[spmem:s7], [sflag:s6] =	dma.local [hbm:s9], $0x2780  }
0x16: {  	_ =	swait.ge [sflag:s3], $0x2780  }
0x17: {  	[sflag:s3] =	ssyncset.done $0x0  }
0x18: {  	s30 =	smul.u32 $0x2780, s1;
	[sflag:s3] =	ssyncadd.s32 $0xFFFFD880  }
0x19: {  	s10 =	simm.s32 $0x0;
	s8 =	simm.s32 $0x80;
	[bflag:$0x0] =	sbarrier.arrive $0xFFFF  }
0x1a: {  	[spmem:s2] =	stream.indirect.scatter.add.f32 [tilespmem:s5], [sflag:$0x1], $0x80, s10, s8, $0xb8;
	[tilespmem:$0x1A400] =	vst v63  }
0x1b: {  	s31 =	sadd.s32 s30, s4;
	_ =	swait.ge [sflag:s3], $0x4000  }
0x1c: {  	s4 =	sadd.s32 $0xBE00, s31;
	s9 =	simm.s32 $0x200;
	[sflag:s3] =	ssyncset.done $0x0  }
.LBB2_2:
0x1d: {  	s10 =	sshra.s32 s9, $0x2;
	[sflag:s3] =	ssyncadd.s32 $0xFFFFC000;
	p0 =	sne.s32 s9, $0x9E00  }
0x1e: {  	[spmem:s2] =	stream.indirect.scatter.add.f32 [tilespmem:s5], [sflag:$0x1], $0x80, s10, s8, $0xb8;
	[tilespmem:$0x1A400] =	vst v63  }
.Ltmp1:
0x1f: {  	_ = 	snop;
	(pc) =	sbr.rel @p0 .LBB2_2-.Ltmp1, $4  }
0x20: {  	_ = 	snop  }
0x21: {  	s9 =	sadd.s32 $0x200, s9  }
0x22: {  	_ =	swait.ge [sflag:s3], $0x4000  }
0x23: {  	[sflag:s3] =	ssyncset.done $0x0  }
0x24: {  	[sflag:s3] =	ssyncadd.s32 $0xFFFFC000  }
0x25: {  	s2 =	simm.s32 $0x1;
	[bflag:$0x0] =	sbarrier.arrive $0xFFFF  }
0x26: {  	[hbm:s4], [sflag:s6] =	dma.local [spmem:s7], $0x2780  }
0x27: {  	_ =	swait.ge [sflag:s2], $0x2780  }
0x28: {  	[sflag:s2] =	ssyncset.done $0x0  }
0x29: {  	[sflag:s2] =	ssyncadd.s32 $0xFFFFD880  }
.LBB2_4:
0x2a: {  	_ =	sfence.sel $0x180000  }
0x2b: {  	[bflag:$0x0] =	sbarrier.arrive $0xFFFF  }
0x2c: {  	p0 =	sne.s32 s1, $0x0;
	_ =	strace $0x90000047  }
0x2d: {  	s0 =	sadd.s32 @!p0 $0x100000, s0;
	[bflag:$0x2] =	sbarrier.arrive $0xFFFF  }
0x2e: {  	[sflag:s0] =	ssyncadd.tile.s32 @!p0 $0x1;
	_ =	shalt  }
.Lfunc_end2:
_tile_overlayer_lowered:
.L_overlay_start_2:
0x2f: {  	(tag) =	ssettag $0x2  }
0x30: {  	s0 =	rddreg [dreg:$0x0];
	s2 =	stileid.u32  }
0x31: {  	s1 =	rddreg [dreg:$0x1];
	p0 =	sne.s32 s2, $0x0  }
0x32: {  	s3 =	rddreg [dreg:$0x2];
	[bflag:$0x3] =	sbarrier.arrive $0xFFFF;
	s2 =	simm.s32 @!p0 $0x1C01  }
0x33: {  	[timem:s3], [sflag:s2] =	dma.local @!p0 [hbm:s0], s1  }
0x34: {  	s0 =	simm.s32 @!p0 $0x1  }
0x35: {  	_ =	swait.ge @!p0 [sflag:s0], s1  }
0x36: {  	s1 =	ssub.s32 @!p0 $0x0, s1;
	[sflag:s0] =	ssyncset.done @!p0 $0x0  }
0x37: {  	[sflag:s0] =	ssyncadd.s32 @!p0 s1  }
0x38: {  	[bflag:$0x3] =	sbarrier.arrive $0xFFFF  }
0x39: {  	_ =	shalt  }

// kernel: kernel.14.cloned.1.call-start
scs
__scs_entry_jumppad:
0x0: {  	(pc) =	sbr.rel $0x88, $3  }
0x1: {  	(tag) =	ssettag $0x0;
	lr =	simm.s32 $0x1  }
0x2: {  	[smem:$0x3F9B] =	sst lr;
	_ =	strace $0xD0000000  }
0x3: {  	_ = 	snop  }
0x4: {  	_ = 	snop  }
0x5: {  	_ = 	snop  }
0x6: {  	_ = 	snop  }
0x7: {  	_ = 	snop  }
__scs_overlays_trampoline_lowered:
0x8: {  	[smem:$0x3FAA] =	sst s0  }
0x9: {  	[smem:$0x3FAB] =	sst s1  }
0xa: {  	[smem:$0x3FAC] =	sst s2  }
0xb: {  	[smem:$0x3FAD] =	sst s3  }
0xc: {  	[smem:$0x3FAE] =	sst s4  }
0xd: {  	[smem:$0x3FAF] =	sst s5  }
0xe: {  	[smem:$0x3FB0] =	sst s6  }
0xf: {  	[smem:$0x3FB1] =	sst s7  }
0x10: {  	[smem:$0x3FB2] =	sst s8  }
0x11: {  	[smem:$0x3FB3] =	sst s9;
	s0 =	simm.s32 @!p0 $0x0  }
0x12: {  	s1 =	sld [smem:$0x3F99];
	s0 =	simm.s32 @p0 $0x1  }
0x13: {  	[smem:$0x3FB4] =	sst s0;
	s0 =	simm.s32 @!p1 $0x0  }
0x14: {  	s2 =	sld [smem:$0x3F98];
	s0 =	simm.s32 @p1 $0x1  }
0x15: {  	[smem:$0x3FB5] =	sst s0;
	s0 =	simm.s32 @!p2 $0x0  }
0x16: {  	s3 =	sld [smem:$0x3FDB];
	s0 =	simm.s32 @p2 $0x1  }
0x17: {  	s4 =	simm.s32 $0x1BF5;
	[smem:$0x3FB7] =	sst s0  }
0x18: {  	s0 =	sld [smem:$0x3F9A];
	_ =	swait.ge [sflag:s4], $0x0  }
0x19: {  	s7 =	sld [smem:$0x3F9B]  }
0x1a: {  	s8 =	sadd.s32 $0xFFFFE003, lr  }
0x1b: {  	s9 =	sadd.s32 $0xFFFFFEF7, lr;
	s5 =	simm.s32 $0xFFFFFFFF;
	p2 =	slt.u32 s8, $0xFFFFF086  }
0x1c: {  	p1 =	slt.u32 s9, $0xF7A;
	s5 =	simm.s32 @!p2 $0x0  }
0x1d: {  	s5 =	simm.s32 @p1 $0x1;
	p0 =	seq.s32 s7, s2  }
0x1e: {  	s7 =	smul.u32 @!p0 $0xF7A, s2;
	p2 =	seq.s32 @!p0 s5, $0x0  }
0x1f: {  	s9 =	smul.u32 $0xF7A, s1;
	s8 =	simm.s32 @!p0 $0x1BF5;
	p2 =	por !p2, p0  }
0x20: {  	[sflag:s8] =	ssyncset.s32 @!p0 $0xFFFFF086;
	s6 =	sadd.s32 @!p0 s3, s7;
	s7 =	simm.s32 @!p0 $0x108  }
0x21: {  	s3 =	sadd.s32 s3, s9;
	s6 =	sadd.s32 @!p0 $0x88, s6;
	s7 =	simm.s32 @p2 $0x1082  }
0x22: {  	[simem:s7], [sflag:s8] =	dma.local @!p0 [hbm:s6], $0xF7A  }
0x23: {  	s9 =	sor.u32 $0xD0000000, s2;
	s6 =	simm.s32 $0x108;
	_ =	swait.ge @!p0 [sflag:s8], $0x0  }
0x24: {  	s3 =	sadd.s32 $0x88, s3;
	s6 =	simm.s32 @!p1 $0x1082;
	[sflag:s4] =	ssyncset.s32 $0xFFFFF086  }
0x25: {  	[simem:s6], [sflag:s4] =	dma.local [hbm:s3], $0xF7A  }
0x26: {  	[smem:$0x3F9B] =	sst s1;
	(tag) =	ssettag s2;
	_ =	strace s9  }
0x27: {  	s1 =	sld [smem:$0x3FAB]  }
0x28: {  	s2 =	sld [smem:$0x3FAC]  }
0x29: {  	s4 =	sld [smem:$0x3FAE]  }
0x2a: {  	p0 =	seq.s32 s5, $0x0;
	s5 =	sld [smem:$0x3FAF]  }
0x2b: {  	s6 =	sld [smem:$0x3FB0]  }
0x2c: {  	s7 =	sld [smem:$0x3FB1]  }
0x2d: {  	s3 =	simm.s32 $0x108;
	s8 =	sld [smem:$0x3FB2]  }
0x2e: {  	s3 =	simm.s32 @!p0 $0x1082;
	s9 =	sld [smem:$0x3FB3]  }
0x2f: {  	lr =	sadd.s32 s0, s3;
	s0 =	sld [smem:$0x3FAA]  }
0x30: {  	s3 =	sld [smem:$0x3FAD]  }
0x31: {  	[smem:$0x3FB6] =	sst s10  }
0x32: {  	s10 =	sld [smem:$0x3FB4];
	_ =	sdelay $0x3  }
0x33: {  	p0 =	seq.s32 s10, $0x1;
	s10 =	sld [smem:$0x3FB6];
	_ =	sdelay $0x3  }
0x34: {  	[smem:$0x3FB6] =	sst s10  }
0x35: {  	s10 =	sld [smem:$0x3FB5];
	_ =	sdelay $0x3  }
0x36: {  	p1 =	seq.s32 s10, $0x1;
	s10 =	sld [smem:$0x3FB6];
	_ =	sdelay $0x3  }
0x37: {  	[smem:$0x3FB6] =	sst s10  }
0x38: {  	s10 =	sld [smem:$0x3FB7]  }
0x39: {  	_ = 	snop;
	(pc) =	sbr.ind lr, $3  }
0x3a: {  	_ = 	snop  }
0x3b: {  	_ = 	snop  }
0x3c: {  	p2 =	seq.s32 s10, $0x1;
	s10 =	sld [smem:$0x3FB6]  }
0x3d: {  	_ =	shalt  }
0x3e: {  	_ =	shalt  }
0x3f: {  	_ =	shalt  }
0x40: {  	_ =	shalt  }
0x41: {  	_ =	shalt  }
0x42: {  	_ =	shalt  }
0x43: {  	_ =	shalt  }
0x44: {  	_ =	shalt  }
0x45: {  	_ =	shalt  }
0x46: {  	_ =	shalt  }
0x47: {  	_ =	shalt  }
0x48: {  	_ =	shalt  }
0x49: {  	_ =	shalt  }
0x4a: {  	_ =	shalt  }
0x4b: {  	_ =	shalt  }
0x4c: {  	_ =	shalt  }
0x4d: {  	_ =	shalt  }
0x4e: {  	_ =	shalt  }
0x4f: {  	_ =	shalt  }
0x50: {  	_ =	shalt  }
0x51: {  	_ =	shalt  }
0x52: {  	_ =	shalt  }
0x53: {  	_ =	shalt  }
0x54: {  	_ =	shalt  }
0x55: {  	_ =	shalt  }
0x56: {  	_ =	shalt  }
0x57: {  	_ =	shalt  }
0x58: {  	_ =	shalt  }
0x59: {  	_ =	shalt  }
0x5a: {  	_ =	shalt  }
0x5b: {  	_ =	shalt  }
0x5c: {  	_ =	shalt  }
0x5d: {  	_ =	shalt  }
0x5e: {  	_ =	shalt  }
0x5f: {  	_ =	shalt  }
0x60: {  	_ =	shalt  }
0x61: {  	_ =	shalt  }
0x62: {  	_ =	shalt  }
0x63: {  	_ =	shalt  }
0x64: {  	_ =	shalt  }
0x65: {  	_ =	shalt  }
0x66: {  	_ =	shalt  }
0x67: {  	_ =	shalt  }
0x68: {  	_ =	shalt  }
0x69: {  	_ =	shalt  }
0x6a: {  	_ =	shalt  }
0x6b: {  	_ =	shalt  }
0x6c: {  	_ =	shalt  }
0x6d: {  	_ =	shalt  }
0x6e: {  	_ =	shalt  }
0x6f: {  	_ =	shalt  }
0x70: {  	_ =	shalt  }
0x71: {  	_ =	shalt  }
0x72: {  	_ =	shalt  }
0x73: {  	_ =	shalt  }
0x74: {  	_ =	shalt  }
0x75: {  	_ =	shalt  }
0x76: {  	_ =	shalt  }
0x77: {  	_ =	shalt  }
0x78: {  	_ =	shalt  }
0x79: {  	_ =	shalt  }
0x7a: {  	_ =	shalt  }
0x7b: {  	_ =	shalt  }
0x7c: {  	_ =	shalt  }
0x7d: {  	_ =	shalt  }
0x7e: {  	_ =	shalt  }
0x7f: {  	_ =	shalt  }
0x80: {  	_ =	shalt  }
0x81: {  	_ =	shalt  }
0x82: {  	_ =	shalt  }
0x83: {  	_ =	shalt  }
0x84: {  	_ =	shalt  }
0x85: {  	_ =	shalt  }
0x86: {  	_ =	shalt  }
0x87: {  	_ =	shalt  }
.Lfunc_end0:
.L_simem_size_0:
called_computation.1_lowered:
.L_overlay_start_0:
0x88: {  	s2 =	sld [smem:$0x3FD9]  }
0x89: {  	s3 =	sld [smem:$0x3FFE];
	_ =	sdelay $0x1  }
0x8a: {  	s1 =	srdreg.scid  }
0x8b: {  	s0 =	sand.u32 $0x1, s1  }
0x8c: {  	s17 =	sshll.u32 s0, $0xA;
	s2 =	sadd.s32 s3, s2  }
0x8d: {  	s2 =	sadd.s32 s2, s17  }
0x8e: {  	[smem:$0x3FC2] =	sst s2  }
0x8f: {  	_ = 	snop  }
0x90: {  	s2 =	sld [smem:$0x3FD0];
	(tm) =	ssettm $0x1  }
0x91: {  	s18 =	sld [smem:$0x3FFB];
	_ =	sdelay $0x3  }
0x92: {  	_ =	strace s18  }
0x93: {  	s3 =	sld [smem:$0x3FFC];
	_ =	sdelay $0x3  }
0x94: {  	_ =	strace s3  }
0x95: {  	s3 =	sld [smem:$0x3FFD];
	_ =	sdelay $0x3  }
0x96: {  	_ =	strace s3  }
0x97: {  	_ =	strace $0x8FFFFFFF  }
0x98: {  	s19 =	sld [smem:$0x3FDB];
	_ =	sdelay $0x1  }
0x99: {  	s4 =	simm.s32 $_scs_section_size  }
0x9a: {  	s5 =	simm.s32 $_size__tile_overlayer_lowered;
	s6 =	simm.s32 $_tile_overlayer_lowered  }
0x9b: {  	s22 =	simm.s32 $0x1BFF;
	s21 =	sshll.u32 s6, $0x1;
	s3 =	sadd.s32 s4, s19  }
0x9c: {  	s7 =	simm.s32 $0x0;
	s20 =	sshll.u32 s5, $0x1;
	s5 =	sadd.s32 s21, s3  }
0x9d: {  	[timem:s7], [sflag:s22] =	dma.local [hbm:s5], s20  }
0x9e: {  	_ =	swait.ge [sflag:s22], s20  }
0x9f: {  	s4 =	ssub.s32 $0x0, s20;
	[sflag:s22] =	ssyncset.done $0x0  }
0xa0: {  	[sflag:s22] =	ssyncadd.s32 s4;
	_ =	sdelay $0x1  }
0xa1: {  	s23 =	simm.s32 $0x1B8B  }
0xa2: {  	_ =	swait.ge [sflag:s23], $0x1  }
0xa3: {  	[sflag:s23] =	ssyncset.done $0x0  }
0xa4: {  	s25 =	simm.s32 $0x1B8E;
	s24 =	sld [smem:$0x3FFE];
	[sflag:s23] =	ssyncadd.s32 $0xFFFFFFFF  }
0xa5: {  	s26 =	simm.s32 $execute0_lowered;
	[smem:$0x3FD2] =	sst s25  }
0xa6: {  	s5 =	sshll.u32 s26, $0x1;
	_ =	strace $0x80000049;
	[dreg:$0x1] =	wrdreg $0xFFFFFFFF  }
0xa7: {  	s28 =	simm.s32 $_size_execute0_lowered;
	s3 =	sadd.s32 s3, s5;
	[dreg:$0x0] =	wrdreg $0x0  }
0xa8: {  	s5 =	sshll.u32 s28, $0x1;
	[dreg:$0x2] =	wrdreg s3  }
0xa9: {  	[dreg:$0x3] =	wrdreg s5  }
0xaa: {  	[dreg:$0x4] =	wrdreg $0xC0  }
0xab: {  	_ =	task [dreg:s7], $0x5FFFF  }
0xac: {  	[dreg:$0x1] =	wrdreg $0xFFFFFFFF  }
0xad: {  	[dreg:$0x0] =	wrdreg $0x60  }
0xae: {  	[dreg:$0x2] =	wrdreg s24  }
0xaf: {  	[dreg:$0x3] =	wrdreg s2  }
0xb0: {  	[dreg:$0x4] =	wrdreg $0xA8000  }
0xb1: {  	[dreg:$0x5] =	wrdreg $0x9  }
0xb2: {  	_ =	task.clear_ibuf [dreg:s7], $0x6FFFF;
	_ =	strace $0x90000049  }
0xb3: {  	s29 =	simm.s32 $0x9;
	_ =	strace $0x8000004B  }
0xb4: {  	_ =	swait.ge [sflag:s29], $0x1  }
0xb5: {  	[sflag:s29] =	ssyncadd.s32 $0xFFFFFFFF  }
0xb6: {  	_ =	strace $0x9000004B  }
0xb7: {  	_ =	sfence  }
0xb8: {  	s30 =	sld [smem:$0x0];
	_ =	sdelay $0x2  }
0xb9: {  	s31 =	sshll.u32 s1, $0xD;
	s1 =	sshrl.u32 s1, $0x2  }
0xba: {  	s3 =	sand.u32 $0x4000, s31;
	s1 =	sadd.s32 s1, s30  }
0xbb: {  	s0 =	sor.u32 s3, s0;
	s1 =	sshll.u32 s1, $0x11  }
0xbc: {  	s0 =	sor.u32 s1, s0  }
0xbd: {  	s0 =	sadd.s32 $0x8F2B, s0  }
0xbe: {  	[sflag:s0] =	ssyncadd.remote.s32 $0x1  }
0xbf: {  	_ =	sfence.sel $0xFFFF  }
0xc0: {  	[dreg:$0x0] =	wrdreg $0xFFFFFFFF;
	(pc) =	sbr.abs _section_cstart, $3  }
0xc1: {  	[dreg:$0x1] =	wrdreg $0xFFFFFFFF  }
0xc2: {  	_ =	task.clear_ibuf [dreg:s7], $0x2FFFF;
	_ =	strace $0x9FFFFFFF  }
0xc3: {  	(tm) =	ssettm $0x7FFFFFFF  }
tec
execute0_lowered:
.L_overlay_start_1:
0x0: {  	(tag) =	ssettag $0x1  }
0x1: {  	s5 =	rddreg [dreg:$0x0]  }
0x2: {  	s7 =	rddreg [dreg:$0x1]  }
0x3: {  	s0 =	srdreg.scid;
	s2 =	rddreg [dreg:$0x2]  }
0x4: {  	s3 =	simm.s32 $0x0;
	s6 =	sand.u32 $0x1, s0;
	s0 =	stileid.u32  }
0x5: {  	s15 =	simm.s32 $0x6800;
	s16 =	simm.s32 $0x1;
	s9 =	smul.u32 $0x280, s0  }
0x6: {  	s17 =	simm.s32 $0x2;
	s18 =	simm.s32 $0x2700;
	s10 =	smul.u32 $0x27800, s6  }
0x7: {  	s19 =	simm.s32 $0x2780;
	[smem:$0x7FF] =	sst s3;
	s11 =	smul.u32 $0x4F000, s0  }
0x8: {  	s1 =	sshll.u32 s6, $0x4;
	s6 =	ssub.s32 $0x2, s6;
	s20 =	smul.u32 $0x2780, s0  }
0x9: {  	s31 =	sshll.u32 s0, $0x6;
	s4 =	sor.u32 s0, s1;
	s1 =	rddreg [dreg:$0x3]  }
0xa: {  	_ =	strace $0x8000004A;
	s29 =	sshrl.u32 s6, $0x1;
	s8 =	smul.u32 $0x280, s4  }
0xb: {  	s4 =	sadd.s32 $0x90800, s5;
	s9 =	sadd.s32 s9, s5;
	s12 =	sadd.s32 s10, s5  }
0xc: {  	s13 =	ssub.s32 s6, s29;
	s30 =	sshrl.u32 s11, $0x2;
	s10 =	sadd.s32 s7, s10  }
0xd: {  	s11 =	sor.u32 $0x1C03, s31;
	s6 =	sadd.s32 $0x33600, s9;
	s14 =	sadd.s32 s30, s2  }
0xe: {  	s21 =	sadd.s32 $0xDEA00, s12;
	s7 =	smax.u32 s13, $0x1;
	s9 =	simm.s32 $0x1400  }
0xf: {  	s10 =	sadd.s32 s20, s10;
	s13 =	simm.s32 $0x80;
	s8 =	sadd.s32 s8, s5  }
0x10: {  	s12 =	sshrl.u32 s14, $0x3;
	s14 =	simm.s32 $0x2800;
	s20 =	sadd.s32 s20, s21  }
0x11: {  	s21 =	simm.s32 $0x0;
	s5 =	sadd.s32 $0x38600, s8;
	s8 =	simm.s32 $0x3  }
.LBB2_1:
0x12: {  	[tilespmem:s3], [sflag:$0x3] =	stream.linear.gather [hbm4b:s5+s3], $0x1400, $0x38;
	[tilespmem:$0x1E400] =	vst v63  }
0x13: {  	_ =	swait.ge [sflag:s8], $0x1400  }
0x14: {  	[sflag:s8] =	ssyncset.done $0x0  }
0x15: {  	[sflag:s8] =	ssyncadd.s32 $0xFFFFEC00  }
0x16: {  	[tilespmem:s9], [sflag:$0x3] =	stream.linear.gather [hbm4b:s6+s3], $0x1400, $0x38;
	[tilespmem:$0x1E400] =	vst v63  }
0x17: {  	_ =	swait.ge [sflag:s8], $0x1400  }
0x18: {  	[sflag:s8] =	ssyncset.done $0x0  }
0x19: {  	[sflag:s8] =	ssyncadd.s32 $0xFFFFEC00  }
0x1a: {  	[spmem:s12], [sflag:s11] =	dma.local [hbm:s10], $0x2780  }
0x1b: {  	_ =	swait.ge [sflag:s8], $0x2780  }
0x1c: {  	[sflag:s8] =	ssyncset.done $0x0  }
0x1d: {  	[sflag:s8] =	ssyncadd.s32 $0xFFFFD880  }
0x1e: {  	[bflag:$0x0] =	sbarrier.arrive $0xFFFF  }
0x1f: {  	[tilespmem:s14], [sflag:$0x1] =	stream.indirect.gather [hbm4b:s4+s13], $0x80, s3, s13, $0xb8;
	[tilespmem:$0x1E400] =	vst v63  }
0x20: {  	_ = 	snop  }
0x21: {  	[tilespmem:s15], [sflag:$0x2] =	stream.indirect.gather [hbm4b:s4+s13], $0x80, s13, s13, $0xb8;
	[tilespmem:$0x1E400] =	vst v63  }
0x22: {  	_ =	swait.ge [sflag:s16], $0x4000  }
0x23: {  	[sflag:s16] =	ssyncset.done $0x0  }
0x24: {  	s22 =	simm.s32 $0x1400;
	[sflag:s16] =	ssyncadd.s32 $0xFFFFC000  }
0x25: {  	[spmem:s2] =	stream.indirect.scatter.add.f32 [tilespmem:s14], [sflag:$0x3], $0x80, s22, s13, $0xb8;
	[tilespmem:$0x1E400] =	vst v63  }
0x26: {  	_ =	swait.ge [sflag:s8], $0x4000  }
0x27: {  	[sflag:s8] =	ssyncset.done $0x0  }
0x28: {  	s30 =	simm.s32 $0x100;
	[sflag:s8] =	ssyncadd.s32 $0xFFFFC000  }
0x29: {  	[tilespmem:s14], [sflag:$0x1] =	stream.indirect.gather [hbm4b:s4+s13], $0x80, s30, s13, $0xb8;
	[tilespmem:$0x1E400] =	vst v63  }
0x2a: {  	_ =	swait.ge [sflag:s17], $0x4000  }
0x2b: {  	[sflag:s17] =	ssyncset.done $0x0  }
0x2c: {  	s31 =	simm.s32 $0x1480;
	[sflag:s17] =	ssyncadd.s32 $0xFFFFC000  }
0x2d: {  	[spmem:s2] =	stream.indirect.scatter.add.f32 [tilespmem:s15], [sflag:$0x3], $0x80, s31, s13, $0xb8;
	[tilespmem:$0x1E400] =	vst v63  }
0x2e: {  	_ =	swait.ge [sflag:s8], $0x4000  }
0x2f: {  	[sflag:s8] =	ssyncset.done $0x0  }
0x30: {  	s23 =	simm.s32 $0x180;
	s22 =	simm.s32 $0x400;
	[sflag:s8] =	ssyncadd.s32 $0xFFFFC000  }
.LBB2_2:
0x31: {  	[tilespmem:s15], [sflag:$0x2] =	stream.indirect.gather [hbm4b:s4+s13], $0x80, s23, s13, $0xb8;
	[tilespmem:$0x1E400] =	vst v63  }
0x32: {  	s23 =	smov.u32 s22  }
0x33: {  	p0 =	sne.s32 s22, $0x4800;
	s22 =	sadd.s32 $0x400, s22;
	_ =	swait.ge [sflag:s16], $0x4000  }
0x34: {  	s23 =	sshra.s32 s23, $0x2;
	[sflag:s16] =	ssyncset.done $0x0  }
0x35: {  	s24 =	sadd.s32 $0x1400, s23;
	[sflag:s16] =	ssyncadd.s32 $0xFFFFC000  }
0x36: {  	[spmem:s2] =	stream.indirect.scatter.add.f32 [tilespmem:s14], [sflag:$0x3], $0x80, s24, s13, $0xb8;
	[tilespmem:$0x1E400] =	vst v63  }
0x37: {  	_ =	swait.ge [sflag:s8], $0x4000  }
0x38: {  	[sflag:s8] =	ssyncset.done $0x0  }
0x39: {  	s24 =	sadd.s32 $0x100, s23;
	[sflag:s8] =	ssyncadd.s32 $0xFFFFC000  }
0x3a: {  	[tilespmem:s14], [sflag:$0x1] =	stream.indirect.gather [hbm4b:s4+s13], $0x80, s24, s13, $0xb8;
	[tilespmem:$0x1E400] =	vst v63  }
0x3b: {  	_ =	swait.ge [sflag:s17], $0x4000  }
0x3c: {  	[sflag:s17] =	ssyncset.done $0x0  }
.Ltmp0:
0x3d: {  	s24 =	sadd.s32 $0x1480, s23;
	[sflag:s17] =	ssyncadd.s32 $0xFFFFC000;
	(pc) =	sbr.rel @p0 .LBB2_2-.Ltmp0, $4  }
0x3e: {  	[spmem:s2] =	stream.indirect.scatter.add.f32 [tilespmem:s15], [sflag:$0x3], $0x80, s24, s13, $0xb8;
	[tilespmem:$0x1E400] =	vst v63  }
0x3f: {  	_ =	swait.ge [sflag:s8], $0x4000  }
0x40: {  	[sflag:s8] =	ssyncset.done $0x0  }
0x41: {  	s23 =	sadd.s32 $0x180, s23;
	[sflag:s8] =	ssyncadd.s32 $0xFFFFC000  }
0x42: {  	[tilespmem:s15], [sflag:$0x2] =	stream.indirect.gather [hbm4b:s4+s13], $0x80, s23, s13, $0xb8;
	[tilespmem:$0x1E400] =	vst v63  }
0x43: {  	_ =	swait.ge [sflag:s16], $0x4000  }
0x44: {  	[sflag:s16] =	ssyncset.done $0x0  }
0x45: {  	[sflag:s16] =	ssyncadd.s32 $0xFFFFC000  }
0x46: {  	[spmem:s2] =	stream.indirect.scatter.add.f32 [tilespmem:s14], [sflag:$0x3], $0x80, s18, s13, $0xb8;
	[tilespmem:$0x1E400] =	vst v63  }
0x47: {  	_ =	swait.ge [sflag:s8], $0x4000  }
0x48: {  	[sflag:s8] =	ssyncset.done $0x0  }
0x49: {  	[sflag:s8] =	ssyncadd.s32 $0xFFFFC000  }
0x4a: {  	_ =	swait.ge [sflag:s17], $0x4000  }
0x4b: {  	[sflag:s17] =	ssyncset.done $0x0  }
0x4c: {  	[sflag:s17] =	ssyncadd.s32 $0xFFFFC000  }
0x4d: {  	[spmem:s2] =	stream.indirect.scatter.add.f32 [tilespmem:s15], [sflag:$0x3], $0x80, s19, s13, $0xb8;
	[tilespmem:$0x1E400] =	vst v63  }
0x4e: {  	_ =	swait.ge [sflag:s8], $0x4000  }
0x4f: {  	s21 =	sadd.s32 $0x1, s21;
	[sflag:s8] =	ssyncset.done $0x0  }
0x50: {  	p0 =	sne.s32 s21, s7;
	[sflag:s8] =	ssyncadd.s32 $0xFFFFC000  }
.Ltmp1:
0x51: {  	[bflag:$0x0] =	sbarrier.arrive $0xFFFF;
	(pc) =	sbr.rel @p0 .LBB2_1-.Ltmp1, $4  }
0x52: {  	[hbm:s20], [sflag:s11] =	dma.local [spmem:s12], $0x2780  }
0x53: {  	_ =	swait.ge [sflag:s8], $0x2780  }
0x54: {  	[sflag:s8] =	ssyncset.done $0x0  }
0x55: {  	[sflag:s8] =	ssyncadd.s32 $0xFFFFD880  }
0x56: {  	_ =	sfence.sel $0x180000  }
0x57: {  	[bflag:$0x0] =	sbarrier.arrive $0xFFFF  }
0x58: {  	p0 =	sne.s32 s0, $0x0;
	_ =	strace $0x9000004A  }
0x59: {  	s0 =	sadd.s32 @!p0 $0x100000, s1;
	[bflag:$0x2] =	sbarrier.arrive $0xFFFF  }
0x5a: {  	[sflag:s0] =	ssyncadd.tile.s32 @!p0 $0x1;
	_ =	shalt  }
.Lfunc_end2:
_tile_overlayer_lowered:
.L_overlay_start_2:
0x5b: {  	(tag) =	ssettag $0x2  }
0x5c: {  	s0 =	rddreg [dreg:$0x0];
	s2 =	stileid.u32  }
0x5d: {  	s1 =	rddreg [dreg:$0x1];
	p0 =	sne.s32 s2, $0x0  }
0x5e: {  	s3 =	rddreg [dreg:$0x2];
	[bflag:$0x3] =	sbarrier.arrive $0xFFFF;
	s2 =	simm.s32 @!p0 $0x1C03  }
0x5f: {  	[timem:s3], [sflag:s2] =	dma.local @!p0 [hbm:s0], s1  }
0x60: {  	s0 =	simm.s32 @!p0 $0x3  }
0x61: {  	_ =	swait.ge @!p0 [sflag:s0], s1  }
0x62: {  	s1 =	ssub.s32 @!p0 $0x0, s1;
	[sflag:s0] =	ssyncset.done @!p0 $0x0  }
0x63: {  	[sflag:s0] =	ssyncadd.s32 @!p0 s1  }
0x64: {  	[bflag:$0x3] =	sbarrier.arrive $0xFFFF  }
0x65: {  	_ =	shalt  }

// kernel: kernel.17.cloned.1.call-start
scs
__scs_entry_jumppad:
0x0: {  	(pc) =	sbr.rel $0x88, $3  }
0x1: {  	(tag) =	ssettag $0x0;
	lr =	simm.s32 $0x1  }
0x2: {  	[smem:$0x3F9B] =	sst lr;
	_ =	strace $0xD0000000  }
0x3: {  	_ = 	snop  }
0x4: {  	_ = 	snop  }
0x5: {  	_ = 	snop  }
0x6: {  	_ = 	snop  }
0x7: {  	_ = 	snop  }
__scs_overlays_trampoline_lowered:
0x8: {  	[smem:$0x3FAA] =	sst s0  }
0x9: {  	[smem:$0x3FAB] =	sst s1  }
0xa: {  	[smem:$0x3FAC] =	sst s2  }
0xb: {  	[smem:$0x3FAD] =	sst s3  }
0xc: {  	[smem:$0x3FAE] =	sst s4  }
0xd: {  	[smem:$0x3FAF] =	sst s5  }
0xe: {  	[smem:$0x3FB0] =	sst s6  }
0xf: {  	[smem:$0x3FB1] =	sst s7  }
0x10: {  	[smem:$0x3FB2] =	sst s8  }
0x11: {  	[smem:$0x3FB3] =	sst s9;
	s0 =	simm.s32 @!p0 $0x0  }
0x12: {  	s1 =	sld [smem:$0x3F99];
	s0 =	simm.s32 @p0 $0x1  }
0x13: {  	[smem:$0x3FB4] =	sst s0;
	s0 =	simm.s32 @!p1 $0x0  }
0x14: {  	s2 =	sld [smem:$0x3F98];
	s0 =	simm.s32 @p1 $0x1  }
0x15: {  	[smem:$0x3FB5] =	sst s0;
	s0 =	simm.s32 @!p2 $0x0  }
0x16: {  	s3 =	sld [smem:$0x3FDB];
	s0 =	simm.s32 @p2 $0x1  }
0x17: {  	s4 =	simm.s32 $0x1BF5;
	[smem:$0x3FB7] =	sst s0  }
0x18: {  	s0 =	sld [smem:$0x3F9A];
	_ =	swait.ge [sflag:s4], $0x0  }
0x19: {  	s7 =	sld [smem:$0x3F9B]  }
0x1a: {  	s8 =	sadd.s32 $0xFFFFE003, lr  }
0x1b: {  	s9 =	sadd.s32 $0xFFFFFEF7, lr;
	s5 =	simm.s32 $0xFFFFFFFF;
	p2 =	slt.u32 s8, $0xFFFFF086  }
0x1c: {  	p1 =	slt.u32 s9, $0xF7A;
	s5 =	simm.s32 @!p2 $0x0  }
0x1d: {  	s5 =	simm.s32 @p1 $0x1;
	p0 =	seq.s32 s7, s2  }
0x1e: {  	s7 =	smul.u32 @!p0 $0xF7A, s2;
	p2 =	seq.s32 @!p0 s5, $0x0  }
0x1f: {  	s9 =	smul.u32 $0xF7A, s1;
	s8 =	simm.s32 @!p0 $0x1BF5;
	p2 =	por !p2, p0  }
0x20: {  	[sflag:s8] =	ssyncset.s32 @!p0 $0xFFFFF086;
	s6 =	sadd.s32 @!p0 s3, s7;
	s7 =	simm.s32 @!p0 $0x108  }
0x21: {  	s3 =	sadd.s32 s3, s9;
	s6 =	sadd.s32 @!p0 $0x88, s6;
	s7 =	simm.s32 @p2 $0x1082  }
0x22: {  	[simem:s7], [sflag:s8] =	dma.local @!p0 [hbm:s6], $0xF7A  }
0x23: {  	s9 =	sor.u32 $0xD0000000, s2;
	s6 =	simm.s32 $0x108;
	_ =	swait.ge @!p0 [sflag:s8], $0x0  }
0x24: {  	s3 =	sadd.s32 $0x88, s3;
	s6 =	simm.s32 @!p1 $0x1082;
	[sflag:s4] =	ssyncset.s32 $0xFFFFF086  }
0x25: {  	[simem:s6], [sflag:s4] =	dma.local [hbm:s3], $0xF7A  }
0x26: {  	[smem:$0x3F9B] =	sst s1;
	(tag) =	ssettag s2;
	_ =	strace s9  }
0x27: {  	s1 =	sld [smem:$0x3FAB]  }
0x28: {  	s2 =	sld [smem:$0x3FAC]  }
0x29: {  	s4 =	sld [smem:$0x3FAE]  }
0x2a: {  	p0 =	seq.s32 s5, $0x0;
	s5 =	sld [smem:$0x3FAF]  }
0x2b: {  	s6 =	sld [smem:$0x3FB0]  }
0x2c: {  	s7 =	sld [smem:$0x3FB1]  }
0x2d: {  	s3 =	simm.s32 $0x108;
	s8 =	sld [smem:$0x3FB2]  }
0x2e: {  	s3 =	simm.s32 @!p0 $0x1082;
	s9 =	sld [smem:$0x3FB3]  }
0x2f: {  	lr =	sadd.s32 s0, s3;
	s0 =	sld [smem:$0x3FAA]  }
0x30: {  	s3 =	sld [smem:$0x3FAD]  }
0x31: {  	[smem:$0x3FB6] =	sst s10  }
0x32: {  	s10 =	sld [smem:$0x3FB4];
	_ =	sdelay $0x3  }
0x33: {  	p0 =	seq.s32 s10, $0x1;
	s10 =	sld [smem:$0x3FB6];
	_ =	sdelay $0x3  }
0x34: {  	[smem:$0x3FB6] =	sst s10  }
0x35: {  	s10 =	sld [smem:$0x3FB5];
	_ =	sdelay $0x3  }
0x36: {  	p1 =	seq.s32 s10, $0x1;
	s10 =	sld [smem:$0x3FB6];
	_ =	sdelay $0x3  }
0x37: {  	[smem:$0x3FB6] =	sst s10  }
0x38: {  	s10 =	sld [smem:$0x3FB7]  }
0x39: {  	_ = 	snop;
	(pc) =	sbr.ind lr, $3  }
0x3a: {  	_ = 	snop  }
0x3b: {  	_ = 	snop  }
0x3c: {  	p2 =	seq.s32 s10, $0x1;
	s10 =	sld [smem:$0x3FB6]  }
0x3d: {  	_ =	shalt  }
0x3e: {  	_ =	shalt  }
0x3f: {  	_ =	shalt  }
0x40: {  	_ =	shalt  }
0x41: {  	_ =	shalt  }
0x42: {  	_ =	shalt  }
0x43: {  	_ =	shalt  }
0x44: {  	_ =	shalt  }
0x45: {  	_ =	shalt  }
0x46: {  	_ =	shalt  }
0x47: {  	_ =	shalt  }
0x48: {  	_ =	shalt  }
0x49: {  	_ =	shalt  }
0x4a: {  	_ =	shalt  }
0x4b: {  	_ =	shalt  }
0x4c: {  	_ =	shalt  }
0x4d: {  	_ =	shalt  }
0x4e: {  	_ =	shalt  }
0x4f: {  	_ =	shalt  }
0x50: {  	_ =	shalt  }
0x51: {  	_ =	shalt  }
0x52: {  	_ =	shalt  }
0x53: {  	_ =	shalt  }
0x54: {  	_ =	shalt  }
0x55: {  	_ =	shalt  }
0x56: {  	_ =	shalt  }
0x57: {  	_ =	shalt  }
0x58: {  	_ =	shalt  }
0x59: {  	_ =	shalt  }
0x5a: {  	_ =	shalt  }
0x5b: {  	_ =	shalt  }
0x5c: {  	_ =	shalt  }
0x5d: {  	_ =	shalt  }
0x5e: {  	_ =	shalt  }
0x5f: {  	_ =	shalt  }
0x60: {  	_ =	shalt  }
0x61: {  	_ =	shalt  }
0x62: {  	_ =	shalt  }
0x63: {  	_ =	shalt  }
0x64: {  	_ =	shalt  }
0x65: {  	_ =	shalt  }
0x66: {  	_ =	shalt  }
0x67: {  	_ =	shalt  }
0x68: {  	_ =	shalt  }
0x69: {  	_ =	shalt  }
0x6a: {  	_ =	shalt  }
0x6b: {  	_ =	shalt  }
0x6c: {  	_ =	shalt  }
0x6d: {  	_ =	shalt  }
0x6e: {  	_ =	shalt  }
0x6f: {  	_ =	shalt  }
0x70: {  	_ =	shalt  }
0x71: {  	_ =	shalt  }
0x72: {  	_ =	shalt  }
0x73: {  	_ =	shalt  }
0x74: {  	_ =	shalt  }
0x75: {  	_ =	shalt  }
0x76: {  	_ =	shalt  }
0x77: {  	_ =	shalt  }
0x78: {  	_ =	shalt  }
0x79: {  	_ =	shalt  }
0x7a: {  	_ =	shalt  }
0x7b: {  	_ =	shalt  }
0x7c: {  	_ =	shalt  }
0x7d: {  	_ =	shalt  }
0x7e: {  	_ =	shalt  }
0x7f: {  	_ =	shalt  }
0x80: {  	_ =	shalt  }
0x81: {  	_ =	shalt  }
0x82: {  	_ =	shalt  }
0x83: {  	_ =	shalt  }
0x84: {  	_ =	shalt  }
0x85: {  	_ =	shalt  }
0x86: {  	_ =	shalt  }
0x87: {  	_ =	shalt  }
.Lfunc_end0:
.L_simem_size_0:
called_computation.2_lowered:
.L_overlay_start_0:
0x88: {  	s2 =	sld [smem:$0x3FD9]  }
0x89: {  	s3 =	sld [smem:$0x3FFE];
	_ =	sdelay $0x1  }
0x8a: {  	s1 =	srdreg.scid  }
0x8b: {  	s0 =	sand.u32 $0x1, s1  }
0x8c: {  	s16 =	sshll.u32 s0, $0xA;
	s2 =	sadd.s32 s3, s2  }
0x8d: {  	s2 =	sadd.s32 s2, s16  }
0x8e: {  	[smem:$0x3FC2] =	sst s2  }
0x8f: {  	_ = 	snop  }
0x90: {  	(tm) =	ssettm $0x1  }
0x91: {  	s17 =	sld [smem:$0x3FFB];
	_ =	sdelay $0x3  }
0x92: {  	_ =	strace s17  }
0x93: {  	s2 =	sld [smem:$0x3FFC];
	_ =	sdelay $0x3  }
0x94: {  	_ =	strace s2  }
0x95: {  	s2 =	sld [smem:$0x3FFD];
	_ =	sdelay $0x3  }
0x96: {  	_ =	strace s2  }
0x97: {  	_ =	strace $0x8FFFFFFF  }
0x98: {  	s18 =	sld [smem:$0x3FDB];
	_ =	sdelay $0x1  }
0x99: {  	s19 =	simm.s32 $_scs_section_size  }
0x9a: {  	s4 =	simm.s32 $_size__tile_overlayer_lowered;
	s5 =	simm.s32 $_tile_overlayer_lowered  }
0x9b: {  	s22 =	simm.s32 $0x1BFF;
	s21 =	sshll.u32 s5, $0x1;
	s2 =	sadd.s32 s19, s18  }
0x9c: {  	s6 =	simm.s32 $0x0;
	s20 =	sshll.u32 s4, $0x1;
	s4 =	sadd.s32 s21, s2  }
0x9d: {  	[timem:s6], [sflag:s22] =	dma.local [hbm:s4], s20  }
0x9e: {  	_ =	swait.ge [sflag:s22], s20  }
0x9f: {  	s3 =	ssub.s32 $0x0, s20;
	[sflag:s22] =	ssyncset.done $0x0  }
0xa0: {  	[sflag:s22] =	ssyncadd.s32 s3;
	_ =	sdelay $0x1  }
0xa1: {  	s23 =	simm.s32 $0x1B8B  }
0xa2: {  	_ =	swait.ge [sflag:s23], $0x1  }
0xa3: {  	[sflag:s23] =	ssyncset.done $0x0  }
0xa4: {  	s25 =	simm.s32 $0x1B8E;
	s24 =	sld [smem:$0x3FFE];
	[sflag:s23] =	ssyncadd.s32 $0xFFFFFFFF  }
0xa5: {  	s26 =	simm.s32 $execute0_lowered;
	[smem:$0x3FD2] =	sst s25  }
0xa6: {  	s4 =	sshll.u32 s26, $0x1;
	_ =	strace $0x8000004C;
	[dreg:$0x1] =	wrdreg $0xFFFFFFFF  }
0xa7: {  	s28 =	simm.s32 $_size_execute0_lowered;
	s2 =	sadd.s32 s2, s4;
	[dreg:$0x0] =	wrdreg $0x0  }
0xa8: {  	s4 =	sshll.u32 s28, $0x1;
	[dreg:$0x2] =	wrdreg s2  }
0xa9: {  	[dreg:$0x3] =	wrdreg s4  }
0xaa: {  	[dreg:$0x4] =	wrdreg $0xC0  }
0xab: {  	_ =	task [dreg:s6], $0x5FFFF  }
0xac: {  	[dreg:$0x1] =	wrdreg $0xFFFFFFFF  }
0xad: {  	[dreg:$0x0] =	wrdreg $0x60  }
0xae: {  	[dreg:$0x2] =	wrdreg s24  }
0xaf: {  	[dreg:$0x3] =	wrdreg $0xA8000  }
0xb0: {  	[dreg:$0x4] =	wrdreg $0x9  }
0xb1: {  	_ =	task.clear_ibuf [dreg:s6], $0x5FFFF;
	_ =	strace $0x9000004C  }
0xb2: {  	s29 =	simm.s32 $0x9;
	_ =	strace $0x8000004E  }
0xb3: {  	_ =	swait.ge [sflag:s29], $0x1  }
0xb4: {  	[sflag:s29] =	ssyncadd.s32 $0xFFFFFFFF  }
0xb5: {  	_ =	strace $0x9000004E  }
0xb6: {  	_ =	sfence  }
0xb7: {  	s30 =	sld [smem:$0x0];
	_ =	sdelay $0x2  }
0xb8: {  	s31 =	sshll.u32 s1, $0xD;
	s1 =	sshrl.u32 s1, $0x2  }
0xb9: {  	s3 =	sand.u32 $0x4000, s31;
	s1 =	sadd.s32 s1, s30  }
0xba: {  	s0 =	sor.u32 s3, s0;
	s1 =	sshll.u32 s1, $0x11  }
0xbb: {  	s0 =	sor.u32 s1, s0  }
0xbc: {  	s0 =	sadd.s32 $0x8F2B, s0  }
0xbd: {  	[sflag:s0] =	ssyncadd.remote.s32 $0x1  }
0xbe: {  	_ =	sfence.sel $0xFFFF  }
0xbf: {  	[dreg:$0x0] =	wrdreg $0xFFFFFFFF;
	(pc) =	sbr.abs _section_cstart, $3  }
0xc0: {  	[dreg:$0x1] =	wrdreg $0xFFFFFFFF  }
0xc1: {  	_ =	task.clear_ibuf [dreg:s6], $0x2FFFF;
	_ =	strace $0x9FFFFFFF  }
0xc2: {  	(tm) =	ssettm $0x7FFFFFFF  }
0xc3: {  	_ =	shalt  }
tec
execute0_lowered:
.L_overlay_start_1:
0x0: {  	(tag) =	ssettag $0x1  }
0x1: {  	s6 =	rddreg [dreg:$0x0]  }
0x2: {  	s0 =	srdreg.scid;
	s2 =	rddreg [dreg:$0x1]  }
0x3: {  	s3 =	simm.s32 $0x0;
	s13 =	simm.s32 $0x80;
	s14 =	simm.s32 $0x2800  }
0x4: {  	s15 =	simm.s32 $0x6800;
	s5 =	sand.u32 $0x1, s0;
	s0 =	stileid.u32  }
0x5: {  	s16 =	simm.s32 $0x1;
	s17 =	simm.s32 $0x2;
	s8 =	smul.u32 $0x280, s0  }
0x6: {  	s18 =	simm.s32 $0x2700;
	s19 =	simm.s32 $0x2780;
	s9 =	smul.u32 $0x27800, s5  }
0x7: {  	[smem:$0x7FF] =	sst s3;
	s1 =	sshll.u32 s5, $0x4;
	s10 =	smul.u32 $0x4F000, s0  }
0x8: {  	s5 =	ssub.s32 $0x2, s5;
	s20 =	smul.u32 $0x2780, s0;
	s31 =	sshll.u32 s0, $0x6  }
0x9: {  	s4 =	sor.u32 s0, s1;
	s1 =	rddreg [dreg:$0x2];
	_ =	strace $0x8000004D  }
0xa: {  	s28 =	sshrl.u32 s5, $0x1;
	s7 =	smul.u32 $0x280, s4;
	s4 =	sadd.s32 $0x90800, s6  }
0xb: {  	s8 =	sadd.s32 s8, s6;
	s9 =	sadd.s32 s9, s6;
	s29 =	sshrl.u32 s10, $0x2  }
0xc: {  	s11 =	ssub.s32 s5, s28;
	s12 =	sadd.s32 s29, s2;
	s30 =	sadd.s32 $0xDEA00, s9  }
0xd: {  	s21 =	sadd.s32 $0x12DA00, s9;
	s9 =	simm.s32 $0x1400;
	s7 =	sadd.s32 s7, s6  }
0xe: {  	s6 =	sadd.s32 $0x35E00, s8;
	s8 =	simm.s32 $0x3;
	s10 =	sadd.s32 s20, s30  }
0xf: {  	s12 =	sshrl.u32 s12, $0x3;
	s20 =	sadd.s32 s20, s21;
	s21 =	simm.s32 $0x0  }
0x10: {  	s5 =	sadd.s32 $0x3D600, s7;
	s7 =	smax.u32 s11, $0x1;
	s11 =	sor.u32 $0x1C03, s31  }
.LBB2_1:
0x11: {  	[tilespmem:s3], [sflag:$0x3] =	stream.linear.gather [hbm4b:s5+s3], $0x1400, $0x38;
	[tilespmem:$0x1E400] =	vst v63  }
0x12: {  	_ =	swait.ge [sflag:s8], $0x1400  }
0x13: {  	[sflag:s8] =	ssyncset.done $0x0  }
0x14: {  	[sflag:s8] =	ssyncadd.s32 $0xFFFFEC00  }
0x15: {  	[tilespmem:s9], [sflag:$0x3] =	stream.linear.gather [hbm4b:s6+s3], $0x1400, $0x38;
	[tilespmem:$0x1E400] =	vst v63  }
0x16: {  	_ =	swait.ge [sflag:s8], $0x1400  }
0x17: {  	[sflag:s8] =	ssyncset.done $0x0  }
0x18: {  	[sflag:s8] =	ssyncadd.s32 $0xFFFFEC00  }
0x19: {  	[spmem:s12], [sflag:s11] =	dma.local [hbm:s10], $0x2780  }
0x1a: {  	_ =	swait.ge [sflag:s8], $0x2780  }
0x1b: {  	[sflag:s8] =	ssyncset.done $0x0  }
0x1c: {  	[sflag:s8] =	ssyncadd.s32 $0xFFFFD880  }
0x1d: {  	[bflag:$0x0] =	sbarrier.arrive $0xFFFF  }
0x1e: {  	[tilespmem:s14], [sflag:$0x1] =	stream.indirect.gather [hbm4b:s4+s13], $0x80, s3, s13, $0xb8;
	[tilespmem:$0x1E400] =	vst v63  }
0x1f: {  	_ = 	snop  }
0x20: {  	[tilespmem:s15], [sflag:$0x2] =	stream.indirect.gather [hbm4b:s4+s13], $0x80, s13, s13, $0xb8;
	[tilespmem:$0x1E400] =	vst v63  }
0x21: {  	_ =	swait.ge [sflag:s16], $0x4000  }
0x22: {  	[sflag:s16] =	ssyncset.done $0x0  }
0x23: {  	s22 =	simm.s32 $0x1400;
	[sflag:s16] =	ssyncadd.s32 $0xFFFFC000  }
0x24: {  	[spmem:s2] =	stream.indirect.scatter.add.f32 [tilespmem:s14], [sflag:$0x3], $0x80, s22, s13, $0xb8;
	[tilespmem:$0x1E400] =	vst v63  }
0x25: {  	_ =	swait.ge [sflag:s8], $0x4000  }
0x26: {  	[sflag:s8] =	ssyncset.done $0x0  }
0x27: {  	s30 =	simm.s32 $0x100;
	[sflag:s8] =	ssyncadd.s32 $0xFFFFC000  }
0x28: {  	[tilespmem:s14], [sflag:$0x1] =	stream.indirect.gather [hbm4b:s4+s13], $0x80, s30, s13, $0xb8;
	[tilespmem:$0x1E400] =	vst v63  }
0x29: {  	_ =	swait.ge [sflag:s17], $0x4000  }
0x2a: {  	[sflag:s17] =	ssyncset.done $0x0  }
0x2b: {  	s31 =	simm.s32 $0x1480;
	[sflag:s17] =	ssyncadd.s32 $0xFFFFC000  }
0x2c: {  	[spmem:s2] =	stream.indirect.scatter.add.f32 [tilespmem:s15], [sflag:$0x3], $0x80, s31, s13, $0xb8;
	[tilespmem:$0x1E400] =	vst v63  }
0x2d: {  	_ =	swait.ge [sflag:s8], $0x4000  }
0x2e: {  	[sflag:s8] =	ssyncset.done $0x0  }
0x2f: {  	s23 =	simm.s32 $0x180;
	s22 =	simm.s32 $0x400;
	[sflag:s8] =	ssyncadd.s32 $0xFFFFC000  }
.LBB2_2:
0x30: {  	[tilespmem:s15], [sflag:$0x2] =	stream.indirect.gather [hbm4b:s4+s13], $0x80, s23, s13, $0xb8;
	[tilespmem:$0x1E400] =	vst v63  }
0x31: {  	s23 =	smov.u32 s22  }
0x32: {  	p0 =	sne.s32 s22, $0x4800;
	s22 =	sadd.s32 $0x400, s22;
	_ =	swait.ge [sflag:s16], $0x4000  }
0x33: {  	s23 =	sshra.s32 s23, $0x2;
	[sflag:s16] =	ssyncset.done $0x0  }
0x34: {  	s24 =	sadd.s32 $0x1400, s23;
	[sflag:s16] =	ssyncadd.s32 $0xFFFFC000  }
0x35: {  	[spmem:s2] =	stream.indirect.scatter.add.f32 [tilespmem:s14], [sflag:$0x3], $0x80, s24, s13, $0xb8;
	[tilespmem:$0x1E400] =	vst v63  }
0x36: {  	_ =	swait.ge [sflag:s8], $0x4000  }
0x37: {  	[sflag:s8] =	ssyncset.done $0x0  }
0x38: {  	s24 =	sadd.s32 $0x100, s23;
	[sflag:s8] =	ssyncadd.s32 $0xFFFFC000  }
0x39: {  	[tilespmem:s14], [sflag:$0x1] =	stream.indirect.gather [hbm4b:s4+s13], $0x80, s24, s13, $0xb8;
	[tilespmem:$0x1E400] =	vst v63  }
0x3a: {  	_ =	swait.ge [sflag:s17], $0x4000  }
0x3b: {  	[sflag:s17] =	ssyncset.done $0x0  }
.Ltmp0:
0x3c: {  	s24 =	sadd.s32 $0x1480, s23;
	[sflag:s17] =	ssyncadd.s32 $0xFFFFC000;
	(pc) =	sbr.rel @p0 .LBB2_2-.Ltmp0, $4  }
0x3d: {  	[spmem:s2] =	stream.indirect.scatter.add.f32 [tilespmem:s15], [sflag:$0x3], $0x80, s24, s13, $0xb8;
	[tilespmem:$0x1E400] =	vst v63  }
0x3e: {  	_ =	swait.ge [sflag:s8], $0x4000  }
0x3f: {  	[sflag:s8] =	ssyncset.done $0x0  }
0x40: {  	s23 =	sadd.s32 $0x180, s23;
	[sflag:s8] =	ssyncadd.s32 $0xFFFFC000  }
0x41: {  	[tilespmem:s15], [sflag:$0x2] =	stream.indirect.gather [hbm4b:s4+s13], $0x80, s23, s13, $0xb8;
	[tilespmem:$0x1E400] =	vst v63  }
0x42: {  	_ =	swait.ge [sflag:s16], $0x4000  }
0x43: {  	[sflag:s16] =	ssyncset.done $0x0  }
0x44: {  	[sflag:s16] =	ssyncadd.s32 $0xFFFFC000  }
0x45: {  	[spmem:s2] =	stream.indirect.scatter.add.f32 [tilespmem:s14], [sflag:$0x3], $0x80, s18, s13, $0xb8;
	[tilespmem:$0x1E400] =	vst v63  }
0x46: {  	_ =	swait.ge [sflag:s8], $0x4000  }
0x47: {  	[sflag:s8] =	ssyncset.done $0x0  }
0x48: {  	[sflag:s8] =	ssyncadd.s32 $0xFFFFC000  }
0x49: {  	_ =	swait.ge [sflag:s17], $0x4000  }
0x4a: {  	[sflag:s17] =	ssyncset.done $0x0  }
0x4b: {  	[sflag:s17] =	ssyncadd.s32 $0xFFFFC000  }
0x4c: {  	[spmem:s2] =	stream.indirect.scatter.add.f32 [tilespmem:s15], [sflag:$0x3], $0x80, s19, s13, $0xb8;
	[tilespmem:$0x1E400] =	vst v63  }
0x4d: {  	_ =	swait.ge [sflag:s8], $0x4000  }
0x4e: {  	s21 =	sadd.s32 $0x1, s21;
	[sflag:s8] =	ssyncset.done $0x0  }
0x4f: {  	p0 =	sne.s32 s21, s7;
	[sflag:s8] =	ssyncadd.s32 $0xFFFFC000  }
.Ltmp1:
0x50: {  	[bflag:$0x0] =	sbarrier.arrive $0xFFFF;
	(pc) =	sbr.rel @p0 .LBB2_1-.Ltmp1, $4  }
0x51: {  	[hbm:s20], [sflag:s11] =	dma.local [spmem:s12], $0x2780  }
0x52: {  	_ =	swait.ge [sflag:s8], $0x2780  }
0x53: {  	[sflag:s8] =	ssyncset.done $0x0  }
0x54: {  	[sflag:s8] =	ssyncadd.s32 $0xFFFFD880  }
0x55: {  	_ =	sfence.sel $0x180000  }
0x56: {  	[bflag:$0x0] =	sbarrier.arrive $0xFFFF  }
0x57: {  	p0 =	sne.s32 s0, $0x0;
	_ =	strace $0x9000004D  }
0x58: {  	s0 =	sadd.s32 @!p0 $0x100000, s1;
	[bflag:$0x2] =	sbarrier.arrive $0xFFFF  }
0x59: {  	[sflag:s0] =	ssyncadd.tile.s32 @!p0 $0x1;
	_ =	shalt  }
.Lfunc_end2:
_tile_overlayer_lowered:
.L_overlay_start_2:
0x5a: {  	(tag) =	ssettag $0x2  }
0x5b: {  	s0 =	rddreg [dreg:$0x0];
	s2 =	stileid.u32  }
0x5c: {  	s1 =	rddreg [dreg:$0x1];
	p0 =	sne.s32 s2, $0x0  }
0x5d: {  	s3 =	rddreg [dreg:$0x2];
	[bflag:$0x3] =	sbarrier.arrive $0xFFFF;
	s2 =	simm.s32 @!p0 $0x1C03  }
0x5e: {  	[timem:s3], [sflag:s2] =	dma.local @!p0 [hbm:s0], s1  }
0x5f: {  	s0 =	simm.s32 @!p0 $0x3  }
0x60: {  	_ =	swait.ge @!p0 [sflag:s0], s1  }
0x61: {  	s1 =	ssub.s32 @!p0 $0x0, s1;
	[sflag:s0] =	ssyncset.done @!p0 $0x0  }
0x62: {  	[sflag:s0] =	ssyncadd.s32 @!p0 s1  }
0x63: {  	[bflag:$0x3] =	sbarrier.arrive $0xFFFF  }
0x64: {  	_ =	shalt  }

// kernel: kernel.20.cloned.1.call-start
scs
__scs_entry_jumppad:
0x0: {  	(pc) =	sbr.rel $0x88, $3  }
0x1: {  	(tag) =	ssettag $0x0;
	lr =	simm.s32 $0x1  }
0x2: {  	[smem:$0x3F9B] =	sst lr;
	_ =	strace $0xD0000000  }
0x3: {  	_ = 	snop  }
0x4: {  	_ = 	snop  }
0x5: {  	_ = 	snop  }
0x6: {  	_ = 	snop  }
0x7: {  	_ = 	snop  }
__scs_overlays_trampoline_lowered:
0x8: {  	[smem:$0x3FAA] =	sst s0  }
0x9: {  	[smem:$0x3FAB] =	sst s1  }
0xa: {  	[smem:$0x3FAC] =	sst s2  }
0xb: {  	[smem:$0x3FAD] =	sst s3  }
0xc: {  	[smem:$0x3FAE] =	sst s4  }
0xd: {  	[smem:$0x3FAF] =	sst s5  }
0xe: {  	[smem:$0x3FB0] =	sst s6  }
0xf: {  	[smem:$0x3FB1] =	sst s7  }
0x10: {  	[smem:$0x3FB2] =	sst s8  }
0x11: {  	[smem:$0x3FB3] =	sst s9;
	s0 =	simm.s32 @!p0 $0x0  }
0x12: {  	s1 =	sld [smem:$0x3F99];
	s0 =	simm.s32 @p0 $0x1  }
0x13: {  	[smem:$0x3FB4] =	sst s0;
	s0 =	simm.s32 @!p1 $0x0  }
0x14: {  	s2 =	sld [smem:$0x3F98];
	s0 =	simm.s32 @p1 $0x1  }
0x15: {  	[smem:$0x3FB5] =	sst s0;
	s0 =	simm.s32 @!p2 $0x0  }
0x16: {  	s3 =	sld [smem:$0x3FDB];
	s0 =	simm.s32 @p2 $0x1  }
0x17: {  	s4 =	simm.s32 $0x1BF5;
	[smem:$0x3FB7] =	sst s0  }
0x18: {  	s0 =	sld [smem:$0x3F9A];
	_ =	swait.ge [sflag:s4], $0x0  }
0x19: {  	s7 =	sld [smem:$0x3F9B]  }
0x1a: {  	s8 =	sadd.s32 $0xFFFFE003, lr  }
0x1b: {  	s9 =	sadd.s32 $0xFFFFFEF7, lr;
	s5 =	simm.s32 $0xFFFFFFFF;
	p2 =	slt.u32 s8, $0xFFFFF086  }
0x1c: {  	p1 =	slt.u32 s9, $0xF7A;
	s5 =	simm.s32 @!p2 $0x0  }
0x1d: {  	s5 =	simm.s32 @p1 $0x1;
	p0 =	seq.s32 s7, s2  }
0x1e: {  	s7 =	smul.u32 @!p0 $0xF7A, s2;
	p2 =	seq.s32 @!p0 s5, $0x0  }
0x1f: {  	s9 =	smul.u32 $0xF7A, s1;
	s8 =	simm.s32 @!p0 $0x1BF5;
	p2 =	por !p2, p0  }
0x20: {  	[sflag:s8] =	ssyncset.s32 @!p0 $0xFFFFF086;
	s6 =	sadd.s32 @!p0 s3, s7;
	s7 =	simm.s32 @!p0 $0x108  }
0x21: {  	s3 =	sadd.s32 s3, s9;
	s6 =	sadd.s32 @!p0 $0x88, s6;
	s7 =	simm.s32 @p2 $0x1082  }
0x22: {  	[simem:s7], [sflag:s8] =	dma.local @!p0 [hbm:s6], $0xF7A  }
0x23: {  	s9 =	sor.u32 $0xD0000000, s2;
	s6 =	simm.s32 $0x108;
	_ =	swait.ge @!p0 [sflag:s8], $0x0  }
0x24: {  	s3 =	sadd.s32 $0x88, s3;
	s6 =	simm.s32 @!p1 $0x1082;
	[sflag:s4] =	ssyncset.s32 $0xFFFFF086  }
0x25: {  	[simem:s6], [sflag:s4] =	dma.local [hbm:s3], $0xF7A  }
0x26: {  	[smem:$0x3F9B] =	sst s1;
	(tag) =	ssettag s2;
	_ =	strace s9  }
0x27: {  	s1 =	sld [smem:$0x3FAB]  }
0x28: {  	s2 =	sld [smem:$0x3FAC]  }
0x29: {  	s4 =	sld [smem:$0x3FAE]  }
0x2a: {  	p0 =	seq.s32 s5, $0x0;
	s5 =	sld [smem:$0x3FAF]  }
0x2b: {  	s6 =	sld [smem:$0x3FB0]  }
0x2c: {  	s7 =	sld [smem:$0x3FB1]  }
0x2d: {  	s3 =	simm.s32 $0x108;
	s8 =	sld [smem:$0x3FB2]  }
0x2e: {  	s3 =	simm.s32 @!p0 $0x1082;
	s9 =	sld [smem:$0x3FB3]  }
0x2f: {  	lr =	sadd.s32 s0, s3;
	s0 =	sld [smem:$0x3FAA]  }
0x30: {  	s3 =	sld [smem:$0x3FAD]  }
0x31: {  	[smem:$0x3FB6] =	sst s10  }
0x32: {  	s10 =	sld [smem:$0x3FB4];
	_ =	sdelay $0x3  }
0x33: {  	p0 =	seq.s32 s10, $0x1;
	s10 =	sld [smem:$0x3FB6];
	_ =	sdelay $0x3  }
0x34: {  	[smem:$0x3FB6] =	sst s10  }
0x35: {  	s10 =	sld [smem:$0x3FB5];
	_ =	sdelay $0x3  }
0x36: {  	p1 =	seq.s32 s10, $0x1;
	s10 =	sld [smem:$0x3FB6];
	_ =	sdelay $0x3  }
0x37: {  	[smem:$0x3FB6] =	sst s10  }
0x38: {  	s10 =	sld [smem:$0x3FB7]  }
0x39: {  	_ = 	snop;
	(pc) =	sbr.ind lr, $3  }
0x3a: {  	_ = 	snop  }
0x3b: {  	_ = 	snop  }
0x3c: {  	p2 =	seq.s32 s10, $0x1;
	s10 =	sld [smem:$0x3FB6]  }
0x3d: {  	_ =	shalt  }
0x3e: {  	_ =	shalt  }
0x3f: {  	_ =	shalt  }
0x40: {  	_ =	shalt  }
0x41: {  	_ =	shalt  }
0x42: {  	_ =	shalt  }
0x43: {  	_ =	shalt  }
0x44: {  	_ =	shalt  }
0x45: {  	_ =	shalt  }
0x46: {  	_ =	shalt  }
0x47: {  	_ =	shalt  }
0x48: {  	_ =	shalt  }
0x49: {  	_ =	shalt  }
0x4a: {  	_ =	shalt  }
0x4b: {  	_ =	shalt  }
0x4c: {  	_ =	shalt  }
0x4d: {  	_ =	shalt  }
0x4e: {  	_ =	shalt  }
0x4f: {  	_ =	shalt  }
0x50: {  	_ =	shalt  }
0x51: {  	_ =	shalt  }
0x52: {  	_ =	shalt  }
0x53: {  	_ =	shalt  }
0x54: {  	_ =	shalt  }
0x55: {  	_ =	shalt  }
0x56: {  	_ =	shalt  }
0x57: {  	_ =	shalt  }
0x58: {  	_ =	shalt  }
0x59: {  	_ =	shalt  }
0x5a: {  	_ =	shalt  }
0x5b: {  	_ =	shalt  }
0x5c: {  	_ =	shalt  }
0x5d: {  	_ =	shalt  }
0x5e: {  	_ =	shalt  }
0x5f: {  	_ =	shalt  }
0x60: {  	_ =	shalt  }
0x61: {  	_ =	shalt  }
0x62: {  	_ =	shalt  }
0x63: {  	_ =	shalt  }
0x64: {  	_ =	shalt  }
0x65: {  	_ =	shalt  }
0x66: {  	_ =	shalt  }
0x67: {  	_ =	shalt  }
0x68: {  	_ =	shalt  }
0x69: {  	_ =	shalt  }
0x6a: {  	_ =	shalt  }
0x6b: {  	_ =	shalt  }
0x6c: {  	_ =	shalt  }
0x6d: {  	_ =	shalt  }
0x6e: {  	_ =	shalt  }
0x6f: {  	_ =	shalt  }
0x70: {  	_ =	shalt  }
0x71: {  	_ =	shalt  }
0x72: {  	_ =	shalt  }
0x73: {  	_ =	shalt  }
0x74: {  	_ =	shalt  }
0x75: {  	_ =	shalt  }
0x76: {  	_ =	shalt  }
0x77: {  	_ =	shalt  }
0x78: {  	_ =	shalt  }
0x79: {  	_ =	shalt  }
0x7a: {  	_ =	shalt  }
0x7b: {  	_ =	shalt  }
0x7c: {  	_ =	shalt  }
0x7d: {  	_ =	shalt  }
0x7e: {  	_ =	shalt  }
0x7f: {  	_ =	shalt  }
0x80: {  	_ =	shalt  }
0x81: {  	_ =	shalt  }
0x82: {  	_ =	shalt  }
0x83: {  	_ =	shalt  }
0x84: {  	_ =	shalt  }
0x85: {  	_ =	shalt  }
0x86: {  	_ =	shalt  }
0x87: {  	_ =	shalt  }
.Lfunc_end0:
.L_simem_size_0:
called_computation.3_lowered:
.L_overlay_start_0:
0x88: {  	s2 =	sld [smem:$0x3FD9]  }
0x89: {  	s3 =	sld [smem:$0x3FFE];
	_ =	sdelay $0x1  }
0x8a: {  	s1 =	srdreg.scid  }
0x8b: {  	s0 =	sand.u32 $0x1, s1  }
0x8c: {  	s17 =	sshll.u32 s0, $0xA;
	s2 =	sadd.s32 s3, s2  }
0x8d: {  	s2 =	sadd.s32 s2, s17  }
0x8e: {  	[smem:$0x3FC2] =	sst s2  }
0x8f: {  	_ = 	snop  }
0x90: {  	s2 =	sld [smem:$0x3FD0];
	(tm) =	ssettm $0x1  }
0x91: {  	s18 =	sld [smem:$0x3FFB];
	_ =	sdelay $0x3  }
0x92: {  	_ =	strace s18  }
0x93: {  	s3 =	sld [smem:$0x3FFC];
	_ =	sdelay $0x3  }
0x94: {  	_ =	strace s3  }
0x95: {  	s3 =	sld [smem:$0x3FFD];
	_ =	sdelay $0x3  }
0x96: {  	_ =	strace s3  }
0x97: {  	_ =	strace $0x8FFFFFFF  }
0x98: {  	s19 =	sld [smem:$0x3FDB];
	_ =	sdelay $0x1  }
0x99: {  	s4 =	simm.s32 $_scs_section_size  }
0x9a: {  	s5 =	simm.s32 $_size__tile_overlayer_lowered;
	s6 =	simm.s32 $_tile_overlayer_lowered  }
0x9b: {  	s22 =	simm.s32 $0x1BFF;
	s21 =	sshll.u32 s6, $0x1;
	s3 =	sadd.s32 s4, s19  }
0x9c: {  	s7 =	simm.s32 $0x0;
	s20 =	sshll.u32 s5, $0x1;
	s5 =	sadd.s32 s21, s3  }
0x9d: {  	[timem:s7], [sflag:s22] =	dma.local [hbm:s5], s20  }
0x9e: {  	_ =	swait.ge [sflag:s22], s20  }
0x9f: {  	s4 =	ssub.s32 $0x0, s20;
	[sflag:s22] =	ssyncset.done $0x0  }
0xa0: {  	[sflag:s22] =	ssyncadd.s32 s4;
	_ =	sdelay $0x1  }
0xa1: {  	s23 =	simm.s32 $0x1B8B  }
0xa2: {  	_ =	swait.ge [sflag:s23], $0x1  }
0xa3: {  	[sflag:s23] =	ssyncset.done $0x0  }
0xa4: {  	s25 =	simm.s32 $0x1B8E;
	s24 =	sld [smem:$0x3FFE];
	[sflag:s23] =	ssyncadd.s32 $0xFFFFFFFF  }
0xa5: {  	s26 =	simm.s32 $execute0_lowered;
	[smem:$0x3FD2] =	sst s25  }
0xa6: {  	s5 =	sshll.u32 s26, $0x1;
	_ =	strace $0x8000004F;
	[dreg:$0x1] =	wrdreg $0xFFFFFFFF  }
0xa7: {  	s28 =	simm.s32 $_size_execute0_lowered;
	s3 =	sadd.s32 s3, s5;
	[dreg:$0x0] =	wrdreg $0x0  }
0xa8: {  	s5 =	sshll.u32 s28, $0x1;
	[dreg:$0x2] =	wrdreg s3  }
0xa9: {  	[dreg:$0x3] =	wrdreg s5  }
0xaa: {  	[dreg:$0x4] =	wrdreg $0xC0  }
0xab: {  	_ =	task [dreg:s7], $0x5FFFF  }
0xac: {  	[dreg:$0x1] =	wrdreg $0xFFFFFFFF  }
0xad: {  	[dreg:$0x0] =	wrdreg $0x60  }
0xae: {  	[dreg:$0x2] =	wrdreg s24  }
0xaf: {  	[dreg:$0x3] =	wrdreg s2  }
0xb0: {  	[dreg:$0x4] =	wrdreg $0xA8000  }
0xb1: {  	[dreg:$0x5] =	wrdreg $0x9  }
0xb2: {  	_ =	task.clear_ibuf [dreg:s7], $0x6FFFF;
	_ =	strace $0x9000004F  }
0xb3: {  	s29 =	simm.s32 $0x9;
	_ =	strace $0x80000051  }
0xb4: {  	_ =	swait.ge [sflag:s29], $0x1  }
0xb5: {  	[sflag:s29] =	ssyncadd.s32 $0xFFFFFFFF  }
0xb6: {  	_ =	strace $0x90000051  }
0xb7: {  	_ =	sfence  }
0xb8: {  	s30 =	sld [smem:$0x0];
	_ =	sdelay $0x2  }
0xb9: {  	s31 =	sshll.u32 s1, $0xD;
	s1 =	sshrl.u32 s1, $0x2  }
0xba: {  	s3 =	sand.u32 $0x4000, s31;
	s1 =	sadd.s32 s1, s30  }
0xbb: {  	s0 =	sor.u32 s3, s0;
	s1 =	sshll.u32 s1, $0x11  }
0xbc: {  	s0 =	sor.u32 s1, s0  }
0xbd: {  	s0 =	sadd.s32 $0x8F2B, s0  }
0xbe: {  	[sflag:s0] =	ssyncadd.remote.s32 $0x1  }
0xbf: {  	_ =	sfence.sel $0xFFFF  }
0xc0: {  	[dreg:$0x0] =	wrdreg $0xFFFFFFFF;
	(pc) =	sbr.abs _section_cstart, $3  }
0xc1: {  	[dreg:$0x1] =	wrdreg $0xFFFFFFFF  }
0xc2: {  	_ =	task.clear_ibuf [dreg:s7], $0x2FFFF;
	_ =	strace $0x9FFFFFFF  }
0xc3: {  	(tm) =	ssettm $0x7FFFFFFF  }
tec
execute0_lowered:
.L_overlay_start_1:
0x0: {  	(tag) =	ssettag $0x1  }
0x1: {  	s5 =	rddreg [dreg:$0x0]  }
0x2: {  	s7 =	rddreg [dreg:$0x1]  }
0x3: {  	s0 =	srdreg.scid;
	s2 =	rddreg [dreg:$0x2]  }
0x4: {  	s3 =	simm.s32 $0x0;
	s6 =	sand.u32 $0x1, s0;
	s0 =	stileid.u32  }
0x5: {  	s15 =	simm.s32 $0x6800;
	s16 =	simm.s32 $0x1;
	s9 =	smul.u32 $0x280, s0  }
0x6: {  	s17 =	simm.s32 $0x2;
	s18 =	simm.s32 $0x2700;
	s10 =	smul.u32 $0x27800, s6  }
0x7: {  	s19 =	simm.s32 $0x2780;
	[smem:$0x7FF] =	sst s3;
	s11 =	smul.u32 $0x4F000, s0  }
0x8: {  	s1 =	sshll.u32 s6, $0x4;
	s6 =	ssub.s32 $0x2, s6;
	s20 =	smul.u32 $0x2780, s0  }
0x9: {  	s31 =	sshll.u32 s0, $0x6;
	s4 =	sor.u32 s0, s1;
	s1 =	rddreg [dreg:$0x3]  }
0xa: {  	_ =	strace $0x80000050;
	s29 =	sshrl.u32 s6, $0x1;
	s8 =	smul.u32 $0x280, s4  }
0xb: {  	s4 =	sadd.s32 $0x42600, s5;
	s9 =	sadd.s32 s9, s5;
	s12 =	sadd.s32 s10, s5  }
0xc: {  	s13 =	ssub.s32 s6, s29;
	s30 =	sshrl.u32 s11, $0x2;
	s10 =	sadd.s32 s7, s10  }
0xd: {  	s11 =	sor.u32 $0x1C03, s31;
	s6 =	sadd.s32 $0x33600, s9;
	s14 =	sadd.s32 s30, s2  }
0xe: {  	s21 =	sadd.s32 $0x12CC00, s12;
	s7 =	smax.u32 s13, $0x1;
	s9 =	simm.s32 $0x1400  }
0xf: {  	s10 =	sadd.s32 s20, s10;
	s13 =	simm.s32 $0x80;
	s8 =	sadd.s32 s8, s5  }
0x10: {  	s12 =	sshrl.u32 s14, $0x3;
	s14 =	simm.s32 $0x2800;
	s20 =	sadd.s32 s20, s21  }
0x11: {  	s21 =	simm.s32 $0x0;
	s5 =	sadd.s32 $0x38600, s8;
	s8 =	simm.s32 $0x3  }
.LBB2_1:
0x12: {  	[tilespmem:s3], [sflag:$0x3] =	stream.linear.gather [hbm4b:s5+s3], $0x1400, $0x38;
	[tilespmem:$0x1E400] =	vst v63  }
0x13: {  	_ =	swait.ge [sflag:s8], $0x1400  }
0x14: {  	[sflag:s8] =	ssyncset.done $0x0  }
0x15: {  	[sflag:s8] =	ssyncadd.s32 $0xFFFFEC00  }
0x16: {  	[tilespmem:s9], [sflag:$0x3] =	stream.linear.gather [hbm4b:s6+s3], $0x1400, $0x38;
	[tilespmem:$0x1E400] =	vst v63  }
0x17: {  	_ =	swait.ge [sflag:s8], $0x1400  }
0x18: {  	[sflag:s8] =	ssyncset.done $0x0  }
0x19: {  	[sflag:s8] =	ssyncadd.s32 $0xFFFFEC00  }
0x1a: {  	[spmem:s12], [sflag:s11] =	dma.local [hbm:s10], $0x2780  }
0x1b: {  	_ =	swait.ge [sflag:s8], $0x2780  }
0x1c: {  	[sflag:s8] =	ssyncset.done $0x0  }
0x1d: {  	[sflag:s8] =	ssyncadd.s32 $0xFFFFD880  }
0x1e: {  	[bflag:$0x0] =	sbarrier.arrive $0xFFFF  }
0x1f: {  	[tilespmem:s14], [sflag:$0x1] =	stream.indirect.gather [hbm4b:s4+s13], $0x80, s3, s13, $0xb8;
	[tilespmem:$0x1E400] =	vst v63  }
0x20: {  	_ = 	snop  }
0x21: {  	[tilespmem:s15], [sflag:$0x2] =	stream.indirect.gather [hbm4b:s4+s13], $0x80, s13, s13, $0xb8;
	[tilespmem:$0x1E400] =	vst v63  }
0x22: {  	_ =	swait.ge [sflag:s16], $0x4000  }
0x23: {  	[sflag:s16] =	ssyncset.done $0x0  }
0x24: {  	s22 =	simm.s32 $0x1400;
	[sflag:s16] =	ssyncadd.s32 $0xFFFFC000  }
0x25: {  	[spmem:s2] =	stream.indirect.scatter.add.f32 [tilespmem:s14], [sflag:$0x3], $0x80, s22, s13, $0xb8;
	[tilespmem:$0x1E400] =	vst v63  }
0x26: {  	_ =	swait.ge [sflag:s8], $0x4000  }
0x27: {  	[sflag:s8] =	ssyncset.done $0x0  }
0x28: {  	s30 =	simm.s32 $0x100;
	[sflag:s8] =	ssyncadd.s32 $0xFFFFC000  }
0x29: {  	[tilespmem:s14], [sflag:$0x1] =	stream.indirect.gather [hbm4b:s4+s13], $0x80, s30, s13, $0xb8;
	[tilespmem:$0x1E400] =	vst v63  }
0x2a: {  	_ =	swait.ge [sflag:s17], $0x4000  }
0x2b: {  	[sflag:s17] =	ssyncset.done $0x0  }
0x2c: {  	s31 =	simm.s32 $0x1480;
	[sflag:s17] =	ssyncadd.s32 $0xFFFFC000  }
0x2d: {  	[spmem:s2] =	stream.indirect.scatter.add.f32 [tilespmem:s15], [sflag:$0x3], $0x80, s31, s13, $0xb8;
	[tilespmem:$0x1E400] =	vst v63  }
0x2e: {  	_ =	swait.ge [sflag:s8], $0x4000  }
0x2f: {  	[sflag:s8] =	ssyncset.done $0x0  }
0x30: {  	s23 =	simm.s32 $0x180;
	s22 =	simm.s32 $0x400;
	[sflag:s8] =	ssyncadd.s32 $0xFFFFC000  }
.LBB2_2:
0x31: {  	[tilespmem:s15], [sflag:$0x2] =	stream.indirect.gather [hbm4b:s4+s13], $0x80, s23, s13, $0xb8;
	[tilespmem:$0x1E400] =	vst v63  }
0x32: {  	s23 =	smov.u32 s22  }
0x33: {  	p0 =	sne.s32 s22, $0x4800;
	s22 =	sadd.s32 $0x400, s22;
	_ =	swait.ge [sflag:s16], $0x4000  }
0x34: {  	s23 =	sshra.s32 s23, $0x2;
	[sflag:s16] =	ssyncset.done $0x0  }
0x35: {  	s24 =	sadd.s32 $0x1400, s23;
	[sflag:s16] =	ssyncadd.s32 $0xFFFFC000  }
0x36: {  	[spmem:s2] =	stream.indirect.scatter.add.f32 [tilespmem:s14], [sflag:$0x3], $0x80, s24, s13, $0xb8;
	[tilespmem:$0x1E400] =	vst v63  }
0x37: {  	_ =	swait.ge [sflag:s8], $0x4000  }
0x38: {  	[sflag:s8] =	ssyncset.done $0x0  }
0x39: {  	s24 =	sadd.s32 $0x100, s23;
	[sflag:s8] =	ssyncadd.s32 $0xFFFFC000  }
0x3a: {  	[tilespmem:s14], [sflag:$0x1] =	stream.indirect.gather [hbm4b:s4+s13], $0x80, s24, s13, $0xb8;
	[tilespmem:$0x1E400] =	vst v63  }
0x3b: {  	_ =	swait.ge [sflag:s17], $0x4000  }
0x3c: {  	[sflag:s17] =	ssyncset.done $0x0  }
.Ltmp0:
0x3d: {  	s24 =	sadd.s32 $0x1480, s23;
	[sflag:s17] =	ssyncadd.s32 $0xFFFFC000;
	(pc) =	sbr.rel @p0 .LBB2_2-.Ltmp0, $4  }
0x3e: {  	[spmem:s2] =	stream.indirect.scatter.add.f32 [tilespmem:s15], [sflag:$0x3], $0x80, s24, s13, $0xb8;
	[tilespmem:$0x1E400] =	vst v63  }
0x3f: {  	_ =	swait.ge [sflag:s8], $0x4000  }
0x40: {  	[sflag:s8] =	ssyncset.done $0x0  }
0x41: {  	s23 =	sadd.s32 $0x180, s23;
	[sflag:s8] =	ssyncadd.s32 $0xFFFFC000  }
0x42: {  	[tilespmem:s15], [sflag:$0x2] =	stream.indirect.gather [hbm4b:s4+s13], $0x80, s23, s13, $0xb8;
	[tilespmem:$0x1E400] =	vst v63  }
0x43: {  	_ =	swait.ge [sflag:s16], $0x4000  }
0x44: {  	[sflag:s16] =	ssyncset.done $0x0  }
0x45: {  	[sflag:s16] =	ssyncadd.s32 $0xFFFFC000  }
0x46: {  	[spmem:s2] =	stream.indirect.scatter.add.f32 [tilespmem:s14], [sflag:$0x3], $0x80, s18, s13, $0xb8;
	[tilespmem:$0x1E400] =	vst v63  }
0x47: {  	_ =	swait.ge [sflag:s8], $0x4000  }
0x48: {  	[sflag:s8] =	ssyncset.done $0x0  }
0x49: {  	[sflag:s8] =	ssyncadd.s32 $0xFFFFC000  }
0x4a: {  	_ =	swait.ge [sflag:s17], $0x4000  }
0x4b: {  	[sflag:s17] =	ssyncset.done $0x0  }
0x4c: {  	[sflag:s17] =	ssyncadd.s32 $0xFFFFC000  }
0x4d: {  	[spmem:s2] =	stream.indirect.scatter.add.f32 [tilespmem:s15], [sflag:$0x3], $0x80, s19, s13, $0xb8;
	[tilespmem:$0x1E400] =	vst v63  }
0x4e: {  	_ =	swait.ge [sflag:s8], $0x4000  }
0x4f: {  	s21 =	sadd.s32 $0x1, s21;
	[sflag:s8] =	ssyncset.done $0x0  }
0x50: {  	p0 =	sne.s32 s21, s7;
	[sflag:s8] =	ssyncadd.s32 $0xFFFFC000  }
.Ltmp1:
0x51: {  	[bflag:$0x0] =	sbarrier.arrive $0xFFFF;
	(pc) =	sbr.rel @p0 .LBB2_1-.Ltmp1, $4  }
0x52: {  	[hbm:s20], [sflag:s11] =	dma.local [spmem:s12], $0x2780  }
0x53: {  	_ =	swait.ge [sflag:s8], $0x2780  }
0x54: {  	[sflag:s8] =	ssyncset.done $0x0  }
0x55: {  	[sflag:s8] =	ssyncadd.s32 $0xFFFFD880  }
0x56: {  	_ =	sfence.sel $0x180000  }
0x57: {  	[bflag:$0x0] =	sbarrier.arrive $0xFFFF  }
0x58: {  	p0 =	sne.s32 s0, $0x0;
	_ =	strace $0x90000050  }
0x59: {  	s0 =	sadd.s32 @!p0 $0x100000, s1;
	[bflag:$0x2] =	sbarrier.arrive $0xFFFF  }
0x5a: {  	[sflag:s0] =	ssyncadd.tile.s32 @!p0 $0x1;
	_ =	shalt  }
.Lfunc_end2:
_tile_overlayer_lowered:
.L_overlay_start_2:
0x5b: {  	(tag) =	ssettag $0x2  }
0x5c: {  	s0 =	rddreg [dreg:$0x0];
	s2 =	stileid.u32  }
0x5d: {  	s1 =	rddreg [dreg:$0x1];
	p0 =	sne.s32 s2, $0x0  }
0x5e: {  	s3 =	rddreg [dreg:$0x2];
	[bflag:$0x3] =	sbarrier.arrive $0xFFFF;
	s2 =	simm.s32 @!p0 $0x1C03  }
0x5f: {  	[timem:s3], [sflag:s2] =	dma.local @!p0 [hbm:s0], s1  }
0x60: {  	s0 =	simm.s32 @!p0 $0x3  }
0x61: {  	_ =	swait.ge @!p0 [sflag:s0], s1  }
0x62: {  	s1 =	ssub.s32 @!p0 $0x0, s1;
	[sflag:s0] =	ssyncset.done @!p0 $0x0  }
0x63: {  	[sflag:s0] =	ssyncadd.s32 @!p0 s1  }
0x64: {  	[bflag:$0x3] =	sbarrier.arrive $0xFFFF  }
0x65: {  	_ =	shalt  }

// kernel: kernel.23.cloned.1.call-start
scs
__scs_entry_jumppad:
0x0: {  	(pc) =	sbr.rel $0x88, $3  }
0x1: {  	(tag) =	ssettag $0x0;
	lr =	simm.s32 $0x1  }
0x2: {  	[smem:$0x3F9B] =	sst lr;
	_ =	strace $0xD0000000  }
0x3: {  	_ = 	snop  }
0x4: {  	_ = 	snop  }
0x5: {  	_ = 	snop  }
0x6: {  	_ = 	snop  }
0x7: {  	_ = 	snop  }
__scs_overlays_trampoline_lowered:
0x8: {  	[smem:$0x3FAA] =	sst s0  }
0x9: {  	[smem:$0x3FAB] =	sst s1  }
0xa: {  	[smem:$0x3FAC] =	sst s2  }
0xb: {  	[smem:$0x3FAD] =	sst s3  }
0xc: {  	[smem:$0x3FAE] =	sst s4  }
0xd: {  	[smem:$0x3FAF] =	sst s5  }
0xe: {  	[smem:$0x3FB0] =	sst s6  }
0xf: {  	[smem:$0x3FB1] =	sst s7  }
0x10: {  	[smem:$0x3FB2] =	sst s8  }
0x11: {  	[smem:$0x3FB3] =	sst s9;
	s0 =	simm.s32 @!p0 $0x0  }
0x12: {  	s1 =	sld [smem:$0x3F99];
	s0 =	simm.s32 @p0 $0x1  }
0x13: {  	[smem:$0x3FB4] =	sst s0;
	s0 =	simm.s32 @!p1 $0x0  }
0x14: {  	s2 =	sld [smem:$0x3F98];
	s0 =	simm.s32 @p1 $0x1  }
0x15: {  	[smem:$0x3FB5] =	sst s0;
	s0 =	simm.s32 @!p2 $0x0  }
0x16: {  	s3 =	sld [smem:$0x3FDB];
	s0 =	simm.s32 @p2 $0x1  }
0x17: {  	s4 =	simm.s32 $0x1BF5;
	[smem:$0x3FB7] =	sst s0  }
0x18: {  	s0 =	sld [smem:$0x3F9A];
	_ =	swait.ge [sflag:s4], $0x0  }
0x19: {  	s7 =	sld [smem:$0x3F9B]  }
0x1a: {  	s8 =	sadd.s32 $0xFFFFE003, lr  }
0x1b: {  	s9 =	sadd.s32 $0xFFFFFEF7, lr;
	s5 =	simm.s32 $0xFFFFFFFF;
	p2 =	slt.u32 s8, $0xFFFFF086  }
0x1c: {  	p1 =	slt.u32 s9, $0xF7A;
	s5 =	simm.s32 @!p2 $0x0  }
0x1d: {  	s5 =	simm.s32 @p1 $0x1;
	p0 =	seq.s32 s7, s2  }
0x1e: {  	s7 =	smul.u32 @!p0 $0xF7A, s2;
	p2 =	seq.s32 @!p0 s5, $0x0  }
0x1f: {  	s9 =	smul.u32 $0xF7A, s1;
	s8 =	simm.s32 @!p0 $0x1BF5;
	p2 =	por !p2, p0  }
0x20: {  	[sflag:s8] =	ssyncset.s32 @!p0 $0xFFFFF086;
	s6 =	sadd.s32 @!p0 s3, s7;
	s7 =	simm.s32 @!p0 $0x108  }
0x21: {  	s3 =	sadd.s32 s3, s9;
	s6 =	sadd.s32 @!p0 $0x88, s6;
	s7 =	simm.s32 @p2 $0x1082  }
0x22: {  	[simem:s7], [sflag:s8] =	dma.local @!p0 [hbm:s6], $0xF7A  }
0x23: {  	s9 =	sor.u32 $0xD0000000, s2;
	s6 =	simm.s32 $0x108;
	_ =	swait.ge @!p0 [sflag:s8], $0x0  }
0x24: {  	s3 =	sadd.s32 $0x88, s3;
	s6 =	simm.s32 @!p1 $0x1082;
	[sflag:s4] =	ssyncset.s32 $0xFFFFF086  }
0x25: {  	[simem:s6], [sflag:s4] =	dma.local [hbm:s3], $0xF7A  }
0x26: {  	[smem:$0x3F9B] =	sst s1;
	(tag) =	ssettag s2;
	_ =	strace s9  }
0x27: {  	s1 =	sld [smem:$0x3FAB]  }
0x28: {  	s2 =	sld [smem:$0x3FAC]  }
0x29: {  	s4 =	sld [smem:$0x3FAE]  }
0x2a: {  	p0 =	seq.s32 s5, $0x0;
	s5 =	sld [smem:$0x3FAF]  }
0x2b: {  	s6 =	sld [smem:$0x3FB0]  }
0x2c: {  	s7 =	sld [smem:$0x3FB1]  }
0x2d: {  	s3 =	simm.s32 $0x108;
	s8 =	sld [smem:$0x3FB2]  }
0x2e: {  	s3 =	simm.s32 @!p0 $0x1082;
	s9 =	sld [smem:$0x3FB3]  }
0x2f: {  	lr =	sadd.s32 s0, s3;
	s0 =	sld [smem:$0x3FAA]  }
0x30: {  	s3 =	sld [smem:$0x3FAD]  }
0x31: {  	[smem:$0x3FB6] =	sst s10  }
0x32: {  	s10 =	sld [smem:$0x3FB4];
	_ =	sdelay $0x3  }
0x33: {  	p0 =	seq.s32 s10, $0x1;
	s10 =	sld [smem:$0x3FB6];
	_ =	sdelay $0x3  }
0x34: {  	[smem:$0x3FB6] =	sst s10  }
0x35: {  	s10 =	sld [smem:$0x3FB5];
	_ =	sdelay $0x3  }
0x36: {  	p1 =	seq.s32 s10, $0x1;
	s10 =	sld [smem:$0x3FB6];
	_ =	sdelay $0x3  }
0x37: {  	[smem:$0x3FB6] =	sst s10  }
0x38: {  	s10 =	sld [smem:$0x3FB7]  }
0x39: {  	_ = 	snop;
	(pc) =	sbr.ind lr, $3  }
0x3a: {  	_ = 	snop  }
0x3b: {  	_ = 	snop  }
0x3c: {  	p2 =	seq.s32 s10, $0x1;
	s10 =	sld [smem:$0x3FB6]  }
0x3d: {  	_ =	shalt  }
0x3e: {  	_ =	shalt  }
0x3f: {  	_ =	shalt  }
0x40: {  	_ =	shalt  }
0x41: {  	_ =	shalt  }
0x42: {  	_ =	shalt  }
0x43: {  	_ =	shalt  }
0x44: {  	_ =	shalt  }
0x45: {  	_ =	shalt  }
0x46: {  	_ =	shalt  }
0x47: {  	_ =	shalt  }
0x48: {  	_ =	shalt  }
0x49: {  	_ =	shalt  }
0x4a: {  	_ =	shalt  }
0x4b: {  	_ =	shalt  }
0x4c: {  	_ =	shalt  }
0x4d: {  	_ =	shalt  }
0x4e: {  	_ =	shalt  }
0x4f: {  	_ =	shalt  }
0x50: {  	_ =	shalt  }
0x51: {  	_ =	shalt  }
0x52: {  	_ =	shalt  }
0x53: {  	_ =	shalt  }
0x54: {  	_ =	shalt  }
0x55: {  	_ =	shalt  }
0x56: {  	_ =	shalt  }
0x57: {  	_ =	shalt  }
0x58: {  	_ =	shalt  }
0x59: {  	_ =	shalt  }
0x5a: {  	_ =	shalt  }
0x5b: {  	_ =	shalt  }
0x5c: {  	_ =	shalt  }
0x5d: {  	_ =	shalt  }
0x5e: {  	_ =	shalt  }
0x5f: {  	_ =	shalt  }
0x60: {  	_ =	shalt  }
0x61: {  	_ =	shalt  }
0x62: {  	_ =	shalt  }
0x63: {  	_ =	shalt  }
0x64: {  	_ =	shalt  }
0x65: {  	_ =	shalt  }
0x66: {  	_ =	shalt  }
0x67: {  	_ =	shalt  }
0x68: {  	_ =	shalt  }
0x69: {  	_ =	shalt  }
0x6a: {  	_ =	shalt  }
0x6b: {  	_ =	shalt  }
0x6c: {  	_ =	shalt  }
0x6d: {  	_ =	shalt  }
0x6e: {  	_ =	shalt  }
0x6f: {  	_ =	shalt  }
0x70: {  	_ =	shalt  }
0x71: {  	_ =	shalt  }
0x72: {  	_ =	shalt  }
0x73: {  	_ =	shalt  }
0x74: {  	_ =	shalt  }
0x75: {  	_ =	shalt  }
0x76: {  	_ =	shalt  }
0x77: {  	_ =	shalt  }
0x78: {  	_ =	shalt  }
0x79: {  	_ =	shalt  }
0x7a: {  	_ =	shalt  }
0x7b: {  	_ =	shalt  }
0x7c: {  	_ =	shalt  }
0x7d: {  	_ =	shalt  }
0x7e: {  	_ =	shalt  }
0x7f: {  	_ =	shalt  }
0x80: {  	_ =	shalt  }
0x81: {  	_ =	shalt  }
0x82: {  	_ =	shalt  }
0x83: {  	_ =	shalt  }
0x84: {  	_ =	shalt  }
0x85: {  	_ =	shalt  }
0x86: {  	_ =	shalt  }
0x87: {  	_ =	shalt  }
.Lfunc_end0:
.L_simem_size_0:
called_computation.4_lowered:
.L_overlay_start_0:
0x88: {  	s2 =	sld [smem:$0x3FD9]  }
0x89: {  	s3 =	sld [smem:$0x3FFE];
	_ =	sdelay $0x1  }
0x8a: {  	s1 =	srdreg.scid  }
0x8b: {  	s0 =	sand.u32 $0x1, s1  }
0x8c: {  	s17 =	sshll.u32 s0, $0xA;
	s2 =	sadd.s32 s3, s2  }
0x8d: {  	s2 =	sadd.s32 s2, s17  }
0x8e: {  	[smem:$0x3FC2] =	sst s2  }
0x8f: {  	_ = 	snop  }
0x90: {  	s2 =	sld [smem:$0x3FD0];
	(tm) =	ssettm $0x1  }
0x91: {  	s18 =	sld [smem:$0x3FFB];
	_ =	sdelay $0x3  }
0x92: {  	_ =	strace s18  }
0x93: {  	s3 =	sld [smem:$0x3FFC];
	_ =	sdelay $0x3  }
0x94: {  	_ =	strace s3  }
0x95: {  	s3 =	sld [smem:$0x3FFD];
	_ =	sdelay $0x3  }
0x96: {  	_ =	strace s3  }
0x97: {  	_ =	strace $0x8FFFFFFF  }
0x98: {  	s19 =	sld [smem:$0x3FDB];
	_ =	sdelay $0x1  }
0x99: {  	s4 =	simm.s32 $_scs_section_size  }
0x9a: {  	s5 =	simm.s32 $_size__tile_overlayer_lowered;
	s6 =	simm.s32 $_tile_overlayer_lowered  }
0x9b: {  	s22 =	simm.s32 $0x1BFF;
	s21 =	sshll.u32 s6, $0x1;
	s3 =	sadd.s32 s4, s19  }
0x9c: {  	s7 =	simm.s32 $0x0;
	s20 =	sshll.u32 s5, $0x1;
	s5 =	sadd.s32 s21, s3  }
0x9d: {  	[timem:s7], [sflag:s22] =	dma.local [hbm:s5], s20  }
0x9e: {  	_ =	swait.ge [sflag:s22], s20  }
0x9f: {  	s4 =	ssub.s32 $0x0, s20;
	[sflag:s22] =	ssyncset.done $0x0  }
0xa0: {  	[sflag:s22] =	ssyncadd.s32 s4;
	_ =	sdelay $0x1  }
0xa1: {  	s23 =	simm.s32 $0x1B8B  }
0xa2: {  	_ =	swait.ge [sflag:s23], $0x1  }
0xa3: {  	[sflag:s23] =	ssyncset.done $0x0  }
0xa4: {  	s25 =	simm.s32 $0x1B8E;
	s24 =	sld [smem:$0x3FFE];
	[sflag:s23] =	ssyncadd.s32 $0xFFFFFFFF  }
0xa5: {  	s26 =	simm.s32 $execute0_lowered;
	[smem:$0x3FD2] =	sst s25  }
0xa6: {  	s5 =	sshll.u32 s26, $0x1;
	_ =	strace $0x80000052;
	[dreg:$0x1] =	wrdreg $0xFFFFFFFF  }
0xa7: {  	s28 =	simm.s32 $_size_execute0_lowered;
	s3 =	sadd.s32 s3, s5;
	[dreg:$0x0] =	wrdreg $0x0  }
0xa8: {  	s5 =	sshll.u32 s28, $0x1;
	[dreg:$0x2] =	wrdreg s3  }
0xa9: {  	[dreg:$0x3] =	wrdreg s5  }
0xaa: {  	[dreg:$0x4] =	wrdreg $0xC0  }
0xab: {  	_ =	task [dreg:s7], $0x5FFFF  }
0xac: {  	[dreg:$0x1] =	wrdreg $0xFFFFFFFF  }
0xad: {  	[dreg:$0x0] =	wrdreg $0x60  }
0xae: {  	[dreg:$0x2] =	wrdreg s24  }
0xaf: {  	[dreg:$0x3] =	wrdreg s2  }
0xb0: {  	[dreg:$0x4] =	wrdreg $0xA8000  }
0xb1: {  	[dreg:$0x5] =	wrdreg $0x9  }
0xb2: {  	_ =	task.clear_ibuf [dreg:s7], $0x6FFFF;
	_ =	strace $0x90000052  }
0xb3: {  	s29 =	simm.s32 $0x9;
	_ =	strace $0x80000054  }
0xb4: {  	_ =	swait.ge [sflag:s29], $0x1  }
0xb5: {  	[sflag:s29] =	ssyncadd.s32 $0xFFFFFFFF  }
0xb6: {  	_ =	strace $0x90000054  }
0xb7: {  	_ =	sfence  }
0xb8: {  	s30 =	sld [smem:$0x0];
	_ =	sdelay $0x2  }
0xb9: {  	s31 =	sshll.u32 s1, $0xD;
	s1 =	sshrl.u32 s1, $0x2  }
0xba: {  	s3 =	sand.u32 $0x4000, s31;
	s1 =	sadd.s32 s1, s30  }
0xbb: {  	s0 =	sor.u32 s3, s0;
	s1 =	sshll.u32 s1, $0x11  }
0xbc: {  	s0 =	sor.u32 s1, s0  }
0xbd: {  	s0 =	sadd.s32 $0x8F2B, s0  }
0xbe: {  	[sflag:s0] =	ssyncadd.remote.s32 $0x1  }
0xbf: {  	_ =	sfence.sel $0xFFFF  }
0xc0: {  	[dreg:$0x0] =	wrdreg $0xFFFFFFFF;
	(pc) =	sbr.abs _section_cstart, $3  }
0xc1: {  	[dreg:$0x1] =	wrdreg $0xFFFFFFFF  }
0xc2: {  	_ =	task.clear_ibuf [dreg:s7], $0x2FFFF;
	_ =	strace $0x9FFFFFFF  }
0xc3: {  	(tm) =	ssettm $0x7FFFFFFF  }
tec
execute0_lowered:
.L_overlay_start_1:
0x0: {  	(tag) =	ssettag $0x1  }
0x1: {  	s5 =	rddreg [dreg:$0x0]  }
0x2: {  	s7 =	rddreg [dreg:$0x1]  }
0x3: {  	s0 =	srdreg.scid;
	s2 =	rddreg [dreg:$0x2]  }
0x4: {  	s3 =	simm.s32 $0x0;
	s6 =	sand.u32 $0x1, s0;
	s0 =	stileid.u32  }
0x5: {  	s15 =	simm.s32 $0x6800;
	s16 =	simm.s32 $0x1;
	s9 =	smul.u32 $0x280, s0  }
0x6: {  	s17 =	simm.s32 $0x2;
	s18 =	simm.s32 $0x2700;
	s10 =	smul.u32 $0x27800, s6  }
0x7: {  	s19 =	simm.s32 $0x2780;
	[smem:$0x7FF] =	sst s3;
	s11 =	smul.u32 $0x4F000, s0  }
0x8: {  	s1 =	sshll.u32 s6, $0x4;
	s6 =	ssub.s32 $0x2, s6;
	s20 =	smul.u32 $0x2780, s0  }
0x9: {  	s31 =	sshll.u32 s0, $0x6;
	s4 =	sor.u32 s0, s1;
	s1 =	rddreg [dreg:$0x3]  }
0xa: {  	_ =	strace $0x80000053;
	s28 =	sshrl.u32 s6, $0x1;
	s8 =	smul.u32 $0x280, s4  }
0xb: {  	s4 =	sadd.s32 $0x42600, s5;
	s9 =	sadd.s32 s9, s5;
	s12 =	sadd.s32 s10, s5  }
0xc: {  	s13 =	ssub.s32 s6, s28;
	s29 =	sshrl.u32 s11, $0x2;
	s21 =	sadd.s32 s7, s10  }
0xd: {  	s11 =	sor.u32 $0x1C03, s31;
	s6 =	sadd.s32 $0x35E00, s9;
	s14 =	sadd.s32 s29, s2  }
0xe: {  	s30 =	sadd.s32 $0x12CC00, s12;
	s7 =	smax.u32 s13, $0x1;
	s9 =	simm.s32 $0x1400  }
0xf: {  	s13 =	simm.s32 $0x80;
	s8 =	sadd.s32 s8, s5;
	s10 =	sadd.s32 s20, s30  }
0x10: {  	s12 =	sshrl.u32 s14, $0x3;
	s14 =	simm.s32 $0x2800;
	s20 =	sadd.s32 s20, s21  }
0x11: {  	s21 =	simm.s32 $0x0;
	s5 =	sadd.s32 $0x3D600, s8;
	s8 =	simm.s32 $0x3  }
.LBB2_1:
0x12: {  	[tilespmem:s3], [sflag:$0x3] =	stream.linear.gather [hbm4b:s5+s3], $0x1400, $0x38;
	[tilespmem:$0x1E400] =	vst v63  }
0x13: {  	_ =	swait.ge [sflag:s8], $0x1400  }
0x14: {  	[sflag:s8] =	ssyncset.done $0x0  }
0x15: {  	[sflag:s8] =	ssyncadd.s32 $0xFFFFEC00  }
0x16: {  	[tilespmem:s9], [sflag:$0x3] =	stream.linear.gather [hbm4b:s6+s3], $0x1400, $0x38;
	[tilespmem:$0x1E400] =	vst v63  }
0x17: {  	_ =	swait.ge [sflag:s8], $0x1400  }
0x18: {  	[sflag:s8] =	ssyncset.done $0x0  }
0x19: {  	[sflag:s8] =	ssyncadd.s32 $0xFFFFEC00  }
0x1a: {  	[spmem:s12], [sflag:s11] =	dma.local [hbm:s10], $0x2780  }
0x1b: {  	_ =	swait.ge [sflag:s8], $0x2780  }
0x1c: {  	[sflag:s8] =	ssyncset.done $0x0  }
0x1d: {  	[sflag:s8] =	ssyncadd.s32 $0xFFFFD880  }
0x1e: {  	[bflag:$0x0] =	sbarrier.arrive $0xFFFF  }
0x1f: {  	[tilespmem:s14], [sflag:$0x1] =	stream.indirect.gather [hbm4b:s4+s13], $0x80, s3, s13, $0xb8;
	[tilespmem:$0x1E400] =	vst v63  }
0x20: {  	_ = 	snop  }
0x21: {  	[tilespmem:s15], [sflag:$0x2] =	stream.indirect.gather [hbm4b:s4+s13], $0x80, s13, s13, $0xb8;
	[tilespmem:$0x1E400] =	vst v63  }
0x22: {  	_ =	swait.ge [sflag:s16], $0x4000  }
0x23: {  	[sflag:s16] =	ssyncset.done $0x0  }
0x24: {  	s22 =	simm.s32 $0x1400;
	[sflag:s16] =	ssyncadd.s32 $0xFFFFC000  }
0x25: {  	[spmem:s2] =	stream.indirect.scatter.add.f32 [tilespmem:s14], [sflag:$0x3], $0x80, s22, s13, $0xb8;
	[tilespmem:$0x1E400] =	vst v63  }
0x26: {  	_ =	swait.ge [sflag:s8], $0x4000  }
0x27: {  	[sflag:s8] =	ssyncset.done $0x0  }
0x28: {  	s30 =	simm.s32 $0x100;
	[sflag:s8] =	ssyncadd.s32 $0xFFFFC000  }
0x29: {  	[tilespmem:s14], [sflag:$0x1] =	stream.indirect.gather [hbm4b:s4+s13], $0x80, s30, s13, $0xb8;
	[tilespmem:$0x1E400] =	vst v63  }
0x2a: {  	_ =	swait.ge [sflag:s17], $0x4000  }
0x2b: {  	[sflag:s17] =	ssyncset.done $0x0  }
0x2c: {  	s31 =	simm.s32 $0x1480;
	[sflag:s17] =	ssyncadd.s32 $0xFFFFC000  }
0x2d: {  	[spmem:s2] =	stream.indirect.scatter.add.f32 [tilespmem:s15], [sflag:$0x3], $0x80, s31, s13, $0xb8;
	[tilespmem:$0x1E400] =	vst v63  }
0x2e: {  	_ =	swait.ge [sflag:s8], $0x4000  }
0x2f: {  	[sflag:s8] =	ssyncset.done $0x0  }
0x30: {  	s23 =	simm.s32 $0x180;
	s22 =	simm.s32 $0x400;
	[sflag:s8] =	ssyncadd.s32 $0xFFFFC000  }
.LBB2_2:
0x31: {  	[tilespmem:s15], [sflag:$0x2] =	stream.indirect.gather [hbm4b:s4+s13], $0x80, s23, s13, $0xb8;
	[tilespmem:$0x1E400] =	vst v63  }
0x32: {  	s23 =	smov.u32 s22  }
0x33: {  	p0 =	sne.s32 s22, $0x4800;
	s22 =	sadd.s32 $0x400, s22;
	_ =	swait.ge [sflag:s16], $0x4000  }
0x34: {  	s23 =	sshra.s32 s23, $0x2;
	[sflag:s16] =	ssyncset.done $0x0  }
0x35: {  	s24 =	sadd.s32 $0x1400, s23;
	[sflag:s16] =	ssyncadd.s32 $0xFFFFC000  }
0x36: {  	[spmem:s2] =	stream.indirect.scatter.add.f32 [tilespmem:s14], [sflag:$0x3], $0x80, s24, s13, $0xb8;
	[tilespmem:$0x1E400] =	vst v63  }
0x37: {  	_ =	swait.ge [sflag:s8], $0x4000  }
0x38: {  	[sflag:s8] =	ssyncset.done $0x0  }
0x39: {  	s24 =	sadd.s32 $0x100, s23;
	[sflag:s8] =	ssyncadd.s32 $0xFFFFC000  }
0x3a: {  	[tilespmem:s14], [sflag:$0x1] =	stream.indirect.gather [hbm4b:s4+s13], $0x80, s24, s13, $0xb8;
	[tilespmem:$0x1E400] =	vst v63  }
0x3b: {  	_ =	swait.ge [sflag:s17], $0x4000  }
0x3c: {  	[sflag:s17] =	ssyncset.done $0x0  }
.Ltmp0:
0x3d: {  	s24 =	sadd.s32 $0x1480, s23;
	[sflag:s17] =	ssyncadd.s32 $0xFFFFC000;
	(pc) =	sbr.rel @p0 .LBB2_2-.Ltmp0, $4  }
0x3e: {  	[spmem:s2] =	stream.indirect.scatter.add.f32 [tilespmem:s15], [sflag:$0x3], $0x80, s24, s13, $0xb8;
	[tilespmem:$0x1E400] =	vst v63  }
0x3f: {  	_ =	swait.ge [sflag:s8], $0x4000  }
0x40: {  	[sflag:s8] =	ssyncset.done $0x0  }
0x41: {  	s23 =	sadd.s32 $0x180, s23;
	[sflag:s8] =	ssyncadd.s32 $0xFFFFC000  }
0x42: {  	[tilespmem:s15], [sflag:$0x2] =	stream.indirect.gather [hbm4b:s4+s13], $0x80, s23, s13, $0xb8;
	[tilespmem:$0x1E400] =	vst v63  }
0x43: {  	_ =	swait.ge [sflag:s16], $0x4000  }
0x44: {  	[sflag:s16] =	ssyncset.done $0x0  }
0x45: {  	[sflag:s16] =	ssyncadd.s32 $0xFFFFC000  }
0x46: {  	[spmem:s2] =	stream.indirect.scatter.add.f32 [tilespmem:s14], [sflag:$0x3], $0x80, s18, s13, $0xb8;
	[tilespmem:$0x1E400] =	vst v63  }
0x47: {  	_ =	swait.ge [sflag:s8], $0x4000  }
0x48: {  	[sflag:s8] =	ssyncset.done $0x0  }
0x49: {  	[sflag:s8] =	ssyncadd.s32 $0xFFFFC000  }
0x4a: {  	_ =	swait.ge [sflag:s17], $0x4000  }
0x4b: {  	[sflag:s17] =	ssyncset.done $0x0  }
0x4c: {  	[sflag:s17] =	ssyncadd.s32 $0xFFFFC000  }
0x4d: {  	[spmem:s2] =	stream.indirect.scatter.add.f32 [tilespmem:s15], [sflag:$0x3], $0x80, s19, s13, $0xb8;
	[tilespmem:$0x1E400] =	vst v63  }
0x4e: {  	_ =	swait.ge [sflag:s8], $0x4000  }
0x4f: {  	s21 =	sadd.s32 $0x1, s21;
	[sflag:s8] =	ssyncset.done $0x0  }
0x50: {  	p0 =	sne.s32 s21, s7;
	[sflag:s8] =	ssyncadd.s32 $0xFFFFC000  }
.Ltmp1:
0x51: {  	[bflag:$0x0] =	sbarrier.arrive $0xFFFF;
	(pc) =	sbr.rel @p0 .LBB2_1-.Ltmp1, $4  }
0x52: {  	[hbm:s20], [sflag:s11] =	dma.local [spmem:s12], $0x2780  }
0x53: {  	_ =	swait.ge [sflag:s8], $0x2780  }
0x54: {  	[sflag:s8] =	ssyncset.done $0x0  }
0x55: {  	[sflag:s8] =	ssyncadd.s32 $0xFFFFD880  }
0x56: {  	_ =	sfence.sel $0x180000  }
0x57: {  	[bflag:$0x0] =	sbarrier.arrive $0xFFFF  }
0x58: {  	p0 =	sne.s32 s0, $0x0;
	_ =	strace $0x90000053  }
0x59: {  	s0 =	sadd.s32 @!p0 $0x100000, s1;
	[bflag:$0x2] =	sbarrier.arrive $0xFFFF  }
0x5a: {  	[sflag:s0] =	ssyncadd.tile.s32 @!p0 $0x1;
	_ =	shalt  }
.Lfunc_end2:
_tile_overlayer_lowered:
.L_overlay_start_2:
0x5b: {  	(tag) =	ssettag $0x2  }
0x5c: {  	s0 =	rddreg [dreg:$0x0];
	s2 =	stileid.u32  }
0x5d: {  	s1 =	rddreg [dreg:$0x1];
	p0 =	sne.s32 s2, $0x0  }
0x5e: {  	s3 =	rddreg [dreg:$0x2];
	[bflag:$0x3] =	sbarrier.arrive $0xFFFF;
	s2 =	simm.s32 @!p0 $0x1C03  }
0x5f: {  	[timem:s3], [sflag:s2] =	dma.local @!p0 [hbm:s0], s1  }
0x60: {  	s0 =	simm.s32 @!p0 $0x3  }
0x61: {  	_ =	swait.ge @!p0 [sflag:s0], s1  }
0x62: {  	s1 =	ssub.s32 @!p0 $0x0, s1;
	[sflag:s0] =	ssyncset.done @!p0 $0x0  }
0x63: {  	[sflag:s0] =	ssyncadd.s32 @!p0 s1  }
0x64: {  	[bflag:$0x3] =	sbarrier.arrive $0xFFFF  }
0x65: {  	_ =	shalt  }

</sc_bundles>
